<compile_context>
chip_gen: v7x
topology: tpu7x:2x2x1
jax: 0.10.2.dev20260603
libtpu: 0.0.44.dev20260713+nightly
codegen_flags: <defaults>
</compile_context>

<pallas_src>
import jax
import jax.numpy as jnp
from jax import lax
from jax.experimental import pallas as pl
from jax.experimental.pallas import tpu as pltpu
from jax.experimental.pallas import tpu_sc as plsc

N_NODES = 100000
N_GRAPHS = 512
D_OUT = 36
D_PAD = 128
SUB = 128
NW = 32
CHUNK_SUBS = 7
CHUNK = CHUNK_SUBS * SUB
N_FULL = N_NODES // CHUNK
N_CHUNKS = N_FULL + 1
MAX_ITERS = -(-N_CHUNKS // NW)
B2D_ROWS = 782
TAIL_IDX_ROW = B2D_ROWS - CHUNK_SUBS
TAIL_SKIP = N_FULL * CHUNK - TAIL_IDX_ROW * SUB
TAIL_ROWS = N_NODES - N_FULL * CHUNK


def _table_body(ep_ref, out_ref):
    out_ref[...] = jnp.zeros((N_GRAPHS, D_PAD), jnp.float32)
    ep = ep_ref[...]
    for w in range(4):
        out_ref[:, 9 * w:9 * w + 4] = ep


def _build_table(ep):
    return pl.pallas_call(
        _table_body,
        out_shape=jax.ShapeDtypeStruct((N_GRAPHS, D_PAD), jnp.float32),
    )(ep)


def _gather_body(batch2d_hbm, table_hbm, out_hbm, idx_v, rows_v, sem):
    wid = lax.axis_index("s") * 2 + lax.axis_index("c")

    def run_chunk(idx_row):
        pltpu.sync_copy(batch2d_hbm.at[pl.ds(idx_row, CHUNK_SUBS)], idx_v)
        for g0 in range(0, CHUNK_SUBS, 4):
            copies = []
            for j in range(g0, min(g0 + 4, CHUNK_SUBS)):
                copies.append(pltpu.async_copy(
                    table_hbm.at[idx_v.at[j]],
                    rows_v.at[pl.ds(j * SUB, SUB), :], sem))
            for cp in copies:
                cp.wait()

    for k in range(MAX_ITERS):
        c = wid + NW * k

        @pl.when(c < N_FULL)
        def _():
            run_chunk(c * CHUNK_SUBS)
            pltpu.sync_copy(rows_v, out_hbm.at[pl.ds(c * CHUNK, CHUNK), :])

        @pl.when(c == N_FULL)
        def _():
            run_chunk(TAIL_IDX_ROW)
            pltpu.sync_copy(
                rows_v.at[pl.ds(TAIL_SKIP, TAIL_ROWS), :],
                out_hbm.at[pl.ds(N_FULL * CHUNK, TAIL_ROWS), :])


@jax.jit
def _gather(batch2d, table):
    mesh = plsc.VectorSubcoreMesh(core_axis_name="c", subcore_axis_name="s")
    return pl.kernel(
        _gather_body,
        out_type=jax.ShapeDtypeStruct((N_NODES, D_PAD), jnp.float32),
        mesh=mesh,
        scratch_types=[
            pltpu.VMEM((CHUNK_SUBS, SUB), jnp.int32),
            pltpu.VMEM((CHUNK, D_PAD), jnp.float32),
            pltpu.SemaphoreType.DMA,
        ],
        compiler_params=pltpu.CompilerParams(use_tc_tiling_on_sc=False),
    )(batch2d, table)


def kernel(batch, positions, external_potential):
    table = _build_table(external_potential.astype(jnp.float32))
    batch2d = jnp.pad(batch.astype(jnp.int32),
                      (0, B2D_ROWS * SUB - N_NODES)).reshape(B2D_ROWS, SUB)
    return _gather(batch2d, table)[:, :D_OUT]

# --- scband reference (transcript-rebuilt; emitter-appended) ---
"""Pipeline reference for scband-displaced-gtoexternal-field-block-53506702574011 (READ-ONLY COPY).

The authoritative reference and input builder live on the scoring server;
editing this copy changes nothing except your own understanding.
"""

import jax, jax.numpy as jnp
import numpy as np

MAX_L = 2
NUM_WIDTHS = 4
N_NODES = 100000
N_GRAPHS = 512

def setup_inputs(seed: int = 0) -> dict:
    key = jax.random.key(seed)
    k1, k2, k3 = jax.random.split(key, 3)
    batch = jnp.sort(jax.random.randint(k1, (N_NODES,), 0, N_GRAPHS))
    positions = jax.random.normal(k2, (N_NODES, 3), dtype=jnp.float32)
    external_potential = jax.random.normal(k3, (N_GRAPHS, 4), dtype=jnp.float32)
    return {"batch": batch, "positions": positions, "external_potential": external_potential}

def reference(batch, positions, external_potential):
    n_nodes = positions.shape[0]
    mu_E = jnp.take(external_potential, batch, axis=0)
    E = mu_E[:, 1:4]
    blocks = []
    for _ in range(NUM_WIDTHS):
        if MAX_L >= 0:
            blocks.append(mu_E[:, 0:1])
        if MAX_L >= 1:
            blocks.append(E)
        for l in range(2, MAX_L + 1):
            blocks.append(jnp.zeros((n_nodes, 2 * l + 1), dtype=positions.dtype))
    if len(blocks) > 0:
        return jnp.concatenate(blocks, axis=-1)
    return jnp.zeros((n_nodes, 0), dtype=positions.dtype)

if __name__ == "__main__":
    import jax
    _d = setup_inputs()
    print(jax.jit(kernel)(*tuple(_d.values())))

</pallas_src>

<mosaic_0001>
#map = affine_map<(d0, d1) -> (0, 0)>
module attributes {stable_mosaic.version = 14 : i64} {
  func.func @_gather_body(%arg0: i32, %arg1: i32, %arg2: memref<782x128xi32, #tpu.memory_space<hbm>>, %arg3: memref<512x128xf32, #tpu.memory_space<hbm>>, %arg4: memref<100000x128xf32, #tpu.memory_space<hbm>>, %arg5: memref<7x128xi32, #tpu.memory_space<vmem>>, %arg6: memref<896x128xf32, #tpu.memory_space<vmem>>, %arg7: memref<!tpu.dma_semaphore, #tpu.memory_space<semaphore_mem>>) attributes {dimension_semantics = [#tpu.dimension_semantics<core_parallel>, #tpu.dimension_semantics<subcore_parallel>], iteration_bounds = array<i64: 2, 16>, scalar_prefetch = 0 : i64, scratch_operands = 3 : i64, tpu.core_type = #tpu.core_type<sc_vector_subcore>, window_params = [{transform_indices = #map}, {transform_indices = #map}, {transform_indices = #map}]} {
    %mul3A = arith.constant 2 : i32
    %mul3A_0 = arith.muli %arg1, %mul3A : i32
    %add3A = arith.addi %mul3A_0, %arg0 : i32
    %add3A_1 = arith.constant 0 : i32
    %add3A_2 = arith.addi %add3A, %add3A_1 : i32
    %lt3A = arith.constant 111 : i32
    %lt3A_3 = arith.cmpi slt, %add3A_2, %lt3A : i32
    %convert_element_type3A = arith.extui %lt3A_3 : i1 to i32
    %cond3A = arith.constant 0 : i32
    %cond3A_4 = arith.cmpi ne, %convert_element_type3A, %cond3A : i32
    scf.if %cond3A_4 {
      %mul3A_45 = arith.constant 7 : i32
      %mul3A_46 = arith.muli %add3A_2, %mul3A_45 : i32
      "tpu.region"() ({
        %run_scoped3A = tpu.sem_alloc : memref<!tpu.dma_semaphore, #tpu.memory_space<semaphore_mem>>
        %dma_start3A_187 = arith.constant 0 : i32
        %dma_start3A_188 = tpu.memref_slice %arg2[%mul3A_46, %dma_start3A_187] : memref<782x128xi32, #tpu.memory_space<hbm>> -> memref<7x128xi32, #tpu.memory_space<hbm>>
        %dma_start3A_189 = arith.constant 0 : i32
        %dma_start3A_190 = tpu.memref_slice %arg2[%mul3A_46, %dma_start3A_189] : memref<782x128xi32, #tpu.memory_space<hbm>> -> memref<7x128xi32, #tpu.memory_space<hbm>>
        tpu.enqueue_dma source(%dma_start3A_190 : memref<7x128xi32, #tpu.memory_space<hbm>>) target(%arg5 : memref<7x128xi32, #tpu.memory_space<vmem>>) target_semaphore(%run_scoped3A : memref<!tpu.dma_semaphore, #tpu.memory_space<semaphore_mem>>)
        %dma_wait3A_191 = arith.constant 0 : i32
        %dma_wait3A_192 = tpu.memref_slice %arg2[%mul3A_46, %dma_wait3A_191] : memref<782x128xi32, #tpu.memory_space<hbm>> -> memref<7x128xi32, #tpu.memory_space<hbm>>
        %dma_wait3A_193 = arith.constant 0 : i32
        %dma_wait3A_194 = tpu.memref_slice %arg2[%mul3A_46, %dma_wait3A_193] : memref<782x128xi32, #tpu.memory_space<hbm>> -> memref<7x128xi32, #tpu.memory_space<hbm>>
        tpu.wait_dma2 semaphore(%run_scoped3A : memref<!tpu.dma_semaphore, #tpu.memory_space<semaphore_mem>>) src(%dma_wait3A_194 : memref<7x128xi32, #tpu.memory_space<hbm>>) dst(%arg5 : memref<7x128xi32, #tpu.memory_space<vmem>>)
        tpu.yield
      }) : () -> ()
      %dma_start3A = arith.constant 0 : i32
      %dma_start3A_47 = arith.constant 0 : i32
      %dma_start3A_48 = arith.constant 0 : i32
      %dma_start3A_49 = tpu.memref_slice %arg6[%dma_start3A_47, %dma_start3A_48] : memref<896x128xf32, #tpu.memory_space<vmem>> -> memref<128x128xf32, #tpu.memory_space<vmem>>
      %dma_start3A_50 = arith.constant 0 : i32
      %dma_start3A_51 = tpu.memref_slice %arg5[%dma_start3A, %dma_start3A_50] : memref<7x128xi32, #tpu.memory_space<vmem>> -> memref<1x128xi32, #tpu.memory_space<vmem>>
      %dma_start3A_52 = tpu.memref_squeeze %dma_start3A_51 : memref<1x128xi32, #tpu.memory_space<vmem>> -> memref<128xi32, #tpu.memory_space<vmem>>
      %dma_start3A_53 = arith.constant 0 : i32
      %dma_start3A_54 = arith.constant 0 : i32
      %dma_start3A_55 = tpu.memref_slice %arg3[%dma_start3A_53, %dma_start3A_54] : memref<512x128xf32, #tpu.memory_space<hbm>> -> memref<512x128xf32, #tpu.memory_space<hbm>>
      tpu.enqueue_indirect_dma source(%dma_start3A_55 : memref<512x128xf32, #tpu.memory_space<hbm>>) target(%dma_start3A_49 : memref<128x128xf32, #tpu.memory_space<vmem>>) offsets(%dma_start3A_52 : memref<128xi32, #tpu.memory_space<vmem>>) semaphore(%arg7 : memref<!tpu.dma_semaphore, #tpu.memory_space<semaphore_mem>>)
      %dma_start3A_56 = arith.constant 1 : i32
      %dma_start3A_57 = arith.constant 128 : i32
      %dma_start3A_58 = arith.constant 0 : i32
      %dma_start3A_59 = tpu.memref_slice %arg6[%dma_start3A_57, %dma_start3A_58] : memref<896x128xf32, #tpu.memory_space<vmem>> -> memref<128x128xf32, #tpu.memory_space<vmem>>
      %dma_start3A_60 = arith.constant 0 : i32
      %dma_start3A_61 = tpu.memref_slice %arg5[%dma_start3A_56, %dma_start3A_60] : memref<7x128xi32, #tpu.memory_space<vmem>> -> memref<1x128xi32, #tpu.memory_space<vmem>>
      %dma_start3A_62 = tpu.memref_squeeze %dma_start3A_61 : memref<1x128xi32, #tpu.memory_space<vmem>> -> memref<128xi32, #tpu.memory_space<vmem>>
      %dma_start3A_63 = arith.constant 0 : i32
      %dma_start3A_64 = arith.constant 0 : i32
      %dma_start3A_65 = tpu.memref_slice %arg3[%dma_start3A_63, %dma_start3A_64] : memref<512x128xf32, #tpu.memory_space<hbm>> -> memref<512x128xf32, #tpu.memory_space<hbm>>
      tpu.enqueue_indirect_dma source(%dma_start3A_65 : memref<512x128xf32, #tpu.memory_space<hbm>>) target(%dma_start3A_59 : memref<128x128xf32, #tpu.memory_space<vmem>>) offsets(%dma_start3A_62 : memref<128xi32, #tpu.memory_space<vmem>>) semaphore(%arg7 : memref<!tpu.dma_semaphore, #tpu.memory_space<semaphore_mem>>)
      %dma_start3A_66 = arith.constant 2 : i32
      %dma_start3A_67 = arith.constant 256 : i32
      %dma_start3A_68 = arith.constant 0 : i32
      %dma_start3A_69 = tpu.memref_slice %arg6[%dma_start3A_67, %dma_start3A_68] : memref<896x128xf32, #tpu.memory_space<vmem>> -> memref<128x128xf32, #tpu.memory_space<vmem>>
      %dma_start3A_70 = arith.constant 0 : i32
      %dma_start3A_71 = tpu.memref_slice %arg5[%dma_start3A_66, %dma_start3A_70] : memref<7x128xi32, #tpu.memory_space<vmem>> -> memref<1x128xi32, #tpu.memory_space<vmem>>
      %dma_start3A_72 = tpu.memref_squeeze %dma_start3A_71 : memref<1x128xi32, #tpu.memory_space<vmem>> -> memref<128xi32, #tpu.memory_space<vmem>>
      %dma_start3A_73 = arith.constant 0 : i32
      %dma_start3A_74 = arith.constant 0 : i32
      %dma_start3A_75 = tpu.memref_slice %arg3[%dma_start3A_73, %dma_start3A_74] : memref<512x128xf32, #tpu.memory_space<hbm>> -> memref<512x128xf32, #tpu.memory_space<hbm>>
      tpu.enqueue_indirect_dma source(%dma_start3A_75 : memref<512x128xf32, #tpu.memory_space<hbm>>) target(%dma_start3A_69 : memref<128x128xf32, #tpu.memory_space<vmem>>) offsets(%dma_start3A_72 : memref<128xi32, #tpu.memory_space<vmem>>) semaphore(%arg7 : memref<!tpu.dma_semaphore, #tpu.memory_space<semaphore_mem>>)
      %dma_start3A_76 = arith.constant 3 : i32
      %dma_start3A_77 = arith.constant 384 : i32
      %dma_start3A_78 = arith.constant 0 : i32
      %dma_start3A_79 = tpu.memref_slice %arg6[%dma_start3A_77, %dma_start3A_78] : memref<896x128xf32, #tpu.memory_space<vmem>> -> memref<128x128xf32, #tpu.memory_space<vmem>>
      %dma_start3A_80 = arith.constant 0 : i32
      %dma_start3A_81 = tpu.memref_slice %arg5[%dma_start3A_76, %dma_start3A_80] : memref<7x128xi32, #tpu.memory_space<vmem>> -> memref<1x128xi32, #tpu.memory_space<vmem>>
      %dma_start3A_82 = tpu.memref_squeeze %dma_start3A_81 : memref<1x128xi32, #tpu.memory_space<vmem>> -> memref<128xi32, #tpu.memory_space<vmem>>
      %dma_start3A_83 = arith.constant 0 : i32
      %dma_start3A_84 = arith.constant 0 : i32
      %dma_start3A_85 = tpu.memref_slice %arg3[%dma_start3A_83, %dma_start3A_84] : memref<512x128xf32, #tpu.memory_space<hbm>> -> memref<512x128xf32, #tpu.memory_space<hbm>>
      tpu.enqueue_indirect_dma source(%dma_start3A_85 : memref<512x128xf32, #tpu.memory_space<hbm>>) target(%dma_start3A_79 : memref<128x128xf32, #tpu.memory_space<vmem>>) offsets(%dma_start3A_82 : memref<128xi32, #tpu.memory_space<vmem>>) semaphore(%arg7 : memref<!tpu.dma_semaphore, #tpu.memory_space<semaphore_mem>>)
      %dma_wait3A = arith.constant 0 : i32
      %dma_wait3A_86 = arith.constant 0 : i32
      %dma_wait3A_87 = arith.constant 0 : i32
      %dma_wait3A_88 = tpu.memref_slice %arg6[%dma_wait3A_86, %dma_wait3A_87] : memref<896x128xf32, #tpu.memory_space<vmem>> -> memref<128x128xf32, #tpu.memory_space<vmem>>
      %dma_wait3A_89 = arith.constant 0 : i32
      %dma_wait3A_90 = tpu.memref_slice %arg5[%dma_wait3A, %dma_wait3A_89] : memref<7x128xi32, #tpu.memory_space<vmem>> -> memref<1x128xi32, #tpu.memory_space<vmem>>
      %dma_wait3A_91 = tpu.memref_squeeze %dma_wait3A_90 : memref<1x128xi32, #tpu.memory_space<vmem>> -> memref<128xi32, #tpu.memory_space<vmem>>
      %dma_wait3A_92 = arith.constant 0 : i32
      %dma_wait3A_93 = arith.constant 0 : i32
      %dma_wait3A_94 = tpu.memref_slice %arg3[%dma_wait3A_92, %dma_wait3A_93] : memref<512x128xf32, #tpu.memory_space<hbm>> -> memref<512x128xf32, #tpu.memory_space<hbm>>
      tpu.wait_indirect_dma semaphore(%arg7 : memref<!tpu.dma_semaphore, #tpu.memory_space<semaphore_mem>>) src(%dma_wait3A_94 : memref<512x128xf32, #tpu.memory_space<hbm>>) dst(%dma_wait3A_88 : memref<128x128xf32, #tpu.memory_space<vmem>>)
      %dma_wait3A_95 = arith.constant 1 : i32
      %dma_wait3A_96 = arith.constant 128 : i32
      %dma_wait3A_97 = arith.constant 0 : i32
      %dma_wait3A_98 = tpu.memref_slice %arg6[%dma_wait3A_96, %dma_wait3A_97] : memref<896x128xf32, #tpu.memory_space<vmem>> -> memref<128x128xf32, #tpu.memory_space<vmem>>
      %dma_wait3A_99 = arith.constant 0 : i32
      %dma_wait3A_100 = tpu.memref_slice %arg5[%dma_wait3A_95, %dma_wait3A_99] : memref<7x128xi32, #tpu.memory_space<vmem>> -> memref<1x128xi32, #tpu.memory_space<vmem>>
      %dma_wait3A_101 = tpu.memref_squeeze %dma_wait3A_100 : memref<1x128xi32, #tpu.memory_space<vmem>> -> memref<128xi32, #tpu.memory_space<vmem>>
      %dma_wait3A_102 = arith.constant 0 : i32
      %dma_wait3A_103 = arith.constant 0 : i32
      %dma_wait3A_104 = tpu.memref_slice %arg3[%dma_wait3A_102, %dma_wait3A_103] : memref<512x128xf32, #tpu.memory_space<hbm>> -> memref<512x128xf32, #tpu.memory_space<hbm>>
      tpu.wait_indirect_dma semaphore(%arg7 : memref<!tpu.dma_semaphore, #tpu.memory_space<semaphore_mem>>) src(%dma_wait3A_104 : memref<512x128xf32, #tpu.memory_space<hbm>>) dst(%dma_wait3A_98 : memref<128x128xf32, #tpu.memory_space<vmem>>)
      %dma_wait3A_105 = arith.constant 2 : i32
      %dma_wait3A_106 = arith.constant 256 : i32
      %dma_wait3A_107 = arith.constant 0 : i32
      %dma_wait3A_108 = tpu.memref_slice %arg6[%dma_wait3A_106, %dma_wait3A_107] : memref<896x128xf32, #tpu.memory_space<vmem>> -> memref<128x128xf32, #tpu.memory_space<vmem>>
      %dma_wait3A_109 = arith.constant 0 : i32
      %dma_wait3A_110 = tpu.memref_slice %arg5[%dma_wait3A_105, %dma_wait3A_109] : memref<7x128xi32, #tpu.memory_space<vmem>> -> memref<1x128xi32, #tpu.memory_space<vmem>>
      %dma_wait3A_111 = tpu.memref_squeeze %dma_wait3A_110 : memref<1x128xi32, #tpu.memory_space<vmem>> -> memref<128xi32, #tpu.memory_space<vmem>>
      %dma_wait3A_112 = arith.constant 0 : i32
      %dma_wait3A_113 = arith.constant 0 : i32
      %dma_wait3A_114 = tpu.memref_slice %arg3[%dma_wait3A_112, %dma_wait3A_113] : memref<512x128xf32, #tpu.memory_space<hbm>> -> memref<512x128xf32, #tpu.memory_space<hbm>>
      tpu.wait_indirect_dma semaphore(%arg7 : memref<!tpu.dma_semaphore, #tpu.memory_space<semaphore_mem>>) src(%dma_wait3A_114 : memref<512x128xf32, #tpu.memory_space<hbm>>) dst(%dma_wait3A_108 : memref<128x128xf32, #tpu.memory_space<vmem>>)
      %dma_wait3A_115 = arith.constant 3 : i32
      %dma_wait3A_116 = arith.constant 384 : i32
      %dma_wait3A_117 = arith.constant 0 : i32
      %dma_wait3A_118 = tpu.memref_slice %arg6[%dma_wait3A_116, %dma_wait3A_117] : memref<896x128xf32, #tpu.memory_space<vmem>> -> memref<128x128xf32, #tpu.memory_space<vmem>>
      %dma_wait3A_119 = arith.constant 0 : i32
      %dma_wait3A_120 = tpu.memref_slice %arg5[%dma_wait3A_115, %dma_wait3A_119] : memref<7x128xi32, #tpu.memory_space<vmem>> -> memref<1x128xi32, #tpu.memory_space<vmem>>
      %dma_wait3A_121 = tpu.memref_squeeze %dma_wait3A_120 : memref<1x128xi32, #tpu.memory_space<vmem>> -> memref<128xi32, #tpu.memory_space<vmem>>
      %dma_wait3A_122 = arith.constant 0 : i32
      %dma_wait3A_123 = arith.constant 0 : i32
      %dma_wait3A_124 = tpu.memref_slice %arg3[%dma_wait3A_122, %dma_wait3A_123] : memref<512x128xf32, #tpu.memory_space<hbm>> -> memref<512x128xf32, #tpu.memory_space<hbm>>
      tpu.wait_indirect_dma semaphore(%arg7 : memref<!tpu.dma_semaphore, #tpu.memory_space<semaphore_mem>>) src(%dma_wait3A_124 : memref<512x128xf32, #tpu.memory_space<hbm>>) dst(%dma_wait3A_118 : memref<128x128xf32, #tpu.memory_space<vmem>>)
      %dma_start3A_125 = arith.constant 4 : i32
      %dma_start3A_126 = arith.constant 512 : i32
      %dma_start3A_127 = arith.constant 0 : i32
      %dma_start3A_128 = tpu.memref_slice %arg6[%dma_start3A_126, %dma_start3A_127] : memref<896x128xf32, #tpu.memory_space<vmem>> -> memref<128x128xf32, #tpu.memory_space<vmem>>
      %dma_start3A_129 = arith.constant 0 : i32
      %dma_start3A_130 = tpu.memref_slice %arg5[%dma_start3A_125, %dma_start3A_129] : memref<7x128xi32, #tpu.memory_space<vmem>> -> memref<1x128xi32, #tpu.memory_space<vmem>>
      %dma_start3A_131 = tpu.memref_squeeze %dma_start3A_130 : memref<1x128xi32, #tpu.memory_space<vmem>> -> memref<128xi32, #tpu.memory_space<vmem>>
      %dma_start3A_132 = arith.constant 0 : i32
      %dma_start3A_133 = arith.constant 0 : i32
      %dma_start3A_134 = tpu.memref_slice %arg3[%dma_start3A_132, %dma_start3A_133] : memref<512x128xf32, #tpu.memory_space<hbm>> -> memref<512x128xf32, #tpu.memory_space<hbm>>
      tpu.enqueue_indirect_dma source(%dma_start3A_134 : memref<512x128xf32, #tpu.memory_space<hbm>>) target(%dma_start3A_128 : memref<128x128xf32, #tpu.memory_space<vmem>>) offsets(%dma_start3A_131 : memref<128xi32, #tpu.memory_space<vmem>>) semaphore(%arg7 : memref<!tpu.dma_semaphore, #tpu.memory_space<semaphore_mem>>)
      %dma_start3A_135 = arith.constant 5 : i32
      %dma_start3A_136 = arith.constant 640 : i32
      %dma_start3A_137 = arith.constant 0 : i32
      %dma_start3A_138 = tpu.memref_slice %arg6[%dma_start3A_136, %dma_start3A_137] : memref<896x128xf32, #tpu.memory_space<vmem>> -> memref<128x128xf32, #tpu.memory_space<vmem>>
      %dma_start3A_139 = arith.constant 0 : i32
      %dma_start3A_140 = tpu.memref_slice %arg5[%dma_start3A_135, %dma_start3A_139] : memref<7x128xi32, #tpu.memory_space<vmem>> -> memref<1x128xi32, #tpu.memory_space<vmem>>
      %dma_start3A_141 = tpu.memref_squeeze %dma_start3A_140 : memref<1x128xi32, #tpu.memory_space<vmem>> -> memref<128xi32, #tpu.memory_space<vmem>>
      %dma_start3A_142 = arith.constant 0 : i32
      %dma_start3A_143 = arith.constant 0 : i32
      %dma_start3A_144 = tpu.memref_slice %arg3[%dma_start3A_142, %dma_start3A_143] : memref<512x128xf32, #tpu.memory_space<hbm>> -> memref<512x128xf32, #tpu.memory_space<hbm>>
      tpu.enqueue_indirect_dma source(%dma_start3A_144 : memref<512x128xf32, #tpu.memory_space<hbm>>) target(%dma_start3A_138 : memref<128x128xf32, #tpu.memory_space<vmem>>) offsets(%dma_start3A_141 : memref<128xi32, #tpu.memory_space<vmem>>) semaphore(%arg7 : memref<!tpu.dma_semaphore, #tpu.memory_space<semaphore_mem>>)
      %dma_start3A_145 = arith.constant 6 : i32
      %dma_start3A_146 = arith.constant 768 : i32
      %dma_start3A_147 = arith.constant 0 : i32
      %dma_start3A_148 = tpu.memref_slice %arg6[%dma_start3A_146, %dma_start3A_147] : memref<896x128xf32, #tpu.memory_space<vmem>> -> memref<128x128xf32, #tpu.memory_space<vmem>>
      %dma_start3A_149 = arith.constant 0 : i32
      %dma_start3A_150 = tpu.memref_slice %arg5[%dma_start3A_145, %dma_start3A_149] : memref<7x128xi32, #tpu.memory_space<vmem>> -> memref<1x128xi32, #tpu.memory_space<vmem>>
      %dma_start3A_151 = tpu.memref_squeeze %dma_start3A_150 : memref<1x128xi32, #tpu.memory_space<vmem>> -> memref<128xi32, #tpu.memory_space<vmem>>
      %dma_start3A_152 = arith.constant 0 : i32
      %dma_start3A_153 = arith.constant 0 : i32
      %dma_start3A_154 = tpu.memref_slice %arg3[%dma_start3A_152, %dma_start3A_153] : memref<512x128xf32, #tpu.memory_space<hbm>> -> memref<512x128xf32, #tpu.memory_space<hbm>>
      tpu.enqueue_indirect_dma source(%dma_start3A_154 : memref<512x128xf32, #tpu.memory_space<hbm>>) target(%dma_start3A_148 : memref<128x128xf32, #tpu.memory_space<vmem>>) offsets(%dma_start3A_151 : memref<128xi32, #tpu.memory_space<vmem>>) semaphore(%arg7 : memref<!tpu.dma_semaphore, #tpu.memory_space<semaphore_mem>>)
      %dma_wait3A_155 = arith.constant 4 : i32
      %dma_wait3A_156 = arith.constant 512 : i32
      %dma_wait3A_157 = arith.constant 0 : i32
      %dma_wait3A_158 = tpu.memref_slice %arg6[%dma_wait3A_156, %dma_wait3A_157] : memref<896x128xf32, #tpu.memory_space<vmem>> -> memref<128x128xf32, #tpu.memory_space<vmem>>
      %dma_wait3A_159 = arith.constant 0 : i32
      %dma_wait3A_160 = tpu.memref_slice %arg5[%dma_wait3A_155, %dma_wait3A_159] : memref<7x128xi32, #tpu.memory_space<vmem>> -> memref<1x128xi32, #tpu.memory_space<vmem>>
      %dma_wait3A_161 = tpu.memref_squeeze %dma_wait3A_160 : memref<1x128xi32, #tpu.memory_space<vmem>> -> memref<128xi32, #tpu.memory_space<vmem>>
      %dma_wait3A_162 = arith.constant 0 : i32
      %dma_wait3A_163 = arith.constant 0 : i32
      %dma_wait3A_164 = tpu.memref_slice %arg3[%dma_wait3A_162, %dma_wait3A_163] : memref<512x128xf32, #tpu.memory_space<hbm>> -> memref<512x128xf32, #tpu.memory_space<hbm>>
      tpu.wait_indirect_dma semaphore(%arg7 : memref<!tpu.dma_semaphore, #tpu.memory_space<semaphore_mem>>) src(%dma_wait3A_164 : memref<512x128xf32, #tpu.memory_space<hbm>>) dst(%dma_wait3A_158 : memref<128x128xf32, #tpu.memory_space<vmem>>)
      %dma_wait3A_165 = arith.constant 5 : i32
      %dma_wait3A_166 = arith.constant 640 : i32
      %dma_wait3A_167 = arith.constant 0 : i32
      %dma_wait3A_168 = tpu.memref_slice %arg6[%dma_wait3A_166, %dma_wait3A_167] : memref<896x128xf32, #tpu.memory_space<vmem>> -> memref<128x128xf32, #tpu.memory_space<vmem>>
      %dma_wait3A_169 = arith.constant 0 : i32
      %dma_wait3A_170 = tpu.memref_slice %arg5[%dma_wait3A_165, %dma_wait3A_169] : memref<7x128xi32, #tpu.memory_space<vmem>> -> memref<1x128xi32, #tpu.memory_space<vmem>>
      %dma_wait3A_171 = tpu.memref_squeeze %dma_wait3A_170 : memref<1x128xi32, #tpu.memory_space<vmem>> -> memref<128xi32, #tpu.memory_space<vmem>>
      %dma_wait3A_172 = arith.constant 0 : i32
      %dma_wait3A_173 = arith.constant 0 : i32
      %dma_wait3A_174 = tpu.memref_slice %arg3[%dma_wait3A_172, %dma_wait3A_173] : memref<512x128xf32, #tpu.memory_space<hbm>> -> memref<512x128xf32, #tpu.memory_space<hbm>>
      tpu.wait_indirect_dma semaphore(%arg7 : memref<!tpu.dma_semaphore, #tpu.memory_space<semaphore_mem>>) src(%dma_wait3A_174 : memref<512x128xf32, #tpu.memory_space<hbm>>) dst(%dma_wait3A_168 : memref<128x128xf32, #tpu.memory_space<vmem>>)
      %dma_wait3A_175 = arith.constant 6 : i32
      %dma_wait3A_176 = arith.constant 768 : i32
      %dma_wait3A_177 = arith.constant 0 : i32
      %dma_wait3A_178 = tpu.memref_slice %arg6[%dma_wait3A_176, %dma_wait3A_177] : memref<896x128xf32, #tpu.memory_space<vmem>> -> memref<128x128xf32, #tpu.memory_space<vmem>>
      %dma_wait3A_179 = arith.constant 0 : i32
      %dma_wait3A_180 = tpu.memref_slice %arg5[%dma_wait3A_175, %dma_wait3A_179] : memref<7x128xi32, #tpu.memory_space<vmem>> -> memref<1x128xi32, #tpu.memory_space<vmem>>
      %dma_wait3A_181 = tpu.memref_squeeze %dma_wait3A_180 : memref<1x128xi32, #tpu.memory_space<vmem>> -> memref<128xi32, #tpu.memory_space<vmem>>
      %dma_wait3A_182 = arith.constant 0 : i32
      %dma_wait3A_183 = arith.constant 0 : i32
      %dma_wait3A_184 = tpu.memref_slice %arg3[%dma_wait3A_182, %dma_wait3A_183] : memref<512x128xf32, #tpu.memory_space<hbm>> -> memref<512x128xf32, #tpu.memory_space<hbm>>
      tpu.wait_indirect_dma semaphore(%arg7 : memref<!tpu.dma_semaphore, #tpu.memory_space<semaphore_mem>>) src(%dma_wait3A_184 : memref<512x128xf32, #tpu.memory_space<hbm>>) dst(%dma_wait3A_178 : memref<128x128xf32, #tpu.memory_space<vmem>>)
      %mul3A_185 = arith.constant 896 : i32
      %mul3A_186 = arith.muli %add3A_2, %mul3A_185 : i32
      "tpu.region"() ({
        %run_scoped3A = tpu.sem_alloc : memref<!tpu.dma_semaphore, #tpu.memory_space<semaphore_mem>>
        %dma_start3A_187 = arith.constant 0 : i32
        %dma_start3A_188 = tpu.memref_slice %arg4[%mul3A_186, %dma_start3A_187] : memref<100000x128xf32, #tpu.memory_space<hbm>> -> memref<896x128xf32, #tpu.memory_space<hbm>>
        %dma_start3A_189 = arith.constant 0 : i32
        %dma_start3A_190 = tpu.memref_slice %arg4[%mul3A_186, %dma_start3A_189] : memref<100000x128xf32, #tpu.memory_space<hbm>> -> memref<896x128xf32, #tpu.memory_space<hbm>>
        tpu.enqueue_dma source(%arg6 : memref<896x128xf32, #tpu.memory_space<vmem>>) target(%dma_start3A_190 : memref<896x128xf32, #tpu.memory_space<hbm>>) target_semaphore(%run_scoped3A : memref<!tpu.dma_semaphore, #tpu.memory_space<semaphore_mem>>)
        %dma_wait3A_191 = arith.constant 0 : i32
        %dma_wait3A_192 = tpu.memref_slice %arg4[%mul3A_186, %dma_wait3A_191] : memref<100000x128xf32, #tpu.memory_space<hbm>> -> memref<896x128xf32, #tpu.memory_space<hbm>>
        %dma_wait3A_193 = arith.constant 0 : i32
        %dma_wait3A_194 = tpu.memref_slice %arg4[%mul3A_186, %dma_wait3A_193] : memref<100000x128xf32, #tpu.memory_space<hbm>> -> memref<896x128xf32, #tpu.memory_space<hbm>>
        tpu.wait_dma2 semaphore(%run_scoped3A : memref<!tpu.dma_semaphore, #tpu.memory_space<semaphore_mem>>) src(%arg6 : memref<896x128xf32, #tpu.memory_space<vmem>>) dst(%dma_wait3A_194 : memref<896x128xf32, #tpu.memory_space<hbm>>)
        tpu.yield
      }) : () -> ()
    } else {
    }
    %eq3A = arith.constant 111 : i32
    %eq3A_5 = arith.cmpi eq, %add3A_2, %eq3A : i32
    %convert_element_type3A_6 = arith.extui %eq3A_5 : i1 to i32
    %cond3A_7 = arith.constant 0 : i32
    %cond3A_8 = arith.cmpi ne, %convert_element_type3A_6, %cond3A_7 : i32
    scf.if %cond3A_8 {
      "tpu.region"() ({
        %run_scoped3A = tpu.sem_alloc : memref<!tpu.dma_semaphore, #tpu.memory_space<semaphore_mem>>
        %dma_start3A_183 = arith.constant 775 : i32
        %dma_start3A_184 = arith.constant 0 : i32
        %dma_start3A_185 = tpu.memref_slice %arg2[%dma_start3A_183, %dma_start3A_184] : memref<782x128xi32, #tpu.memory_space<hbm>> -> memref<7x128xi32, #tpu.memory_space<hbm>>
        %dma_start3A_186 = arith.constant 775 : i32
        %dma_start3A_187 = arith.constant 0 : i32
        %dma_start3A_188 = tpu.memref_slice %arg2[%dma_start3A_186, %dma_start3A_187] : memref<782x128xi32, #tpu.memory_space<hbm>> -> memref<7x128xi32, #tpu.memory_space<hbm>>
        tpu.enqueue_dma source(%dma_start3A_188 : memref<7x128xi32, #tpu.memory_space<hbm>>) target(%arg5 : memref<7x128xi32, #tpu.memory_space<vmem>>) target_semaphore(%run_scoped3A : memref<!tpu.dma_semaphore, #tpu.memory_space<semaphore_mem>>)
        %dma_wait3A_189 = arith.constant 775 : i32
        %dma_wait3A_190 = arith.constant 0 : i32
        %dma_wait3A_191 = tpu.memref_slice %arg2[%dma_wait3A_189, %dma_wait3A_190] : memref<782x128xi32, #tpu.memory_space<hbm>> -> memref<7x128xi32, #tpu.memory_space<hbm>>
        %dma_wait3A_192 = arith.constant 775 : i32
        %dma_wait3A_193 = arith.constant 0 : i32
        %dma_wait3A_194 = tpu.memref_slice %arg2[%dma_wait3A_192, %dma_wait3A_193] : memref<782x128xi32, #tpu.memory_space<hbm>> -> memref<7x128xi32, #tpu.memory_space<hbm>>
        tpu.wait_dma2 semaphore(%run_scoped3A : memref<!tpu.dma_semaphore, #tpu.memory_space<semaphore_mem>>) src(%dma_wait3A_194 : memref<7x128xi32, #tpu.memory_space<hbm>>) dst(%arg5 : memref<7x128xi32, #tpu.memory_space<vmem>>)
        tpu.yield
      }) : () -> ()
      %dma_start3A = arith.constant 0 : i32
      %dma_start3A_45 = arith.constant 0 : i32
      %dma_start3A_46 = arith.constant 0 : i32
      %dma_start3A_47 = tpu.memref_slice %arg6[%dma_start3A_45, %dma_start3A_46] : memref<896x128xf32, #tpu.memory_space<vmem>> -> memref<128x128xf32, #tpu.memory_space<vmem>>
      %dma_start3A_48 = arith.constant 0 : i32
      %dma_start3A_49 = tpu.memref_slice %arg5[%dma_start3A, %dma_start3A_48] : memref<7x128xi32, #tpu.memory_space<vmem>> -> memref<1x128xi32, #tpu.memory_space<vmem>>
      %dma_start3A_50 = tpu.memref_squeeze %dma_start3A_49 : memref<1x128xi32, #tpu.memory_space<vmem>> -> memref<128xi32, #tpu.memory_space<vmem>>
      %dma_start3A_51 = arith.constant 0 : i32
      %dma_start3A_52 = arith.constant 0 : i32
      %dma_start3A_53 = tpu.memref_slice %arg3[%dma_start3A_51, %dma_start3A_52] : memref<512x128xf32, #tpu.memory_space<hbm>> -> memref<512x128xf32, #tpu.memory_space<hbm>>
      tpu.enqueue_indirect_dma source(%dma_start3A_53 : memref<512x128xf32, #tpu.memory_space<hbm>>) target(%dma_start3A_47 : memref<128x128xf32, #tpu.memory_space<vmem>>) offsets(%dma_start3A_50 : memref<128xi32, #tpu.memory_space<vmem>>) semaphore(%arg7 : memref<!tpu.dma_semaphore, #tpu.memory_space<semaphore_mem>>)
      %dma_start3A_54 = arith.constant 1 : i32
      %dma_start3A_55 = arith.constant 128 : i32
      %dma_start3A_56 = arith.constant 0 : i32
      %dma_start3A_57 = tpu.memref_slice %arg6[%dma_start3A_55, %dma_start3A_56] : memref<896x128xf32, #tpu.memory_space<vmem>> -> memref<128x128xf32, #tpu.memory_space<vmem>>
      %dma_start3A_58 = arith.constant 0 : i32
      %dma_start3A_59 = tpu.memref_slice %arg5[%dma_start3A_54, %dma_start3A_58] : memref<7x128xi32, #tpu.memory_space<vmem>> -> memref<1x128xi32, #tpu.memory_space<vmem>>
      %dma_start3A_60 = tpu.memref_squeeze %dma_start3A_59 : memref<1x128xi32, #tpu.memory_space<vmem>> -> memref<128xi32, #tpu.memory_space<vmem>>
      %dma_start3A_61 = arith.constant 0 : i32
      %dma_start3A_62 = arith.constant 0 : i32
      %dma_start3A_63 = tpu.memref_slice %arg3[%dma_start3A_61, %dma_start3A_62] : memref<512x128xf32, #tpu.memory_space<hbm>> -> memref<512x128xf32, #tpu.memory_space<hbm>>
      tpu.enqueue_indirect_dma source(%dma_start3A_63 : memref<512x128xf32, #tpu.memory_space<hbm>>) target(%dma_start3A_57 : memref<128x128xf32, #tpu.memory_space<vmem>>) offsets(%dma_start3A_60 : memref<128xi32, #tpu.memory_space<vmem>>) semaphore(%arg7 : memref<!tpu.dma_semaphore, #tpu.memory_space<semaphore_mem>>)
      %dma_start3A_64 = arith.constant 2 : i32
      %dma_start3A_65 = arith.constant 256 : i32
      %dma_start3A_66 = arith.constant 0 : i32
      %dma_start3A_67 = tpu.memref_slice %arg6[%dma_start3A_65, %dma_start3A_66] : memref<896x128xf32, #tpu.memory_space<vmem>> -> memref<128x128xf32, #tpu.memory_space<vmem>>
      %dma_start3A_68 = arith.constant 0 : i32
      %dma_start3A_69 = tpu.memref_slice %arg5[%dma_start3A_64, %dma_start3A_68] : memref<7x128xi32, #tpu.memory_space<vmem>> -> memref<1x128xi32, #tpu.memory_space<vmem>>
      %dma_start3A_70 = tpu.memref_squeeze %dma_start3A_69 : memref<1x128xi32, #tpu.memory_space<vmem>> -> memref<128xi32, #tpu.memory_space<vmem>>
      %dma_start3A_71 = arith.constant 0 : i32
      %dma_start3A_72 = arith.constant 0 : i32
      %dma_start3A_73 = tpu.memref_slice %arg3[%dma_start3A_71, %dma_start3A_72] : memref<512x128xf32, #tpu.memory_space<hbm>> -> memref<512x128xf32, #tpu.memory_space<hbm>>
      tpu.enqueue_indirect_dma source(%dma_start3A_73 : memref<512x128xf32, #tpu.memory_space<hbm>>) target(%dma_start3A_67 : memref<128x128xf32, #tpu.memory_space<vmem>>) offsets(%dma_start3A_70 : memref<128xi32, #tpu.memory_space<vmem>>) semaphore(%arg7 : memref<!tpu.dma_semaphore, #tpu.memory_space<semaphore_mem>>)
      %dma_start3A_74 = arith.constant 3 : i32
      %dma_start3A_75 = arith.constant 384 : i32
      %dma_start3A_76 = arith.constant 0 : i32
      %dma_start3A_77 = tpu.memref_slice %arg6[%dma_start3A_75, %dma_start3A_76] : memref<896x128xf32, #tpu.memory_space<vmem>> -> memref<128x128xf32, #tpu.memory_space<vmem>>
      %dma_start3A_78 = arith.constant 0 : i32
      %dma_start3A_79 = tpu.memref_slice %arg5[%dma_start3A_74, %dma_start3A_78] : memref<7x128xi32, #tpu.memory_space<vmem>> -> memref<1x128xi32, #tpu.memory_space<vmem>>
      %dma_start3A_80 = tpu.memref_squeeze %dma_start3A_79 : memref<1x128xi32, #tpu.memory_space<vmem>> -> memref<128xi32, #tpu.memory_space<vmem>>
      %dma_start3A_81 = arith.constant 0 : i32
      %dma_start3A_82 = arith.constant 0 : i32
      %dma_start3A_83 = tpu.memref_slice %arg3[%dma_start3A_81, %dma_start3A_82] : memref<512x128xf32, #tpu.memory_space<hbm>> -> memref<512x128xf32, #tpu.memory_space<hbm>>
      tpu.enqueue_indirect_dma source(%dma_start3A_83 : memref<512x128xf32, #tpu.memory_space<hbm>>) target(%dma_start3A_77 : memref<128x128xf32, #tpu.memory_space<vmem>>) offsets(%dma_start3A_80 : memref<128xi32, #tpu.memory_space<vmem>>) semaphore(%arg7 : memref<!tpu.dma_semaphore, #tpu.memory_space<semaphore_mem>>)
      %dma_wait3A = arith.constant 0 : i32
      %dma_wait3A_84 = arith.constant 0 : i32
      %dma_wait3A_85 = arith.constant 0 : i32
      %dma_wait3A_86 = tpu.memref_slice %arg6[%dma_wait3A_84, %dma_wait3A_85] : memref<896x128xf32, #tpu.memory_space<vmem>> -> memref<128x128xf32, #tpu.memory_space<vmem>>
      %dma_wait3A_87 = arith.constant 0 : i32
      %dma_wait3A_88 = tpu.memref_slice %arg5[%dma_wait3A, %dma_wait3A_87] : memref<7x128xi32, #tpu.memory_space<vmem>> -> memref<1x128xi32, #tpu.memory_space<vmem>>
      %dma_wait3A_89 = tpu.memref_squeeze %dma_wait3A_88 : memref<1x128xi32, #tpu.memory_space<vmem>> -> memref<128xi32, #tpu.memory_space<vmem>>
      %dma_wait3A_90 = arith.constant 0 : i32
      %dma_wait3A_91 = arith.constant 0 : i32
      %dma_wait3A_92 = tpu.memref_slice %arg3[%dma_wait3A_90, %dma_wait3A_91] : memref<512x128xf32, #tpu.memory_space<hbm>> -> memref<512x128xf32, #tpu.memory_space<hbm>>
      tpu.wait_indirect_dma semaphore(%arg7 : memref<!tpu.dma_semaphore, #tpu.memory_space<semaphore_mem>>) src(%dma_wait3A_92 : memref<512x128xf32, #tpu.memory_space<hbm>>) dst(%dma_wait3A_86 : memref<128x128xf32, #tpu.memory_space<vmem>>)
      %dma_wait3A_93 = arith.constant 1 : i32
      %dma_wait3A_94 = arith.constant 128 : i32
      %dma_wait3A_95 = arith.constant 0 : i32
      %dma_wait3A_96 = tpu.memref_slice %arg6[%dma_wait3A_94, %dma_wait3A_95] : memref<896x128xf32, #tpu.memory_space<vmem>> -> memref<128x128xf32, #tpu.memory_space<vmem>>
      %dma_wait3A_97 = arith.constant 0 : i32
      %dma_wait3A_98 = tpu.memref_slice %arg5[%dma_wait3A_93, %dma_wait3A_97] : memref<7x128xi32, #tpu.memory_space<vmem>> -> memref<1x128xi32, #tpu.memory_space<vmem>>
      %dma_wait3A_99 = tpu.memref_squeeze %dma_wait3A_98 : memref<1x128xi32, #tpu.memory_space<vmem>> -> memref<128xi32, #tpu.memory_space<vmem>>
      %dma_wait3A_100 = arith.constant 0 : i32
      %dma_wait3A_101 = arith.constant 0 : i32
      %dma_wait3A_102 = tpu.memref_slice %arg3[%dma_wait3A_100, %dma_wait3A_101] : memref<512x128xf32, #tpu.memory_space<hbm>> -> memref<512x128xf32, #tpu.memory_space<hbm>>
      tpu.wait_indirect_dma semaphore(%arg7 : memref<!tpu.dma_semaphore, #tpu.memory_space<semaphore_mem>>) src(%dma_wait3A_102 : memref<512x128xf32, #tpu.memory_space<hbm>>) dst(%dma_wait3A_96 : memref<128x128xf32, #tpu.memory_space<vmem>>)
      %dma_wait3A_103 = arith.constant 2 : i32
      %dma_wait3A_104 = arith.constant 256 : i32
      %dma_wait3A_105 = arith.constant 0 : i32
      %dma_wait3A_106 = tpu.memref_slice %arg6[%dma_wait3A_104, %dma_wait3A_105] : memref<896x128xf32, #tpu.memory_space<vmem>> -> memref<128x128xf32, #tpu.memory_space<vmem>>
      %dma_wait3A_107 = arith.constant 0 : i32
      %dma_wait3A_108 = tpu.memref_slice %arg5[%dma_wait3A_103, %dma_wait3A_107] : memref<7x128xi32, #tpu.memory_space<vmem>> -> memref<1x128xi32, #tpu.memory_space<vmem>>
      %dma_wait3A_109 = tpu.memref_squeeze %dma_wait3A_108 : memref<1x128xi32, #tpu.memory_space<vmem>> -> memref<128xi32, #tpu.memory_space<vmem>>
      %dma_wait3A_110 = arith.constant 0 : i32
      %dma_wait3A_111 = arith.constant 0 : i32
      %dma_wait3A_112 = tpu.memref_slice %arg3[%dma_wait3A_110, %dma_wait3A_111] : memref<512x128xf32, #tpu.memory_space<hbm>> -> memref<512x128xf32, #tpu.memory_space<hbm>>
      tpu.wait_indirect_dma semaphore(%arg7 : memref<!tpu.dma_semaphore, #tpu.memory_space<semaphore_mem>>) src(%dma_wait3A_112 : memref<512x128xf32, #tpu.memory_space<hbm>>) dst(%dma_wait3A_106 : memref<128x128xf32, #tpu.memory_space<vmem>>)
      %dma_wait3A_113 = arith.constant 3 : i32
      %dma_wait3A_114 = arith.constant 384 : i32
      %dma_wait3A_115 = arith.constant 0 : i32
      %dma_wait3A_116 = tpu.memref_slice %arg6[%dma_wait3A_114, %dma_wait3A_115] : memref<896x128xf32, #tpu.memory_space<vmem>> -> memref<128x128xf32, #tpu.memory_space<vmem>>
      %dma_wait3A_117 = arith.constant 0 : i32
      %dma_wait3A_118 = tpu.memref_slice %arg5[%dma_wait3A_113, %dma_wait3A_117] : memref<7x128xi32, #tpu.memory_space<vmem>> -> memref<1x128xi32, #tpu.memory_space<vmem>>
      %dma_wait3A_119 = tpu.memref_squeeze %dma_wait3A_118 : memref<1x128xi32, #tpu.memory_space<vmem>> -> memref<128xi32, #tpu.memory_space<vmem>>
      %dma_wait3A_120 = arith.constant 0 : i32
      %dma_wait3A_121 = arith.constant 0 : i32
      %dma_wait3A_122 = tpu.memref_slice %arg3[%dma_wait3A_120, %dma_wait3A_121] : memref<512x128xf32, #tpu.memory_space<hbm>> -> memref<512x128xf32, #tpu.memory_space<hbm>>
      tpu.wait_indirect_dma semaphore(%arg7 : memref<!tpu.dma_semaphore, #tpu.memory_space<semaphore_mem>>) src(%dma_wait3A_122 : memref<512x128xf32, #tpu.memory_space<hbm>>) dst(%dma_wait3A_116 : memref<128x128xf32, #tpu.memory_space<vmem>>)
      %dma_start3A_123 = arith.constant 4 : i32
      %dma_start3A_124 = arith.constant 512 : i32
      %dma_start3A_125 = arith.constant 0 : i32
      %dma_start3A_126 = tpu.memref_slice %arg6[%dma_start3A_124, %dma_start3A_125] : memref<896x128xf32, #tpu.memory_space<vmem>> -> memref<128x128xf32, #tpu.memory_space<vmem>>
      %dma_start3A_127 = arith.constant 0 : i32
      %dma_start3A_128 = tpu.memref_slice %arg5[%dma_start3A_123, %dma_start3A_127] : memref<7x128xi32, #tpu.memory_space<vmem>> -> memref<1x128xi32, #tpu.memory_space<vmem>>
      %dma_start3A_129 = tpu.memref_squeeze %dma_start3A_128 : memref<1x128xi32, #tpu.memory_space<vmem>> -> memref<128xi32, #tpu.memory_space<vmem>>
      %dma_start3A_130 = arith.constant 0 : i32
      %dma_start3A_131 = arith.constant 0 : i32
      %dma_start3A_132 = tpu.memref_slice %arg3[%dma_start3A_130, %dma_start3A_131] : memref<512x128xf32, #tpu.memory_space<hbm>> -> memref<512x128xf32, #tpu.memory_space<hbm>>
      tpu.enqueue_indirect_dma source(%dma_start3A_132 : memref<512x128xf32, #tpu.memory_space<hbm>>) target(%dma_start3A_126 : memref<128x128xf32, #tpu.memory_space<vmem>>) offsets(%dma_start3A_129 : memref<128xi32, #tpu.memory_space<vmem>>) semaphore(%arg7 : memref<!tpu.dma_semaphore, #tpu.memory_space<semaphore_mem>>)
      %dma_start3A_133 = arith.constant 5 : i32
      %dma_start3A_134 = arith.constant 640 : i32
      %dma_start3A_135 = arith.constant 0 : i32
      %dma_start3A_136 = tpu.memref_slice %arg6[%dma_start3A_134, %dma_start3A_135] : memref<896x128xf32, #tpu.memory_space<vmem>> -> memref<128x128xf32, #tpu.memory_space<vmem>>
      %dma_start3A_137 = arith.constant 0 : i32
      %dma_start3A_138 = tpu.memref_slice %arg5[%dma_start3A_133, %dma_start3A_137] : memref<7x128xi32, #tpu.memory_space<vmem>> -> memref<1x128xi32, #tpu.memory_space<vmem>>
      %dma_start3A_139 = tpu.memref_squeeze %dma_start3A_138 : memref<1x128xi32, #tpu.memory_space<vmem>> -> memref<128xi32, #tpu.memory_space<vmem>>
      %dma_start3A_140 = arith.constant 0 : i32
      %dma_start3A_141 = arith.constant 0 : i32
      %dma_start3A_142 = tpu.memref_slice %arg3[%dma_start3A_140, %dma_start3A_141] : memref<512x128xf32, #tpu.memory_space<hbm>> -> memref<512x128xf32, #tpu.memory_space<hbm>>
      tpu.enqueue_indirect_dma source(%dma_start3A_142 : memref<512x128xf32, #tpu.memory_space<hbm>>) target(%dma_start3A_136 : memref<128x128xf32, #tpu.memory_space<vmem>>) offsets(%dma_start3A_139 : memref<128xi32, #tpu.memory_space<vmem>>) semaphore(%arg7 : memref<!tpu.dma_semaphore, #tpu.memory_space<semaphore_mem>>)
      %dma_start3A_143 = arith.constant 6 : i32
      %dma_start3A_144 = arith.constant 768 : i32
      %dma_start3A_145 = arith.constant 0 : i32
      %dma_start3A_146 = tpu.memref_slice %arg6[%dma_start3A_144, %dma_start3A_145] : memref<896x128xf32, #tpu.memory_space<vmem>> -> memref<128x128xf32, #tpu.memory_space<vmem>>
      %dma_start3A_147 = arith.constant 0 : i32
      %dma_start3A_148 = tpu.memref_slice %arg5[%dma_start3A_143, %dma_start3A_147] : memref<7x128xi32, #tpu.memory_space<vmem>> -> memref<1x128xi32, #tpu.memory_space<vmem>>
      %dma_start3A_149 = tpu.memref_squeeze %dma_start3A_148 : memref<1x128xi32, #tpu.memory_space<vmem>> -> memref<128xi32, #tpu.memory_space<vmem>>
      %dma_start3A_150 = arith.constant 0 : i32
      %dma_start3A_151 = arith.constant 0 : i32
      %dma_start3A_152 = tpu.memref_slice %arg3[%dma_start3A_150, %dma_start3A_151] : memref<512x128xf32, #tpu.memory_space<hbm>> -> memref<512x128xf32, #tpu.memory_space<hbm>>
      tpu.enqueue_indirect_dma source(%dma_start3A_152 : memref<512x128xf32, #tpu.memory_space<hbm>>) target(%dma_start3A_146 : memref<128x128xf32, #tpu.memory_space<vmem>>) offsets(%dma_start3A_149 : memref<128xi32, #tpu.memory_space<vmem>>) semaphore(%arg7 : memref<!tpu.dma_semaphore, #tpu.memory_space<semaphore_mem>>)
      %dma_wait3A_153 = arith.constant 4 : i32
      %dma_wait3A_154 = arith.constant 512 : i32
      %dma_wait3A_155 = arith.constant 0 : i32
      %dma_wait3A_156 = tpu.memref_slice %arg6[%dma_wait3A_154, %dma_wait3A_155] : memref<896x128xf32, #tpu.memory_space<vmem>> -> memref<128x128xf32, #tpu.memory_space<vmem>>
      %dma_wait3A_157 = arith.constant 0 : i32
      %dma_wait3A_158 = tpu.memref_slice %arg5[%dma_wait3A_153, %dma_wait3A_157] : memref<7x128xi32, #tpu.memory_space<vmem>> -> memref<1x128xi32, #tpu.memory_space<vmem>>
      %dma_wait3A_159 = tpu.memref_squeeze %dma_wait3A_158 : memref<1x128xi32, #tpu.memory_space<vmem>> -> memref<128xi32, #tpu.memory_space<vmem>>
      %dma_wait3A_160 = arith.constant 0 : i32
      %dma_wait3A_161 = arith.constant 0 : i32
      %dma_wait3A_162 = tpu.memref_slice %arg3[%dma_wait3A_160, %dma_wait3A_161] : memref<512x128xf32, #tpu.memory_space<hbm>> -> memref<512x128xf32, #tpu.memory_space<hbm>>
      tpu.wait_indirect_dma semaphore(%arg7 : memref<!tpu.dma_semaphore, #tpu.memory_space<semaphore_mem>>) src(%dma_wait3A_162 : memref<512x128xf32, #tpu.memory_space<hbm>>) dst(%dma_wait3A_156 : memref<128x128xf32, #tpu.memory_space<vmem>>)
      %dma_wait3A_163 = arith.constant 5 : i32
      %dma_wait3A_164 = arith.constant 640 : i32
      %dma_wait3A_165 = arith.constant 0 : i32
      %dma_wait3A_166 = tpu.memref_slice %arg6[%dma_wait3A_164, %dma_wait3A_165] : memref<896x128xf32, #tpu.memory_space<vmem>> -> memref<128x128xf32, #tpu.memory_space<vmem>>
      %dma_wait3A_167 = arith.constant 0 : i32
      %dma_wait3A_168 = tpu.memref_slice %arg5[%dma_wait3A_163, %dma_wait3A_167] : memref<7x128xi32, #tpu.memory_space<vmem>> -> memref<1x128xi32, #tpu.memory_space<vmem>>
      %dma_wait3A_169 = tpu.memref_squeeze %dma_wait3A_168 : memref<1x128xi32, #tpu.memory_space<vmem>> -> memref<128xi32, #tpu.memory_space<vmem>>
      %dma_wait3A_170 = arith.constant 0 : i32
      %dma_wait3A_171 = arith.constant 0 : i32
      %dma_wait3A_172 = tpu.memref_slice %arg3[%dma_wait3A_170, %dma_wait3A_171] : memref<512x128xf32, #tpu.memory_space<hbm>> -> memref<512x128xf32, #tpu.memory_space<hbm>>
      tpu.wait_indirect_dma semaphore(%arg7 : memref<!tpu.dma_semaphore, #tpu.memory_space<semaphore_mem>>) src(%dma_wait3A_172 : memref<512x128xf32, #tpu.memory_space<hbm>>) dst(%dma_wait3A_166 : memref<128x128xf32, #tpu.memory_space<vmem>>)
      %dma_wait3A_173 = arith.constant 6 : i32
      %dma_wait3A_174 = arith.constant 768 : i32
      %dma_wait3A_175 = arith.constant 0 : i32
      %dma_wait3A_176 = tpu.memref_slice %arg6[%dma_wait3A_174, %dma_wait3A_175] : memref<896x128xf32, #tpu.memory_space<vmem>> -> memref<128x128xf32, #tpu.memory_space<vmem>>
      %dma_wait3A_177 = arith.constant 0 : i32
      %dma_wait3A_178 = tpu.memref_slice %arg5[%dma_wait3A_173, %dma_wait3A_177] : memref<7x128xi32, #tpu.memory_space<vmem>> -> memref<1x128xi32, #tpu.memory_space<vmem>>
      %dma_wait3A_179 = tpu.memref_squeeze %dma_wait3A_178 : memref<1x128xi32, #tpu.memory_space<vmem>> -> memref<128xi32, #tpu.memory_space<vmem>>
      %dma_wait3A_180 = arith.constant 0 : i32
      %dma_wait3A_181 = arith.constant 0 : i32
      %dma_wait3A_182 = tpu.memref_slice %arg3[%dma_wait3A_180, %dma_wait3A_181] : memref<512x128xf32, #tpu.memory_space<hbm>> -> memref<512x128xf32, #tpu.memory_space<hbm>>
      tpu.wait_indirect_dma semaphore(%arg7 : memref<!tpu.dma_semaphore, #tpu.memory_space<semaphore_mem>>) src(%dma_wait3A_182 : memref<512x128xf32, #tpu.memory_space<hbm>>) dst(%dma_wait3A_176 : memref<128x128xf32, #tpu.memory_space<vmem>>)
      "tpu.region"() ({
        %run_scoped3A = tpu.sem_alloc : memref<!tpu.dma_semaphore, #tpu.memory_space<semaphore_mem>>
        %dma_start3A_183 = arith.constant 256 : i32
        %dma_start3A_184 = arith.constant 0 : i32
        %dma_start3A_185 = tpu.memref_slice %arg6[%dma_start3A_183, %dma_start3A_184] : memref<896x128xf32, #tpu.memory_space<vmem>> -> memref<544x128xf32, #tpu.memory_space<vmem>>
        %dma_start3A_186 = arith.constant 99456 : i32
        %dma_start3A_187 = arith.constant 0 : i32
        %dma_start3A_188 = tpu.memref_slice %arg4[%dma_start3A_186, %dma_start3A_187] : memref<100000x128xf32, #tpu.memory_space<hbm>> -> memref<544x128xf32, #tpu.memory_space<hbm>>
        %dma_start3A_189 = arith.constant 99456 : i32
        %dma_start3A_190 = arith.constant 0 : i32
        %dma_start3A_191 = tpu.memref_slice %arg4[%dma_start3A_189, %dma_start3A_190] : memref<100000x128xf32, #tpu.memory_space<hbm>> -> memref<544x128xf32, #tpu.memory_space<hbm>>
        %dma_start3A_192 = arith.constant 256 : i32
        %dma_start3A_193 = arith.constant 0 : i32
        %dma_start3A_194 = tpu.memref_slice %arg6[%dma_start3A_192, %dma_start3A_193] : memref<896x128xf32, #tpu.memory_space<vmem>> -> memref<544x128xf32, #tpu.memory_space<vmem>>
        tpu.enqueue_dma source(%dma_start3A_194 : memref<544x128xf32, #tpu.memory_space<vmem>>) target(%dma_start3A_191 : memref<544x128xf32, #tpu.memory_space<hbm>>) target_semaphore(%run_scoped3A : memref<!tpu.dma_semaphore, #tpu.memory_space<semaphore_mem>>)
        %dma_wait3A_195 = arith.constant 256 : i32
        %dma_wait3A_196 = arith.constant 0 : i32
        %dma_wait3A_197 = tpu.memref_slice %arg6[%dma_wait3A_195, %dma_wait3A_196] : memref<896x128xf32, #tpu.memory_space<vmem>> -> memref<544x128xf32, #tpu.memory_space<vmem>>
        %dma_wait3A_198 = arith.constant 99456 : i32
        %dma_wait3A_199 = arith.constant 0 : i32
        %dma_wait3A_200 = tpu.memref_slice %arg4[%dma_wait3A_198, %dma_wait3A_199] : memref<100000x128xf32, #tpu.memory_space<hbm>> -> memref<544x128xf32, #tpu.memory_space<hbm>>
        %dma_wait3A_201 = arith.constant 99456 : i32
        %dma_wait3A_202 = arith.constant 0 : i32
        %dma_wait3A_203 = tpu.memref_slice %arg4[%dma_wait3A_201, %dma_wait3A_202] : memref<100000x128xf32, #tpu.memory_space<hbm>> -> memref<544x128xf32, #tpu.memory_space<hbm>>
        %dma_wait3A_204 = arith.constant 256 : i32
        %dma_wait3A_205 = arith.constant 0 : i32
        %dma_wait3A_206 = tpu.memref_slice %arg6[%dma_wait3A_204, %dma_wait3A_205] : memref<896x128xf32, #tpu.memory_space<vmem>> -> memref<544x128xf32, #tpu.memory_space<vmem>>
        tpu.wait_dma2 semaphore(%run_scoped3A : memref<!tpu.dma_semaphore, #tpu.memory_space<semaphore_mem>>) src(%dma_wait3A_206 : memref<544x128xf32, #tpu.memory_space<vmem>>) dst(%dma_wait3A_203 : memref<544x128xf32, #tpu.memory_space<hbm>>)
        tpu.yield
      }) : () -> ()
    } else {
    }
    %add3A_9 = arith.constant 32 : i32
    %add3A_10 = arith.addi %add3A, %add3A_9 : i32
    %lt3A_11 = arith.constant 111 : i32
    %lt3A_12 = arith.cmpi slt, %add3A_10, %lt3A_11 : i32
    %convert_element_type3A_13 = arith.extui %lt3A_12 : i1 to i32
    %cond3A_14 = arith.constant 0 : i32
    %cond3A_15 = arith.cmpi ne, %convert_element_type3A_13, %cond3A_14 : i32
    scf.if %cond3A_15 {
      %mul3A_45 = arith.constant 7 : i32
      %mul3A_46 = arith.muli %add3A_10, %mul3A_45 : i32
      "tpu.region"() ({
        %run_scoped3A = tpu.sem_alloc : memref<!tpu.dma_semaphore, #tpu.memory_space<semaphore_mem>>
        %dma_start3A_187 = arith.constant 0 : i32
        %dma_start3A_188 = tpu.memref_slice %arg2[%mul3A_46, %dma_start3A_187] : memref<782x128xi32, #tpu.memory_space<hbm>> -> memref<7x128xi32, #tpu.memory_space<hbm>>
        %dma_start3A_189 = arith.constant 0 : i32
        %dma_start3A_190 = tpu.memref_slice %arg2[%mul3A_46, %dma_start3A_189] : memref<782x128xi32, #tpu.memory_space<hbm>> -> memref<7x128xi32, #tpu.memory_space<hbm>>
        tpu.enqueue_dma source(%dma_start3A_190 : memref<7x128xi32, #tpu.memory_space<hbm>>) target(%arg5 : memref<7x128xi32, #tpu.memory_space<vmem>>) target_semaphore(%run_scoped3A : memref<!tpu.dma_semaphore, #tpu.memory_space<semaphore_mem>>)
        %dma_wait3A_191 = arith.constant 0 : i32
        %dma_wait3A_192 = tpu.memref_slice %arg2[%mul3A_46, %dma_wait3A_191] : memref<782x128xi32, #tpu.memory_space<hbm>> -> memref<7x128xi32, #tpu.memory_space<hbm>>
        %dma_wait3A_193 = arith.constant 0 : i32
        %dma_wait3A_194 = tpu.memref_slice %arg2[%mul3A_46, %dma_wait3A_193] : memref<782x128xi32, #tpu.memory_space<hbm>> -> memref<7x128xi32, #tpu.memory_space<hbm>>
        tpu.wait_dma2 semaphore(%run_scoped3A : memref<!tpu.dma_semaphore, #tpu.memory_space<semaphore_mem>>) src(%dma_wait3A_194 : memref<7x128xi32, #tpu.memory_space<hbm>>) dst(%arg5 : memref<7x128xi32, #tpu.memory_space<vmem>>)
        tpu.yield
      }) : () -> ()
      %dma_start3A = arith.constant 0 : i32
      %dma_start3A_47 = arith.constant 0 : i32
      %dma_start3A_48 = arith.constant 0 : i32
      %dma_start3A_49 = tpu.memref_slice %arg6[%dma_start3A_47, %dma_start3A_48] : memref<896x128xf32, #tpu.memory_space<vmem>> -> memref<128x128xf32, #tpu.memory_space<vmem>>
      %dma_start3A_50 = arith.constant 0 : i32
      %dma_start3A_51 = tpu.memref_slice %arg5[%dma_start3A, %dma_start3A_50] : memref<7x128xi32, #tpu.memory_space<vmem>> -> memref<1x128xi32, #tpu.memory_space<vmem>>
      %dma_start3A_52 = tpu.memref_squeeze %dma_start3A_51 : memref<1x128xi32, #tpu.memory_space<vmem>> -> memref<128xi32, #tpu.memory_space<vmem>>
      %dma_start3A_53 = arith.constant 0 : i32
      %dma_start3A_54 = arith.constant 0 : i32
      %dma_start3A_55 = tpu.memref_slice %arg3[%dma_start3A_53, %dma_start3A_54] : memref<512x128xf32, #tpu.memory_space<hbm>> -> memref<512x128xf32, #tpu.memory_space<hbm>>
      tpu.enqueue_indirect_dma source(%dma_start3A_55 : memref<512x128xf32, #tpu.memory_space<hbm>>) target(%dma_start3A_49 : memref<128x128xf32, #tpu.memory_space<vmem>>) offsets(%dma_start3A_52 : memref<128xi32, #tpu.memory_space<vmem>>) semaphore(%arg7 : memref<!tpu.dma_semaphore, #tpu.memory_space<semaphore_mem>>)
      %dma_start3A_56 = arith.constant 1 : i32
      %dma_start3A_57 = arith.constant 128 : i32
      %dma_start3A_58 = arith.constant 0 : i32
      %dma_start3A_59 = tpu.memref_slice %arg6[%dma_start3A_57, %dma_start3A_58] : memref<896x128xf32, #tpu.memory_space<vmem>> -> memref<128x128xf32, #tpu.memory_space<vmem>>
      %dma_start3A_60 = arith.constant 0 : i32
      %dma_start3A_61 = tpu.memref_slice %arg5[%dma_start3A_56, %dma_start3A_60] : memref<7x128xi32, #tpu.memory_space<vmem>> -> memref<1x128xi32, #tpu.memory_space<vmem>>
      %dma_start3A_62 = tpu.memref_squeeze %dma_start3A_61 : memref<1x128xi32, #tpu.memory_space<vmem>> -> memref<128xi32, #tpu.memory_space<vmem>>
      %dma_start3A_63 = arith.constant 0 : i32
      %dma_start3A_64 = arith.constant 0 : i32
      %dma_start3A_65 = tpu.memref_slice %arg3[%dma_start3A_63, %dma_start3A_64] : memref<512x128xf32, #tpu.memory_space<hbm>> -> memref<512x128xf32, #tpu.memory_space<hbm>>
      tpu.enqueue_indirect_dma source(%dma_start3A_65 : memref<512x128xf32, #tpu.memory_space<hbm>>) target(%dma_start3A_59 : memref<128x128xf32, #tpu.memory_space<vmem>>) offsets(%dma_start3A_62 : memref<128xi32, #tpu.memory_space<vmem>>) semaphore(%arg7 : memref<!tpu.dma_semaphore, #tpu.memory_space<semaphore_mem>>)
      %dma_start3A_66 = arith.constant 2 : i32
      %dma_start3A_67 = arith.constant 256 : i32
      %dma_start3A_68 = arith.constant 0 : i32
      %dma_start3A_69 = tpu.memref_slice %arg6[%dma_start3A_67, %dma_start3A_68] : memref<896x128xf32, #tpu.memory_space<vmem>> -> memref<128x128xf32, #tpu.memory_space<vmem>>
      %dma_start3A_70 = arith.constant 0 : i32
      %dma_start3A_71 = tpu.memref_slice %arg5[%dma_start3A_66, %dma_start3A_70] : memref<7x128xi32, #tpu.memory_space<vmem>> -> memref<1x128xi32, #tpu.memory_space<vmem>>
      %dma_start3A_72 = tpu.memref_squeeze %dma_start3A_71 : memref<1x128xi32, #tpu.memory_space<vmem>> -> memref<128xi32, #tpu.memory_space<vmem>>
      %dma_start3A_73 = arith.constant 0 : i32
      %dma_start3A_74 = arith.constant 0 : i32
      %dma_start3A_75 = tpu.memref_slice %arg3[%dma_start3A_73, %dma_start3A_74] : memref<512x128xf32, #tpu.memory_space<hbm>> -> memref<512x128xf32, #tpu.memory_space<hbm>>
      tpu.enqueue_indirect_dma source(%dma_start3A_75 : memref<512x128xf32, #tpu.memory_space<hbm>>) target(%dma_start3A_69 : memref<128x128xf32, #tpu.memory_space<vmem>>) offsets(%dma_start3A_72 : memref<128xi32, #tpu.memory_space<vmem>>) semaphore(%arg7 : memref<!tpu.dma_semaphore, #tpu.memory_space<semaphore_mem>>)
      %dma_start3A_76 = arith.constant 3 : i32
      %dma_start3A_77 = arith.constant 384 : i32
      %dma_start3A_78 = arith.constant 0 : i32
      %dma_start3A_79 = tpu.memref_slice %arg6[%dma_start3A_77, %dma_start3A_78] : memref<896x128xf32, #tpu.memory_space<vmem>> -> memref<128x128xf32, #tpu.memory_space<vmem>>
      %dma_start3A_80 = arith.constant 0 : i32
      %dma_start3A_81 = tpu.memref_slice %arg5[%dma_start3A_76, %dma_start3A_80] : memref<7x128xi32, #tpu.memory_space<vmem>> -> memref<1x128xi32, #tpu.memory_space<vmem>>
      %dma_start3A_82 = tpu.memref_squeeze %dma_start3A_81 : memref<1x128xi32, #tpu.memory_space<vmem>> -> memref<128xi32, #tpu.memory_space<vmem>>
      %dma_start3A_83 = arith.constant 0 : i32
      %dma_start3A_84 = arith.constant 0 : i32
      %dma_start3A_85 = tpu.memref_slice %arg3[%dma_start3A_83, %dma_start3A_84] : memref<512x128xf32, #tpu.memory_space<hbm>> -> memref<512x128xf32, #tpu.memory_space<hbm>>
      tpu.enqueue_indirect_dma source(%dma_start3A_85 : memref<512x128xf32, #tpu.memory_space<hbm>>) target(%dma_start3A_79 : memref<128x128xf32, #tpu.memory_space<vmem>>) offsets(%dma_start3A_82 : memref<128xi32, #tpu.memory_space<vmem>>) semaphore(%arg7 : memref<!tpu.dma_semaphore, #tpu.memory_space<semaphore_mem>>)
      %dma_wait3A = arith.constant 0 : i32
      %dma_wait3A_86 = arith.constant 0 : i32
      %dma_wait3A_87 = arith.constant 0 : i32
      %dma_wait3A_88 = tpu.memref_slice %arg6[%dma_wait3A_86, %dma_wait3A_87] : memref<896x128xf32, #tpu.memory_space<vmem>> -> memref<128x128xf32, #tpu.memory_space<vmem>>
      %dma_wait3A_89 = arith.constant 0 : i32
      %dma_wait3A_90 = tpu.memref_slice %arg5[%dma_wait3A, %dma_wait3A_89] : memref<7x128xi32, #tpu.memory_space<vmem>> -> memref<1x128xi32, #tpu.memory_space<vmem>>
      %dma_wait3A_91 = tpu.memref_squeeze %dma_wait3A_90 : memref<1x128xi32, #tpu.memory_space<vmem>> -> memref<128xi32, #tpu.memory_space<vmem>>
      %dma_wait3A_92 = arith.constant 0 : i32
      %dma_wait3A_93 = arith.constant 0 : i32
      %dma_wait3A_94 = tpu.memref_slice %arg3[%dma_wait3A_92, %dma_wait3A_93] : memref<512x128xf32, #tpu.memory_space<hbm>> -> memref<512x128xf32, #tpu.memory_space<hbm>>
      tpu.wait_indirect_dma semaphore(%arg7 : memref<!tpu.dma_semaphore, #tpu.memory_space<semaphore_mem>>) src(%dma_wait3A_94 : memref<512x128xf32, #tpu.memory_space<hbm>>) dst(%dma_wait3A_88 : memref<128x128xf32, #tpu.memory_space<vmem>>)
      %dma_wait3A_95 = arith.constant 1 : i32
      %dma_wait3A_96 = arith.constant 128 : i32
      %dma_wait3A_97 = arith.constant 0 : i32
      %dma_wait3A_98 = tpu.memref_slice %arg6[%dma_wait3A_96, %dma_wait3A_97] : memref<896x128xf32, #tpu.memory_space<vmem>> -> memref<128x128xf32, #tpu.memory_space<vmem>>
      %dma_wait3A_99 = arith.constant 0 : i32
      %dma_wait3A_100 = tpu.memref_slice %arg5[%dma_wait3A_95, %dma_wait3A_99] : memref<7x128xi32, #tpu.memory_space<vmem>> -> memref<1x128xi32, #tpu.memory_space<vmem>>
      %dma_wait3A_101 = tpu.memref_squeeze %dma_wait3A_100 : memref<1x128xi32, #tpu.memory_space<vmem>> -> memref<128xi32, #tpu.memory_space<vmem>>
      %dma_wait3A_102 = arith.constant 0 : i32
      %dma_wait3A_103 = arith.constant 0 : i32
      %dma_wait3A_104 = tpu.memref_slice %arg3[%dma_wait3A_102, %dma_wait3A_103] : memref<512x128xf32, #tpu.memory_space<hbm>> -> memref<512x128xf32, #tpu.memory_space<hbm>>
      tpu.wait_indirect_dma semaphore(%arg7 : memref<!tpu.dma_semaphore, #tpu.memory_space<semaphore_mem>>) src(%dma_wait3A_104 : memref<512x128xf32, #tpu.memory_space<hbm>>) dst(%dma_wait3A_98 : memref<128x128xf32, #tpu.memory_space<vmem>>)
      %dma_wait3A_105 = arith.constant 2 : i32
      %dma_wait3A_106 = arith.constant 256 : i32
      %dma_wait3A_107 = arith.constant 0 : i32
      %dma_wait3A_108 = tpu.memref_slice %arg6[%dma_wait3A_106, %dma_wait3A_107] : memref<896x128xf32, #tpu.memory_space<vmem>> -> memref<128x128xf32, #tpu.memory_space<vmem>>
      %dma_wait3A_109 = arith.constant 0 : i32
      %dma_wait3A_110 = tpu.memref_slice %arg5[%dma_wait3A_105, %dma_wait3A_109] : memref<7x128xi32, #tpu.memory_space<vmem>> -> memref<1x128xi32, #tpu.memory_space<vmem>>
      %dma_wait3A_111 = tpu.memref_squeeze %dma_wait3A_110 : memref<1x128xi32, #tpu.memory_space<vmem>> -> memref<128xi32, #tpu.memory_space<vmem>>
      %dma_wait3A_112 = arith.constant 0 : i32
      %dma_wait3A_113 = arith.constant 0 : i32
      %dma_wait3A_114 = tpu.memref_slice %arg3[%dma_wait3A_112, %dma_wait3A_113] : memref<512x128xf32, #tpu.memory_space<hbm>> -> memref<512x128xf32, #tpu.memory_space<hbm>>
      tpu.wait_indirect_dma semaphore(%arg7 : memref<!tpu.dma_semaphore, #tpu.memory_space<semaphore_mem>>) src(%dma_wait3A_114 : memref<512x128xf32, #tpu.memory_space<hbm>>) dst(%dma_wait3A_108 : memref<128x128xf32, #tpu.memory_space<vmem>>)
      %dma_wait3A_115 = arith.constant 3 : i32
      %dma_wait3A_116 = arith.constant 384 : i32
      %dma_wait3A_117 = arith.constant 0 : i32
      %dma_wait3A_118 = tpu.memref_slice %arg6[%dma_wait3A_116, %dma_wait3A_117] : memref<896x128xf32, #tpu.memory_space<vmem>> -> memref<128x128xf32, #tpu.memory_space<vmem>>
      %dma_wait3A_119 = arith.constant 0 : i32
      %dma_wait3A_120 = tpu.memref_slice %arg5[%dma_wait3A_115, %dma_wait3A_119] : memref<7x128xi32, #tpu.memory_space<vmem>> -> memref<1x128xi32, #tpu.memory_space<vmem>>
      %dma_wait3A_121 = tpu.memref_squeeze %dma_wait3A_120 : memref<1x128xi32, #tpu.memory_space<vmem>> -> memref<128xi32, #tpu.memory_space<vmem>>
      %dma_wait3A_122 = arith.constant 0 : i32
      %dma_wait3A_123 = arith.constant 0 : i32
      %dma_wait3A_124 = tpu.memref_slice %arg3[%dma_wait3A_122, %dma_wait3A_123] : memref<512x128xf32, #tpu.memory_space<hbm>> -> memref<512x128xf32, #tpu.memory_space<hbm>>
      tpu.wait_indirect_dma semaphore(%arg7 : memref<!tpu.dma_semaphore, #tpu.memory_space<semaphore_mem>>) src(%dma_wait3A_124 : memref<512x128xf32, #tpu.memory_space<hbm>>) dst(%dma_wait3A_118 : memref<128x128xf32, #tpu.memory_space<vmem>>)
      %dma_start3A_125 = arith.constant 4 : i32
      %dma_start3A_126 = arith.constant 512 : i32
      %dma_start3A_127 = arith.constant 0 : i32
      %dma_start3A_128 = tpu.memref_slice %arg6[%dma_start3A_126, %dma_start3A_127] : memref<896x128xf32, #tpu.memory_space<vmem>> -> memref<128x128xf32, #tpu.memory_space<vmem>>
      %dma_start3A_129 = arith.constant 0 : i32
      %dma_start3A_130 = tpu.memref_slice %arg5[%dma_start3A_125, %dma_start3A_129] : memref<7x128xi32, #tpu.memory_space<vmem>> -> memref<1x128xi32, #tpu.memory_space<vmem>>
      %dma_start3A_131 = tpu.memref_squeeze %dma_start3A_130 : memref<1x128xi32, #tpu.memory_space<vmem>> -> memref<128xi32, #tpu.memory_space<vmem>>
      %dma_start3A_132 = arith.constant 0 : i32
      %dma_start3A_133 = arith.constant 0 : i32
      %dma_start3A_134 = tpu.memref_slice %arg3[%dma_start3A_132, %dma_start3A_133] : memref<512x128xf32, #tpu.memory_space<hbm>> -> memref<512x128xf32, #tpu.memory_space<hbm>>
      tpu.enqueue_indirect_dma source(%dma_start3A_134 : memref<512x128xf32, #tpu.memory_space<hbm>>) target(%dma_start3A_128 : memref<128x128xf32, #tpu.memory_space<vmem>>) offsets(%dma_start3A_131 : memref<128xi32, #tpu.memory_space<vmem>>) semaphore(%arg7 : memref<!tpu.dma_semaphore, #tpu.memory_space<semaphore_mem>>)
      %dma_start3A_135 = arith.constant 5 : i32
      %dma_start3A_136 = arith.constant 640 : i32
      %dma_start3A_137 = arith.constant 0 : i32
      %dma_start3A_138 = tpu.memref_slice %arg6[%dma_start3A_136, %dma_start3A_137] : memref<896x128xf32, #tpu.memory_space<vmem>> -> memref<128x128xf32, #tpu.memory_space<vmem>>
      %dma_start3A_139 = arith.constant 0 : i32
      %dma_start3A_140 = tpu.memref_slice %arg5[%dma_start3A_135, %dma_start3A_139] : memref<7x128xi32, #tpu.memory_space<vmem>> -> memref<1x128xi32, #tpu.memory_space<vmem>>
      %dma_start3A_141 = tpu.memref_squeeze %dma_start3A_140 : memref<1x128xi32, #tpu.memory_space<vmem>> -> memref<128xi32, #tpu.memory_space<vmem>>
      %dma_start3A_142 = arith.constant 0 : i32
      %dma_start3A_143 = arith.constant 0 : i32
      %dma_start3A_144 = tpu.memref_slice %arg3[%dma_start3A_142, %dma_start3A_143] : memref<512x128xf32, #tpu.memory_space<hbm>> -> memref<512x128xf32, #tpu.memory_space<hbm>>
      tpu.enqueue_indirect_dma source(%dma_start3A_144 : memref<512x128xf32, #tpu.memory_space<hbm>>) target(%dma_start3A_138 : memref<128x128xf32, #tpu.memory_space<vmem>>) offsets(%dma_start3A_141 : memref<128xi32, #tpu.memory_space<vmem>>) semaphore(%arg7 : memref<!tpu.dma_semaphore, #tpu.memory_space<semaphore_mem>>)
      %dma_start3A_145 = arith.constant 6 : i32
      %dma_start3A_146 = arith.constant 768 : i32
      %dma_start3A_147 = arith.constant 0 : i32
      %dma_start3A_148 = tpu.memref_slice %arg6[%dma_start3A_146, %dma_start3A_147] : memref<896x128xf32, #tpu.memory_space<vmem>> -> memref<128x128xf32, #tpu.memory_space<vmem>>
      %dma_start3A_149 = arith.constant 0 : i32
      %dma_start3A_150 = tpu.memref_slice %arg5[%dma_start3A_145, %dma_start3A_149] : memref<7x128xi32, #tpu.memory_space<vmem>> -> memref<1x128xi32, #tpu.memory_space<vmem>>
      %dma_start3A_151 = tpu.memref_squeeze %dma_start3A_150 : memref<1x128xi32, #tpu.memory_space<vmem>> -> memref<128xi32, #tpu.memory_space<vmem>>
      %dma_start3A_152 = arith.constant 0 : i32
      %dma_start3A_153 = arith.constant 0 : i32
      %dma_start3A_154 = tpu.memref_slice %arg3[%dma_start3A_152, %dma_start3A_153] : memref<512x128xf32, #tpu.memory_space<hbm>> -> memref<512x128xf32, #tpu.memory_space<hbm>>
      tpu.enqueue_indirect_dma source(%dma_start3A_154 : memref<512x128xf32, #tpu.memory_space<hbm>>) target(%dma_start3A_148 : memref<128x128xf32, #tpu.memory_space<vmem>>) offsets(%dma_start3A_151 : memref<128xi32, #tpu.memory_space<vmem>>) semaphore(%arg7 : memref<!tpu.dma_semaphore, #tpu.memory_space<semaphore_mem>>)
      %dma_wait3A_155 = arith.constant 4 : i32
      %dma_wait3A_156 = arith.constant 512 : i32
      %dma_wait3A_157 = arith.constant 0 : i32
      %dma_wait3A_158 = tpu.memref_slice %arg6[%dma_wait3A_156, %dma_wait3A_157] : memref<896x128xf32, #tpu.memory_space<vmem>> -> memref<128x128xf32, #tpu.memory_space<vmem>>
      %dma_wait3A_159 = arith.constant 0 : i32
      %dma_wait3A_160 = tpu.memref_slice %arg5[%dma_wait3A_155, %dma_wait3A_159] : memref<7x128xi32, #tpu.memory_space<vmem>> -> memref<1x128xi32, #tpu.memory_space<vmem>>
      %dma_wait3A_161 = tpu.memref_squeeze %dma_wait3A_160 : memref<1x128xi32, #tpu.memory_space<vmem>> -> memref<128xi32, #tpu.memory_space<vmem>>
      %dma_wait3A_162 = arith.constant 0 : i32
      %dma_wait3A_163 = arith.constant 0 : i32
      %dma_wait3A_164 = tpu.memref_slice %arg3[%dma_wait3A_162, %dma_wait3A_163] : memref<512x128xf32, #tpu.memory_space<hbm>> -> memref<512x128xf32, #tpu.memory_space<hbm>>
      tpu.wait_indirect_dma semaphore(%arg7 : memref<!tpu.dma_semaphore, #tpu.memory_space<semaphore_mem>>) src(%dma_wait3A_164 : memref<512x128xf32, #tpu.memory_space<hbm>>) dst(%dma_wait3A_158 : memref<128x128xf32, #tpu.memory_space<vmem>>)
      %dma_wait3A_165 = arith.constant 5 : i32
      %dma_wait3A_166 = arith.constant 640 : i32
      %dma_wait3A_167 = arith.constant 0 : i32
      %dma_wait3A_168 = tpu.memref_slice %arg6[%dma_wait3A_166, %dma_wait3A_167] : memref<896x128xf32, #tpu.memory_space<vmem>> -> memref<128x128xf32, #tpu.memory_space<vmem>>
      %dma_wait3A_169 = arith.constant 0 : i32
      %dma_wait3A_170 = tpu.memref_slice %arg5[%dma_wait3A_165, %dma_wait3A_169] : memref<7x128xi32, #tpu.memory_space<vmem>> -> memref<1x128xi32, #tpu.memory_space<vmem>>
      %dma_wait3A_171 = tpu.memref_squeeze %dma_wait3A_170 : memref<1x128xi32, #tpu.memory_space<vmem>> -> memref<128xi32, #tpu.memory_space<vmem>>
      %dma_wait3A_172 = arith.constant 0 : i32
      %dma_wait3A_173 = arith.constant 0 : i32
      %dma_wait3A_174 = tpu.memref_slice %arg3[%dma_wait3A_172, %dma_wait3A_173] : memref<512x128xf32, #tpu.memory_space<hbm>> -> memref<512x128xf32, #tpu.memory_space<hbm>>
      tpu.wait_indirect_dma semaphore(%arg7 : memref<!tpu.dma_semaphore, #tpu.memory_space<semaphore_mem>>) src(%dma_wait3A_174 : memref<512x128xf32, #tpu.memory_space<hbm>>) dst(%dma_wait3A_168 : memref<128x128xf32, #tpu.memory_space<vmem>>)
      %dma_wait3A_175 = arith.constant 6 : i32
      %dma_wait3A_176 = arith.constant 768 : i32
      %dma_wait3A_177 = arith.constant 0 : i32
      %dma_wait3A_178 = tpu.memref_slice %arg6[%dma_wait3A_176, %dma_wait3A_177] : memref<896x128xf32, #tpu.memory_space<vmem>> -> memref<128x128xf32, #tpu.memory_space<vmem>>
      %dma_wait3A_179 = arith.constant 0 : i32
      %dma_wait3A_180 = tpu.memref_slice %arg5[%dma_wait3A_175, %dma_wait3A_179] : memref<7x128xi32, #tpu.memory_space<vmem>> -> memref<1x128xi32, #tpu.memory_space<vmem>>
      %dma_wait3A_181 = tpu.memref_squeeze %dma_wait3A_180 : memref<1x128xi32, #tpu.memory_space<vmem>> -> memref<128xi32, #tpu.memory_space<vmem>>
      %dma_wait3A_182 = arith.constant 0 : i32
      %dma_wait3A_183 = arith.constant 0 : i32
      %dma_wait3A_184 = tpu.memref_slice %arg3[%dma_wait3A_182, %dma_wait3A_183] : memref<512x128xf32, #tpu.memory_space<hbm>> -> memref<512x128xf32, #tpu.memory_space<hbm>>
      tpu.wait_indirect_dma semaphore(%arg7 : memref<!tpu.dma_semaphore, #tpu.memory_space<semaphore_mem>>) src(%dma_wait3A_184 : memref<512x128xf32, #tpu.memory_space<hbm>>) dst(%dma_wait3A_178 : memref<128x128xf32, #tpu.memory_space<vmem>>)
      %mul3A_185 = arith.constant 896 : i32
      %mul3A_186 = arith.muli %add3A_10, %mul3A_185 : i32
      "tpu.region"() ({
        %run_scoped3A = tpu.sem_alloc : memref<!tpu.dma_semaphore, #tpu.memory_space<semaphore_mem>>
        %dma_start3A_187 = arith.constant 0 : i32
        %dma_start3A_188 = tpu.memref_slice %arg4[%mul3A_186, %dma_start3A_187] : memref<100000x128xf32, #tpu.memory_space<hbm>> -> memref<896x128xf32, #tpu.memory_space<hbm>>
        %dma_start3A_189 = arith.constant 0 : i32
        %dma_start3A_190 = tpu.memref_slice %arg4[%mul3A_186, %dma_start3A_189] : memref<100000x128xf32, #tpu.memory_space<hbm>> -> memref<896x128xf32, #tpu.memory_space<hbm>>
        tpu.enqueue_dma source(%arg6 : memref<896x128xf32, #tpu.memory_space<vmem>>) target(%dma_start3A_190 : memref<896x128xf32, #tpu.memory_space<hbm>>) target_semaphore(%run_scoped3A : memref<!tpu.dma_semaphore, #tpu.memory_space<semaphore_mem>>)
        %dma_wait3A_191 = arith.constant 0 : i32
        %dma_wait3A_192 = tpu.memref_slice %arg4[%mul3A_186, %dma_wait3A_191] : memref<100000x128xf32, #tpu.memory_space<hbm>> -> memref<896x128xf32, #tpu.memory_space<hbm>>
        %dma_wait3A_193 = arith.constant 0 : i32
        %dma_wait3A_194 = tpu.memref_slice %arg4[%mul3A_186, %dma_wait3A_193] : memref<100000x128xf32, #tpu.memory_space<hbm>> -> memref<896x128xf32, #tpu.memory_space<hbm>>
        tpu.wait_dma2 semaphore(%run_scoped3A : memref<!tpu.dma_semaphore, #tpu.memory_space<semaphore_mem>>) src(%arg6 : memref<896x128xf32, #tpu.memory_space<vmem>>) dst(%dma_wait3A_194 : memref<896x128xf32, #tpu.memory_space<hbm>>)
        tpu.yield
      }) : () -> ()
    } else {
    }
    %eq3A_16 = arith.constant 111 : i32
    %eq3A_17 = arith.cmpi eq, %add3A_10, %eq3A_16 : i32
    %convert_element_type3A_18 = arith.extui %eq3A_17 : i1 to i32
    %cond3A_19 = arith.constant 0 : i32
    %cond3A_20 = arith.cmpi ne, %convert_element_type3A_18, %cond3A_19 : i32
    scf.if %cond3A_20 {
      "tpu.region"() ({
        %run_scoped3A = tpu.sem_alloc : memref<!tpu.dma_semaphore, #tpu.memory_space<semaphore_mem>>
        %dma_start3A_183 = arith.constant 775 : i32
        %dma_start3A_184 = arith.constant 0 : i32
        %dma_start3A_185 = tpu.memref_slice %arg2[%dma_start3A_183, %dma_start3A_184] : memref<782x128xi32, #tpu.memory_space<hbm>> -> memref<7x128xi32, #tpu.memory_space<hbm>>
        %dma_start3A_186 = arith.constant 775 : i32
        %dma_start3A_187 = arith.constant 0 : i32
        %dma_start3A_188 = tpu.memref_slice %arg2[%dma_start3A_186, %dma_start3A_187] : memref<782x128xi32, #tpu.memory_space<hbm>> -> memref<7x128xi32, #tpu.memory_space<hbm>>
        tpu.enqueue_dma source(%dma_start3A_188 : memref<7x128xi32, #tpu.memory_space<hbm>>) target(%arg5 : memref<7x128xi32, #tpu.memory_space<vmem>>) target_semaphore(%run_scoped3A : memref<!tpu.dma_semaphore, #tpu.memory_space<semaphore_mem>>)
        %dma_wait3A_189 = arith.constant 775 : i32
        %dma_wait3A_190 = arith.constant 0 : i32
        %dma_wait3A_191 = tpu.memref_slice %arg2[%dma_wait3A_189, %dma_wait3A_190] : memref<782x128xi32, #tpu.memory_space<hbm>> -> memref<7x128xi32, #tpu.memory_space<hbm>>
        %dma_wait3A_192 = arith.constant 775 : i32
        %dma_wait3A_193 = arith.constant 0 : i32
        %dma_wait3A_194 = tpu.memref_slice %arg2[%dma_wait3A_192, %dma_wait3A_193] : memref<782x128xi32, #tpu.memory_space<hbm>> -> memref<7x128xi32, #tpu.memory_space<hbm>>
        tpu.wait_dma2 semaphore(%run_scoped3A : memref<!tpu.dma_semaphore, #tpu.memory_space<semaphore_mem>>) src(%dma_wait3A_194 : memref<7x128xi32, #tpu.memory_space<hbm>>) dst(%arg5 : memref<7x128xi32, #tpu.memory_space<vmem>>)
        tpu.yield
      }) : () -> ()
      %dma_start3A = arith.constant 0 : i32
      %dma_start3A_45 = arith.constant 0 : i32
      %dma_start3A_46 = arith.constant 0 : i32
      %dma_start3A_47 = tpu.memref_slice %arg6[%dma_start3A_45, %dma_start3A_46] : memref<896x128xf32, #tpu.memory_space<vmem>> -> memref<128x128xf32, #tpu.memory_space<vmem>>
      %dma_start3A_48 = arith.constant 0 : i32
      %dma_start3A_49 = tpu.memref_slice %arg5[%dma_start3A, %dma_start3A_48] : memref<7x128xi32, #tpu.memory_space<vmem>> -> memref<1x128xi32, #tpu.memory_space<vmem>>
      %dma_start3A_50 = tpu.memref_squeeze %dma_start3A_49 : memref<1x128xi32, #tpu.memory_space<vmem>> -> memref<128xi32, #tpu.memory_space<vmem>>
      %dma_start3A_51 = arith.constant 0 : i32
      %dma_start3A_52 = arith.constant 0 : i32
      %dma_start3A_53 = tpu.memref_slice %arg3[%dma_start3A_51, %dma_start3A_52] : memref<512x128xf32, #tpu.memory_space<hbm>> -> memref<512x128xf32, #tpu.memory_space<hbm>>
      tpu.enqueue_indirect_dma source(%dma_start3A_53 : memref<512x128xf32, #tpu.memory_space<hbm>>) target(%dma_start3A_47 : memref<128x128xf32, #tpu.memory_space<vmem>>) offsets(%dma_start3A_50 : memref<128xi32, #tpu.memory_space<vmem>>) semaphore(%arg7 : memref<!tpu.dma_semaphore, #tpu.memory_space<semaphore_mem>>)
      %dma_start3A_54 = arith.constant 1 : i32
      %dma_start3A_55 = arith.constant 128 : i32
      %dma_start3A_56 = arith.constant 0 : i32
      %dma_start3A_57 = tpu.memref_slice %arg6[%dma_start3A_55, %dma_start3A_56] : memref<896x128xf32, #tpu.memory_space<vmem>> -> memref<128x128xf32, #tpu.memory_space<vmem>>
      %dma_start3A_58 = arith.constant 0 : i32
      %dma_start3A_59 = tpu.memref_slice %arg5[%dma_start3A_54, %dma_start3A_58] : memref<7x128xi32, #tpu.memory_space<vmem>> -> memref<1x128xi32, #tpu.memory_space<vmem>>
      %dma_start3A_60 = tpu.memref_squeeze %dma_start3A_59 : memref<1x128xi32, #tpu.memory_space<vmem>> -> memref<128xi32, #tpu.memory_space<vmem>>
      %dma_start3A_61 = arith.constant 0 : i32
      %dma_start3A_62 = arith.constant 0 : i32
      %dma_start3A_63 = tpu.memref_slice %arg3[%dma_start3A_61, %dma_start3A_62] : memref<512x128xf32, #tpu.memory_space<hbm>> -> memref<512x128xf32, #tpu.memory_space<hbm>>
      tpu.enqueue_indirect_dma source(%dma_start3A_63 : memref<512x128xf32, #tpu.memory_space<hbm>>) target(%dma_start3A_57 : memref<128x128xf32, #tpu.memory_space<vmem>>) offsets(%dma_start3A_60 : memref<128xi32, #tpu.memory_space<vmem>>) semaphore(%arg7 : memref<!tpu.dma_semaphore, #tpu.memory_space<semaphore_mem>>)
      %dma_start3A_64 = arith.constant 2 : i32
      %dma_start3A_65 = arith.constant 256 : i32
      %dma_start3A_66 = arith.constant 0 : i32
      %dma_start3A_67 = tpu.memref_slice %arg6[%dma_start3A_65, %dma_start3A_66] : memref<896x128xf32, #tpu.memory_space<vmem>> -> memref<128x128xf32, #tpu.memory_space<vmem>>
      %dma_start3A_68 = arith.constant 0 : i32
      %dma_start3A_69 = tpu.memref_slice %arg5[%dma_start3A_64, %dma_start3A_68] : memref<7x128xi32, #tpu.memory_space<vmem>> -> memref<1x128xi32, #tpu.memory_space<vmem>>
      %dma_start3A_70 = tpu.memref_squeeze %dma_start3A_69 : memref<1x128xi32, #tpu.memory_space<vmem>> -> memref<128xi32, #tpu.memory_space<vmem>>
      %dma_start3A_71 = arith.constant 0 : i32
      %dma_start3A_72 = arith.constant 0 : i32
      %dma_start3A_73 = tpu.memref_slice %arg3[%dma_start3A_71, %dma_start3A_72] : memref<512x128xf32, #tpu.memory_space<hbm>> -> memref<512x128xf32, #tpu.memory_space<hbm>>
      tpu.enqueue_indirect_dma source(%dma_start3A_73 : memref<512x128xf32, #tpu.memory_space<hbm>>) target(%dma_start3A_67 : memref<128x128xf32, #tpu.memory_space<vmem>>) offsets(%dma_start3A_70 : memref<128xi32, #tpu.memory_space<vmem>>) semaphore(%arg7 : memref<!tpu.dma_semaphore, #tpu.memory_space<semaphore_mem>>)
      %dma_start3A_74 = arith.constant 3 : i32
      %dma_start3A_75 = arith.constant 384 : i32
      %dma_start3A_76 = arith.constant 0 : i32
      %dma_start3A_77 = tpu.memref_slice %arg6[%dma_start3A_75, %dma_start3A_76] : memref<896x128xf32, #tpu.memory_space<vmem>> -> memref<128x128xf32, #tpu.memory_space<vmem>>
      %dma_start3A_78 = arith.constant 0 : i32
      %dma_start3A_79 = tpu.memref_slice %arg5[%dma_start3A_74, %dma_start3A_78] : memref<7x128xi32, #tpu.memory_space<vmem>> -> memref<1x128xi32, #tpu.memory_space<vmem>>
      %dma_start3A_80 = tpu.memref_squeeze %dma_start3A_79 : memref<1x128xi32, #tpu.memory_space<vmem>> -> memref<128xi32, #tpu.memory_space<vmem>>
      %dma_start3A_81 = arith.constant 0 : i32
      %dma_start3A_82 = arith.constant 0 : i32
      %dma_start3A_83 = tpu.memref_slice %arg3[%dma_start3A_81, %dma_start3A_82] : memref<512x128xf32, #tpu.memory_space<hbm>> -> memref<512x128xf32, #tpu.memory_space<hbm>>
      tpu.enqueue_indirect_dma source(%dma_start3A_83 : memref<512x128xf32, #tpu.memory_space<hbm>>) target(%dma_start3A_77 : memref<128x128xf32, #tpu.memory_space<vmem>>) offsets(%dma_start3A_80 : memref<128xi32, #tpu.memory_space<vmem>>) semaphore(%arg7 : memref<!tpu.dma_semaphore, #tpu.memory_space<semaphore_mem>>)
      %dma_wait3A = arith.constant 0 : i32
      %dma_wait3A_84 = arith.constant 0 : i32
      %dma_wait3A_85 = arith.constant 0 : i32
      %dma_wait3A_86 = tpu.memref_slice %arg6[%dma_wait3A_84, %dma_wait3A_85] : memref<896x128xf32, #tpu.memory_space<vmem>> -> memref<128x128xf32, #tpu.memory_space<vmem>>
      %dma_wait3A_87 = arith.constant 0 : i32
      %dma_wait3A_88 = tpu.memref_slice %arg5[%dma_wait3A, %dma_wait3A_87] : memref<7x128xi32, #tpu.memory_space<vmem>> -> memref<1x128xi32, #tpu.memory_space<vmem>>
      %dma_wait3A_89 = tpu.memref_squeeze %dma_wait3A_88 : memref<1x128xi32, #tpu.memory_space<vmem>> -> memref<128xi32, #tpu.memory_space<vmem>>
      %dma_wait3A_90 = arith.constant 0 : i32
      %dma_wait3A_91 = arith.constant 0 : i32
      %dma_wait3A_92 = tpu.memref_slice %arg3[%dma_wait3A_90, %dma_wait3A_91] : memref<512x128xf32, #tpu.memory_space<hbm>> -> memref<512x128xf32, #tpu.memory_space<hbm>>
      tpu.wait_indirect_dma semaphore(%arg7 : memref<!tpu.dma_semaphore, #tpu.memory_space<semaphore_mem>>) src(%dma_wait3A_92 : memref<512x128xf32, #tpu.memory_space<hbm>>) dst(%dma_wait3A_86 : memref<128x128xf32, #tpu.memory_space<vmem>>)
      %dma_wait3A_93 = arith.constant 1 : i32
      %dma_wait3A_94 = arith.constant 128 : i32
      %dma_wait3A_95 = arith.constant 0 : i32
      %dma_wait3A_96 = tpu.memref_slice %arg6[%dma_wait3A_94, %dma_wait3A_95] : memref<896x128xf32, #tpu.memory_space<vmem>> -> memref<128x128xf32, #tpu.memory_space<vmem>>
      %dma_wait3A_97 = arith.constant 0 : i32
      %dma_wait3A_98 = tpu.memref_slice %arg5[%dma_wait3A_93, %dma_wait3A_97] : memref<7x128xi32, #tpu.memory_space<vmem>> -> memref<1x128xi32, #tpu.memory_space<vmem>>
      %dma_wait3A_99 = tpu.memref_squeeze %dma_wait3A_98 : memref<1x128xi32, #tpu.memory_space<vmem>> -> memref<128xi32, #tpu.memory_space<vmem>>
      %dma_wait3A_100 = arith.constant 0 : i32
      %dma_wait3A_101 = arith.constant 0 : i32
      %dma_wait3A_102 = tpu.memref_slice %arg3[%dma_wait3A_100, %dma_wait3A_101] : memref<512x128xf32, #tpu.memory_space<hbm>> -> memref<512x128xf32, #tpu.memory_space<hbm>>
      tpu.wait_indirect_dma semaphore(%arg7 : memref<!tpu.dma_semaphore, #tpu.memory_space<semaphore_mem>>) src(%dma_wait3A_102 : memref<512x128xf32, #tpu.memory_space<hbm>>) dst(%dma_wait3A_96 : memref<128x128xf32, #tpu.memory_space<vmem>>)
      %dma_wait3A_103 = arith.constant 2 : i32
      %dma_wait3A_104 = arith.constant 256 : i32
      %dma_wait3A_105 = arith.constant 0 : i32
      %dma_wait3A_106 = tpu.memref_slice %arg6[%dma_wait3A_104, %dma_wait3A_105] : memref<896x128xf32, #tpu.memory_space<vmem>> -> memref<128x128xf32, #tpu.memory_space<vmem>>
      %dma_wait3A_107 = arith.constant 0 : i32
      %dma_wait3A_108 = tpu.memref_slice %arg5[%dma_wait3A_103, %dma_wait3A_107] : memref<7x128xi32, #tpu.memory_space<vmem>> -> memref<1x128xi32, #tpu.memory_space<vmem>>
      %dma_wait3A_109 = tpu.memref_squeeze %dma_wait3A_108 : memref<1x128xi32, #tpu.memory_space<vmem>> -> memref<128xi32, #tpu.memory_space<vmem>>
      %dma_wait3A_110 = arith.constant 0 : i32
      %dma_wait3A_111 = arith.constant 0 : i32
      %dma_wait3A_112 = tpu.memref_slice %arg3[%dma_wait3A_110, %dma_wait3A_111] : memref<512x128xf32, #tpu.memory_space<hbm>> -> memref<512x128xf32, #tpu.memory_space<hbm>>
      tpu.wait_indirect_dma semaphore(%arg7 : memref<!tpu.dma_semaphore, #tpu.memory_space<semaphore_mem>>) src(%dma_wait3A_112 : memref<512x128xf32, #tpu.memory_space<hbm>>) dst(%dma_wait3A_106 : memref<128x128xf32, #tpu.memory_space<vmem>>)
      %dma_wait3A_113 = arith.constant 3 : i32
      %dma_wait3A_114 = arith.constant 384 : i32
      %dma_wait3A_115 = arith.constant 0 : i32
      %dma_wait3A_116 = tpu.memref_slice %arg6[%dma_wait3A_114, %dma_wait3A_115] : memref<896x128xf32, #tpu.memory_space<vmem>> -> memref<128x128xf32, #tpu.memory_space<vmem>>
      %dma_wait3A_117 = arith.constant 0 : i32
      %dma_wait3A_118 = tpu.memref_slice %arg5[%dma_wait3A_113, %dma_wait3A_117] : memref<7x128xi32, #tpu.memory_space<vmem>> -> memref<1x128xi32, #tpu.memory_space<vmem>>
      %dma_wait3A_119 = tpu.memref_squeeze %dma_wait3A_118 : memref<1x128xi32, #tpu.memory_space<vmem>> -> memref<128xi32, #tpu.memory_space<vmem>>
      %dma_wait3A_120 = arith.constant 0 : i32
      %dma_wait3A_121 = arith.constant 0 : i32
      %dma_wait3A_122 = tpu.memref_slice %arg3[%dma_wait3A_120, %dma_wait3A_121] : memref<512x128xf32, #tpu.memory_space<hbm>> -> memref<512x128xf32, #tpu.memory_space<hbm>>
      tpu.wait_indirect_dma semaphore(%arg7 : memref<!tpu.dma_semaphore, #tpu.memory_space<semaphore_mem>>) src(%dma_wait3A_122 : memref<512x128xf32, #tpu.memory_space<hbm>>) dst(%dma_wait3A_116 : memref<128x128xf32, #tpu.memory_space<vmem>>)
      %dma_start3A_123 = arith.constant 4 : i32
      %dma_start3A_124 = arith.constant 512 : i32
      %dma_start3A_125 = arith.constant 0 : i32
      %dma_start3A_126 = tpu.memref_slice %arg6[%dma_start3A_124, %dma_start3A_125] : memref<896x128xf32, #tpu.memory_space<vmem>> -> memref<128x128xf32, #tpu.memory_space<vmem>>
      %dma_start3A_127 = arith.constant 0 : i32
      %dma_start3A_128 = tpu.memref_slice %arg5[%dma_start3A_123, %dma_start3A_127] : memref<7x128xi32, #tpu.memory_space<vmem>> -> memref<1x128xi32, #tpu.memory_space<vmem>>
      %dma_start3A_129 = tpu.memref_squeeze %dma_start3A_128 : memref<1x128xi32, #tpu.memory_space<vmem>> -> memref<128xi32, #tpu.memory_space<vmem>>
      %dma_start3A_130 = arith.constant 0 : i32
      %dma_start3A_131 = arith.constant 0 : i32
      %dma_start3A_132 = tpu.memref_slice %arg3[%dma_start3A_130, %dma_start3A_131] : memref<512x128xf32, #tpu.memory_space<hbm>> -> memref<512x128xf32, #tpu.memory_space<hbm>>
      tpu.enqueue_indirect_dma source(%dma_start3A_132 : memref<512x128xf32, #tpu.memory_space<hbm>>) target(%dma_start3A_126 : memref<128x128xf32, #tpu.memory_space<vmem>>) offsets(%dma_start3A_129 : memref<128xi32, #tpu.memory_space<vmem>>) semaphore(%arg7 : memref<!tpu.dma_semaphore, #tpu.memory_space<semaphore_mem>>)
      %dma_start3A_133 = arith.constant 5 : i32
      %dma_start3A_134 = arith.constant 640 : i32
      %dma_start3A_135 = arith.constant 0 : i32
      %dma_start3A_136 = tpu.memref_slice %arg6[%dma_start3A_134, %dma_start3A_135] : memref<896x128xf32, #tpu.memory_space<vmem>> -> memref<128x128xf32, #tpu.memory_space<vmem>>
      %dma_start3A_137 = arith.constant 0 : i32
      %dma_start3A_138 = tpu.memref_slice %arg5[%dma_start3A_133, %dma_start3A_137] : memref<7x128xi32, #tpu.memory_space<vmem>> -> memref<1x128xi32, #tpu.memory_space<vmem>>
      %dma_start3A_139 = tpu.memref_squeeze %dma_start3A_138 : memref<1x128xi32, #tpu.memory_space<vmem>> -> memref<128xi32, #tpu.memory_space<vmem>>
      %dma_start3A_140 = arith.constant 0 : i32
      %dma_start3A_141 = arith.constant 0 : i32
      %dma_start3A_142 = tpu.memref_slice %arg3[%dma_start3A_140, %dma_start3A_141] : memref<512x128xf32, #tpu.memory_space<hbm>> -> memref<512x128xf32, #tpu.memory_space<hbm>>
      tpu.enqueue_indirect_dma source(%dma_start3A_142 : memref<512x128xf32, #tpu.memory_space<hbm>>) target(%dma_start3A_136 : memref<128x128xf32, #tpu.memory_space<vmem>>) offsets(%dma_start3A_139 : memref<128xi32, #tpu.memory_space<vmem>>) semaphore(%arg7 : memref<!tpu.dma_semaphore, #tpu.memory_space<semaphore_mem>>)
      %dma_start3A_143 = arith.constant 6 : i32
      %dma_start3A_144 = arith.constant 768 : i32
      %dma_start3A_145 = arith.constant 0 : i32
      %dma_start3A_146 = tpu.memref_slice %arg6[%dma_start3A_144, %dma_start3A_145] : memref<896x128xf32, #tpu.memory_space<vmem>> -> memref<128x128xf32, #tpu.memory_space<vmem>>
      %dma_start3A_147 = arith.constant 0 : i32
      %dma_start3A_148 = tpu.memref_slice %arg5[%dma_start3A_143, %dma_start3A_147] : memref<7x128xi32, #tpu.memory_space<vmem>> -> memref<1x128xi32, #tpu.memory_space<vmem>>
      %dma_start3A_149 = tpu.memref_squeeze %dma_start3A_148 : memref<1x128xi32, #tpu.memory_space<vmem>> -> memref<128xi32, #tpu.memory_space<vmem>>
      %dma_start3A_150 = arith.constant 0 : i32
      %dma_start3A_151 = arith.constant 0 : i32
      %dma_start3A_152 = tpu.memref_slice %arg3[%dma_start3A_150, %dma_start3A_151] : memref<512x128xf32, #tpu.memory_space<hbm>> -> memref<512x128xf32, #tpu.memory_space<hbm>>
      tpu.enqueue_indirect_dma source(%dma_start3A_152 : memref<512x128xf32, #tpu.memory_space<hbm>>) target(%dma_start3A_146 : memref<128x128xf32, #tpu.memory_space<vmem>>) offsets(%dma_start3A_149 : memref<128xi32, #tpu.memory_space<vmem>>) semaphore(%arg7 : memref<!tpu.dma_semaphore, #tpu.memory_space<semaphore_mem>>)
      %dma_wait3A_153 = arith.constant 4 : i32
      %dma_wait3A_154 = arith.constant 512 : i32
      %dma_wait3A_155 = arith.constant 0 : i32
      %dma_wait3A_156 = tpu.memref_slice %arg6[%dma_wait3A_154, %dma_wait3A_155] : memref<896x128xf32, #tpu.memory_space<vmem>> -> memref<128x128xf32, #tpu.memory_space<vmem>>
      %dma_wait3A_157 = arith.constant 0 : i32
      %dma_wait3A_158 = tpu.memref_slice %arg5[%dma_wait3A_153, %dma_wait3A_157] : memref<7x128xi32, #tpu.memory_space<vmem>> -> memref<1x128xi32, #tpu.memory_space<vmem>>
      %dma_wait3A_159 = tpu.memref_squeeze %dma_wait3A_158 : memref<1x128xi32, #tpu.memory_space<vmem>> -> memref<128xi32, #tpu.memory_space<vmem>>
      %dma_wait3A_160 = arith.constant 0 : i32
      %dma_wait3A_161 = arith.constant 0 : i32
      %dma_wait3A_162 = tpu.memref_slice %arg3[%dma_wait3A_160, %dma_wait3A_161] : memref<512x128xf32, #tpu.memory_space<hbm>> -> memref<512x128xf32, #tpu.memory_space<hbm>>
      tpu.wait_indirect_dma semaphore(%arg7 : memref<!tpu.dma_semaphore, #tpu.memory_space<semaphore_mem>>) src(%dma_wait3A_162 : memref<512x128xf32, #tpu.memory_space<hbm>>) dst(%dma_wait3A_156 : memref<128x128xf32, #tpu.memory_space<vmem>>)
      %dma_wait3A_163 = arith.constant 5 : i32
      %dma_wait3A_164 = arith.constant 640 : i32
      %dma_wait3A_165 = arith.constant 0 : i32
      %dma_wait3A_166 = tpu.memref_slice %arg6[%dma_wait3A_164, %dma_wait3A_165] : memref<896x128xf32, #tpu.memory_space<vmem>> -> memref<128x128xf32, #tpu.memory_space<vmem>>
      %dma_wait3A_167 = arith.constant 0 : i32
      %dma_wait3A_168 = tpu.memref_slice %arg5[%dma_wait3A_163, %dma_wait3A_167] : memref<7x128xi32, #tpu.memory_space<vmem>> -> memref<1x128xi32, #tpu.memory_space<vmem>>
      %dma_wait3A_169 = tpu.memref_squeeze %dma_wait3A_168 : memref<1x128xi32, #tpu.memory_space<vmem>> -> memref<128xi32, #tpu.memory_space<vmem>>
      %dma_wait3A_170 = arith.constant 0 : i32
      %dma_wait3A_171 = arith.constant 0 : i32
      %dma_wait3A_172 = tpu.memref_slice %arg3[%dma_wait3A_170, %dma_wait3A_171] : memref<512x128xf32, #tpu.memory_space<hbm>> -> memref<512x128xf32, #tpu.memory_space<hbm>>
      tpu.wait_indirect_dma semaphore(%arg7 : memref<!tpu.dma_semaphore, #tpu.memory_space<semaphore_mem>>) src(%dma_wait3A_172 : memref<512x128xf32, #tpu.memory_space<hbm>>) dst(%dma_wait3A_166 : memref<128x128xf32, #tpu.memory_space<vmem>>)
      %dma_wait3A_173 = arith.constant 6 : i32
      %dma_wait3A_174 = arith.constant 768 : i32
      %dma_wait3A_175 = arith.constant 0 : i32
      %dma_wait3A_176 = tpu.memref_slice %arg6[%dma_wait3A_174, %dma_wait3A_175] : memref<896x128xf32, #tpu.memory_space<vmem>> -> memref<128x128xf32, #tpu.memory_space<vmem>>
      %dma_wait3A_177 = arith.constant 0 : i32
      %dma_wait3A_178 = tpu.memref_slice %arg5[%dma_wait3A_173, %dma_wait3A_177] : memref<7x128xi32, #tpu.memory_space<vmem>> -> memref<1x128xi32, #tpu.memory_space<vmem>>
      %dma_wait3A_179 = tpu.memref_squeeze %dma_wait3A_178 : memref<1x128xi32, #tpu.memory_space<vmem>> -> memref<128xi32, #tpu.memory_space<vmem>>
      %dma_wait3A_180 = arith.constant 0 : i32
      %dma_wait3A_181 = arith.constant 0 : i32
      %dma_wait3A_182 = tpu.memref_slice %arg3[%dma_wait3A_180, %dma_wait3A_181] : memref<512x128xf32, #tpu.memory_space<hbm>> -> memref<512x128xf32, #tpu.memory_space<hbm>>
      tpu.wait_indirect_dma semaphore(%arg7 : memref<!tpu.dma_semaphore, #tpu.memory_space<semaphore_mem>>) src(%dma_wait3A_182 : memref<512x128xf32, #tpu.memory_space<hbm>>) dst(%dma_wait3A_176 : memref<128x128xf32, #tpu.memory_space<vmem>>)
      "tpu.region"() ({
        %run_scoped3A = tpu.sem_alloc : memref<!tpu.dma_semaphore, #tpu.memory_space<semaphore_mem>>
        %dma_start3A_183 = arith.constant 256 : i32
        %dma_start3A_184 = arith.constant 0 : i32
        %dma_start3A_185 = tpu.memref_slice %arg6[%dma_start3A_183, %dma_start3A_184] : memref<896x128xf32, #tpu.memory_space<vmem>> -> memref<544x128xf32, #tpu.memory_space<vmem>>
        %dma_start3A_186 = arith.constant 99456 : i32
        %dma_start3A_187 = arith.constant 0 : i32
        %dma_start3A_188 = tpu.memref_slice %arg4[%dma_start3A_186, %dma_start3A_187] : memref<100000x128xf32, #tpu.memory_space<hbm>> -> memref<544x128xf32, #tpu.memory_space<hbm>>
        %dma_start3A_189 = arith.constant 99456 : i32
        %dma_start3A_190 = arith.constant 0 : i32
        %dma_start3A_191 = tpu.memref_slice %arg4[%dma_start3A_189, %dma_start3A_190] : memref<100000x128xf32, #tpu.memory_space<hbm>> -> memref<544x128xf32, #tpu.memory_space<hbm>>
        %dma_start3A_192 = arith.constant 256 : i32
        %dma_start3A_193 = arith.constant 0 : i32
        %dma_start3A_194 = tpu.memref_slice %arg6[%dma_start3A_192, %dma_start3A_193] : memref<896x128xf32, #tpu.memory_space<vmem>> -> memref<544x128xf32, #tpu.memory_space<vmem>>
        tpu.enqueue_dma source(%dma_start3A_194 : memref<544x128xf32, #tpu.memory_space<vmem>>) target(%dma_start3A_191 : memref<544x128xf32, #tpu.memory_space<hbm>>) target_semaphore(%run_scoped3A : memref<!tpu.dma_semaphore, #tpu.memory_space<semaphore_mem>>)
        %dma_wait3A_195 = arith.constant 256 : i32
        %dma_wait3A_196 = arith.constant 0 : i32
        %dma_wait3A_197 = tpu.memref_slice %arg6[%dma_wait3A_195, %dma_wait3A_196] : memref<896x128xf32, #tpu.memory_space<vmem>> -> memref<544x128xf32, #tpu.memory_space<vmem>>
        %dma_wait3A_198 = arith.constant 99456 : i32
        %dma_wait3A_199 = arith.constant 0 : i32
        %dma_wait3A_200 = tpu.memref_slice %arg4[%dma_wait3A_198, %dma_wait3A_199] : memref<100000x128xf32, #tpu.memory_space<hbm>> -> memref<544x128xf32, #tpu.memory_space<hbm>>
        %dma_wait3A_201 = arith.constant 99456 : i32
        %dma_wait3A_202 = arith.constant 0 : i32
        %dma_wait3A_203 = tpu.memref_slice %arg4[%dma_wait3A_201, %dma_wait3A_202] : memref<100000x128xf32, #tpu.memory_space<hbm>> -> memref<544x128xf32, #tpu.memory_space<hbm>>
        %dma_wait3A_204 = arith.constant 256 : i32
        %dma_wait3A_205 = arith.constant 0 : i32
        %dma_wait3A_206 = tpu.memref_slice %arg6[%dma_wait3A_204, %dma_wait3A_205] : memref<896x128xf32, #tpu.memory_space<vmem>> -> memref<544x128xf32, #tpu.memory_space<vmem>>
        tpu.wait_dma2 semaphore(%run_scoped3A : memref<!tpu.dma_semaphore, #tpu.memory_space<semaphore_mem>>) src(%dma_wait3A_206 : memref<544x128xf32, #tpu.memory_space<vmem>>) dst(%dma_wait3A_203 : memref<544x128xf32, #tpu.memory_space<hbm>>)
        tpu.yield
      }) : () -> ()
    } else {
    }
    %add3A_21 = arith.constant 64 : i32
    %add3A_22 = arith.addi %add3A, %add3A_21 : i32
    %lt3A_23 = arith.constant 111 : i32
    %lt3A_24 = arith.cmpi slt, %add3A_22, %lt3A_23 : i32
    %convert_element_type3A_25 = arith.extui %lt3A_24 : i1 to i32
    %cond3A_26 = arith.constant 0 : i32
    %cond3A_27 = arith.cmpi ne, %convert_element_type3A_25, %cond3A_26 : i32
    scf.if %cond3A_27 {
      %mul3A_45 = arith.constant 7 : i32
      %mul3A_46 = arith.muli %add3A_22, %mul3A_45 : i32
      "tpu.region"() ({
        %run_scoped3A = tpu.sem_alloc : memref<!tpu.dma_semaphore, #tpu.memory_space<semaphore_mem>>
        %dma_start3A_187 = arith.constant 0 : i32
        %dma_start3A_188 = tpu.memref_slice %arg2[%mul3A_46, %dma_start3A_187] : memref<782x128xi32, #tpu.memory_space<hbm>> -> memref<7x128xi32, #tpu.memory_space<hbm>>
        %dma_start3A_189 = arith.constant 0 : i32
        %dma_start3A_190 = tpu.memref_slice %arg2[%mul3A_46, %dma_start3A_189] : memref<782x128xi32, #tpu.memory_space<hbm>> -> memref<7x128xi32, #tpu.memory_space<hbm>>
        tpu.enqueue_dma source(%dma_start3A_190 : memref<7x128xi32, #tpu.memory_space<hbm>>) target(%arg5 : memref<7x128xi32, #tpu.memory_space<vmem>>) target_semaphore(%run_scoped3A : memref<!tpu.dma_semaphore, #tpu.memory_space<semaphore_mem>>)
        %dma_wait3A_191 = arith.constant 0 : i32
        %dma_wait3A_192 = tpu.memref_slice %arg2[%mul3A_46, %dma_wait3A_191] : memref<782x128xi32, #tpu.memory_space<hbm>> -> memref<7x128xi32, #tpu.memory_space<hbm>>
        %dma_wait3A_193 = arith.constant 0 : i32
        %dma_wait3A_194 = tpu.memref_slice %arg2[%mul3A_46, %dma_wait3A_193] : memref<782x128xi32, #tpu.memory_space<hbm>> -> memref<7x128xi32, #tpu.memory_space<hbm>>
        tpu.wait_dma2 semaphore(%run_scoped3A : memref<!tpu.dma_semaphore, #tpu.memory_space<semaphore_mem>>) src(%dma_wait3A_194 : memref<7x128xi32, #tpu.memory_space<hbm>>) dst(%arg5 : memref<7x128xi32, #tpu.memory_space<vmem>>)
        tpu.yield
      }) : () -> ()
      %dma_start3A = arith.constant 0 : i32
      %dma_start3A_47 = arith.constant 0 : i32
      %dma_start3A_48 = arith.constant 0 : i32
      %dma_start3A_49 = tpu.memref_slice %arg6[%dma_start3A_47, %dma_start3A_48] : memref<896x128xf32, #tpu.memory_space<vmem>> -> memref<128x128xf32, #tpu.memory_space<vmem>>
      %dma_start3A_50 = arith.constant 0 : i32
      %dma_start3A_51 = tpu.memref_slice %arg5[%dma_start3A, %dma_start3A_50] : memref<7x128xi32, #tpu.memory_space<vmem>> -> memref<1x128xi32, #tpu.memory_space<vmem>>
      %dma_start3A_52 = tpu.memref_squeeze %dma_start3A_51 : memref<1x128xi32, #tpu.memory_space<vmem>> -> memref<128xi32, #tpu.memory_space<vmem>>
      %dma_start3A_53 = arith.constant 0 : i32
      %dma_start3A_54 = arith.constant 0 : i32
      %dma_start3A_55 = tpu.memref_slice %arg3[%dma_start3A_53, %dma_start3A_54] : memref<512x128xf32, #tpu.memory_space<hbm>> -> memref<512x128xf32, #tpu.memory_space<hbm>>
      tpu.enqueue_indirect_dma source(%dma_start3A_55 : memref<512x128xf32, #tpu.memory_space<hbm>>) target(%dma_start3A_49 : memref<128x128xf32, #tpu.memory_space<vmem>>) offsets(%dma_start3A_52 : memref<128xi32, #tpu.memory_space<vmem>>) semaphore(%arg7 : memref<!tpu.dma_semaphore, #tpu.memory_space<semaphore_mem>>)
      %dma_start3A_56 = arith.constant 1 : i32
      %dma_start3A_57 = arith.constant 128 : i32
      %dma_start3A_58 = arith.constant 0 : i32
      %dma_start3A_59 = tpu.memref_slice %arg6[%dma_start3A_57, %dma_start3A_58] : memref<896x128xf32, #tpu.memory_space<vmem>> -> memref<128x128xf32, #tpu.memory_space<vmem>>
      %dma_start3A_60 = arith.constant 0 : i32
      %dma_start3A_61 = tpu.memref_slice %arg5[%dma_start3A_56, %dma_start3A_60] : memref<7x128xi32, #tpu.memory_space<vmem>> -> memref<1x128xi32, #tpu.memory_space<vmem>>
      %dma_start3A_62 = tpu.memref_squeeze %dma_start3A_61 : memref<1x128xi32, #tpu.memory_space<vmem>> -> memref<128xi32, #tpu.memory_space<vmem>>
      %dma_start3A_63 = arith.constant 0 : i32
      %dma_start3A_64 = arith.constant 0 : i32
      %dma_start3A_65 = tpu.memref_slice %arg3[%dma_start3A_63, %dma_start3A_64] : memref<512x128xf32, #tpu.memory_space<hbm>> -> memref<512x128xf32, #tpu.memory_space<hbm>>
      tpu.enqueue_indirect_dma source(%dma_start3A_65 : memref<512x128xf32, #tpu.memory_space<hbm>>) target(%dma_start3A_59 : memref<128x128xf32, #tpu.memory_space<vmem>>) offsets(%dma_start3A_62 : memref<128xi32, #tpu.memory_space<vmem>>) semaphore(%arg7 : memref<!tpu.dma_semaphore, #tpu.memory_space<semaphore_mem>>)
      %dma_start3A_66 = arith.constant 2 : i32
      %dma_start3A_67 = arith.constant 256 : i32
      %dma_start3A_68 = arith.constant 0 : i32
      %dma_start3A_69 = tpu.memref_slice %arg6[%dma_start3A_67, %dma_start3A_68] : memref<896x128xf32, #tpu.memory_space<vmem>> -> memref<128x128xf32, #tpu.memory_space<vmem>>
      %dma_start3A_70 = arith.constant 0 : i32
      %dma_start3A_71 = tpu.memref_slice %arg5[%dma_start3A_66, %dma_start3A_70] : memref<7x128xi32, #tpu.memory_space<vmem>> -> memref<1x128xi32, #tpu.memory_space<vmem>>
      %dma_start3A_72 = tpu.memref_squeeze %dma_start3A_71 : memref<1x128xi32, #tpu.memory_space<vmem>> -> memref<128xi32, #tpu.memory_space<vmem>>
      %dma_start3A_73 = arith.constant 0 : i32
      %dma_start3A_74 = arith.constant 0 : i32
      %dma_start3A_75 = tpu.memref_slice %arg3[%dma_start3A_73, %dma_start3A_74] : memref<512x128xf32, #tpu.memory_space<hbm>> -> memref<512x128xf32, #tpu.memory_space<hbm>>
      tpu.enqueue_indirect_dma source(%dma_start3A_75 : memref<512x128xf32, #tpu.memory_space<hbm>>) target(%dma_start3A_69 : memref<128x128xf32, #tpu.memory_space<vmem>>) offsets(%dma_start3A_72 : memref<128xi32, #tpu.memory_space<vmem>>) semaphore(%arg7 : memref<!tpu.dma_semaphore, #tpu.memory_space<semaphore_mem>>)
      %dma_start3A_76 = arith.constant 3 : i32
      %dma_start3A_77 = arith.constant 384 : i32
      %dma_start3A_78 = arith.constant 0 : i32
      %dma_start3A_79 = tpu.memref_slice %arg6[%dma_start3A_77, %dma_start3A_78] : memref<896x128xf32, #tpu.memory_space<vmem>> -> memref<128x128xf32, #tpu.memory_space<vmem>>
      %dma_start3A_80 = arith.constant 0 : i32
      %dma_start3A_81 = tpu.memref_slice %arg5[%dma_start3A_76, %dma_start3A_80] : memref<7x128xi32, #tpu.memory_space<vmem>> -> memref<1x128xi32, #tpu.memory_space<vmem>>
      %dma_start3A_82 = tpu.memref_squeeze %dma_start3A_81 : memref<1x128xi32, #tpu.memory_space<vmem>> -> memref<128xi32, #tpu.memory_space<vmem>>
      %dma_start3A_83 = arith.constant 0 : i32
      %dma_start3A_84 = arith.constant 0 : i32
      %dma_start3A_85 = tpu.memref_slice %arg3[%dma_start3A_83, %dma_start3A_84] : memref<512x128xf32, #tpu.memory_space<hbm>> -> memref<512x128xf32, #tpu.memory_space<hbm>>
      tpu.enqueue_indirect_dma source(%dma_start3A_85 : memref<512x128xf32, #tpu.memory_space<hbm>>) target(%dma_start3A_79 : memref<128x128xf32, #tpu.memory_space<vmem>>) offsets(%dma_start3A_82 : memref<128xi32, #tpu.memory_space<vmem>>) semaphore(%arg7 : memref<!tpu.dma_semaphore, #tpu.memory_space<semaphore_mem>>)
      %dma_wait3A = arith.constant 0 : i32
      %dma_wait3A_86 = arith.constant 0 : i32
      %dma_wait3A_87 = arith.constant 0 : i32
      %dma_wait3A_88 = tpu.memref_slice %arg6[%dma_wait3A_86, %dma_wait3A_87] : memref<896x128xf32, #tpu.memory_space<vmem>> -> memref<128x128xf32, #tpu.memory_space<vmem>>
      %dma_wait3A_89 = arith.constant 0 : i32
      %dma_wait3A_90 = tpu.memref_slice %arg5[%dma_wait3A, %dma_wait3A_89] : memref<7x128xi32, #tpu.memory_space<vmem>> -> memref<1x128xi32, #tpu.memory_space<vmem>>
      %dma_wait3A_91 = tpu.memref_squeeze %dma_wait3A_90 : memref<1x128xi32, #tpu.memory_space<vmem>> -> memref<128xi32, #tpu.memory_space<vmem>>
      %dma_wait3A_92 = arith.constant 0 : i32
      %dma_wait3A_93 = arith.constant 0 : i32
      %dma_wait3A_94 = tpu.memref_slice %arg3[%dma_wait3A_92, %dma_wait3A_93] : memref<512x128xf32, #tpu.memory_space<hbm>> -> memref<512x128xf32, #tpu.memory_space<hbm>>
      tpu.wait_indirect_dma semaphore(%arg7 : memref<!tpu.dma_semaphore, #tpu.memory_space<semaphore_mem>>) src(%dma_wait3A_94 : memref<512x128xf32, #tpu.memory_space<hbm>>) dst(%dma_wait3A_88 : memref<128x128xf32, #tpu.memory_space<vmem>>)
      %dma_wait3A_95 = arith.constant 1 : i32
      %dma_wait3A_96 = arith.constant 128 : i32
      %dma_wait3A_97 = arith.constant 0 : i32
      %dma_wait3A_98 = tpu.memref_slice %arg6[%dma_wait3A_96, %dma_wait3A_97] : memref<896x128xf32, #tpu.memory_space<vmem>> -> memref<128x128xf32, #tpu.memory_space<vmem>>
      %dma_wait3A_99 = arith.constant 0 : i32
      %dma_wait3A_100 = tpu.memref_slice %arg5[%dma_wait3A_95, %dma_wait3A_99] : memref<7x128xi32, #tpu.memory_space<vmem>> -> memref<1x128xi32, #tpu.memory_space<vmem>>
      %dma_wait3A_101 = tpu.memref_squeeze %dma_wait3A_100 : memref<1x128xi32, #tpu.memory_space<vmem>> -> memref<128xi32, #tpu.memory_space<vmem>>
      %dma_wait3A_102 = arith.constant 0 : i32
      %dma_wait3A_103 = arith.constant 0 : i32
      %dma_wait3A_104 = tpu.memref_slice %arg3[%dma_wait3A_102, %dma_wait3A_103] : memref<512x128xf32, #tpu.memory_space<hbm>> -> memref<512x128xf32, #tpu.memory_space<hbm>>
      tpu.wait_indirect_dma semaphore(%arg7 : memref<!tpu.dma_semaphore, #tpu.memory_space<semaphore_mem>>) src(%dma_wait3A_104 : memref<512x128xf32, #tpu.memory_space<hbm>>) dst(%dma_wait3A_98 : memref<128x128xf32, #tpu.memory_space<vmem>>)
      %dma_wait3A_105 = arith.constant 2 : i32
      %dma_wait3A_106 = arith.constant 256 : i32
      %dma_wait3A_107 = arith.constant 0 : i32
      %dma_wait3A_108 = tpu.memref_slice %arg6[%dma_wait3A_106, %dma_wait3A_107] : memref<896x128xf32, #tpu.memory_space<vmem>> -> memref<128x128xf32, #tpu.memory_space<vmem>>
      %dma_wait3A_109 = arith.constant 0 : i32
      %dma_wait3A_110 = tpu.memref_slice %arg5[%dma_wait3A_105, %dma_wait3A_109] : memref<7x128xi32, #tpu.memory_space<vmem>> -> memref<1x128xi32, #tpu.memory_space<vmem>>
      %dma_wait3A_111 = tpu.memref_squeeze %dma_wait3A_110 : memref<1x128xi32, #tpu.memory_space<vmem>> -> memref<128xi32, #tpu.memory_space<vmem>>
      %dma_wait3A_112 = arith.constant 0 : i32
      %dma_wait3A_113 = arith.constant 0 : i32
      %dma_wait3A_114 = tpu.memref_slice %arg3[%dma_wait3A_112, %dma_wait3A_113] : memref<512x128xf32, #tpu.memory_space<hbm>> -> memref<512x128xf32, #tpu.memory_space<hbm>>
      tpu.wait_indirect_dma semaphore(%arg7 : memref<!tpu.dma_semaphore, #tpu.memory_space<semaphore_mem>>) src(%dma_wait3A_114 : memref<512x128xf32, #tpu.memory_space<hbm>>) dst(%dma_wait3A_108 : memref<128x128xf32, #tpu.memory_space<vmem>>)
      %dma_wait3A_115 = arith.constant 3 : i32
      %dma_wait3A_116 = arith.constant 384 : i32
      %dma_wait3A_117 = arith.constant 0 : i32
      %dma_wait3A_118 = tpu.memref_slice %arg6[%dma_wait3A_116, %dma_wait3A_117] : memref<896x128xf32, #tpu.memory_space<vmem>> -> memref<128x128xf32, #tpu.memory_space<vmem>>
      %dma_wait3A_119 = arith.constant 0 : i32
      %dma_wait3A_120 = tpu.memref_slice %arg5[%dma_wait3A_115, %dma_wait3A_119] : memref<7x128xi32, #tpu.memory_space<vmem>> -> memref<1x128xi32, #tpu.memory_space<vmem>>
      %dma_wait3A_121 = tpu.memref_squeeze %dma_wait3A_120 : memref<1x128xi32, #tpu.memory_space<vmem>> -> memref<128xi32, #tpu.memory_space<vmem>>
      %dma_wait3A_122 = arith.constant 0 : i32
      %dma_wait3A_123 = arith.constant 0 : i32
      %dma_wait3A_124 = tpu.memref_slice %arg3[%dma_wait3A_122, %dma_wait3A_123] : memref<512x128xf32, #tpu.memory_space<hbm>> -> memref<512x128xf32, #tpu.memory_space<hbm>>
      tpu.wait_indirect_dma semaphore(%arg7 : memref<!tpu.dma_semaphore, #tpu.memory_space<semaphore_mem>>) src(%dma_wait3A_124 : memref<512x128xf32, #tpu.memory_space<hbm>>) dst(%dma_wait3A_118 : memref<128x128xf32, #tpu.memory_space<vmem>>)
      %dma_start3A_125 = arith.constant 4 : i32
      %dma_start3A_126 = arith.constant 512 : i32
      %dma_start3A_127 = arith.constant 0 : i32
      %dma_start3A_128 = tpu.memref_slice %arg6[%dma_start3A_126, %dma_start3A_127] : memref<896x128xf32, #tpu.memory_space<vmem>> -> memref<128x128xf32, #tpu.memory_space<vmem>>
      %dma_start3A_129 = arith.constant 0 : i32
      %dma_start3A_130 = tpu.memref_slice %arg5[%dma_start3A_125, %dma_start3A_129] : memref<7x128xi32, #tpu.memory_space<vmem>> -> memref<1x128xi32, #tpu.memory_space<vmem>>
      %dma_start3A_131 = tpu.memref_squeeze %dma_start3A_130 : memref<1x128xi32, #tpu.memory_space<vmem>> -> memref<128xi32, #tpu.memory_space<vmem>>
      %dma_start3A_132 = arith.constant 0 : i32
      %dma_start3A_133 = arith.constant 0 : i32
      %dma_start3A_134 = tpu.memref_slice %arg3[%dma_start3A_132, %dma_start3A_133] : memref<512x128xf32, #tpu.memory_space<hbm>> -> memref<512x128xf32, #tpu.memory_space<hbm>>
      tpu.enqueue_indirect_dma source(%dma_start3A_134 : memref<512x128xf32, #tpu.memory_space<hbm>>) target(%dma_start3A_128 : memref<128x128xf32, #tpu.memory_space<vmem>>) offsets(%dma_start3A_131 : memref<128xi32, #tpu.memory_space<vmem>>) semaphore(%arg7 : memref<!tpu.dma_semaphore, #tpu.memory_space<semaphore_mem>>)
      %dma_start3A_135 = arith.constant 5 : i32
      %dma_start3A_136 = arith.constant 640 : i32
      %dma_start3A_137 = arith.constant 0 : i32
      %dma_start3A_138 = tpu.memref_slice %arg6[%dma_start3A_136, %dma_start3A_137] : memref<896x128xf32, #tpu.memory_space<vmem>> -> memref<128x128xf32, #tpu.memory_space<vmem>>
      %dma_start3A_139 = arith.constant 0 : i32
      %dma_start3A_140 = tpu.memref_slice %arg5[%dma_start3A_135, %dma_start3A_139] : memref<7x128xi32, #tpu.memory_space<vmem>> -> memref<1x128xi32, #tpu.memory_space<vmem>>
      %dma_start3A_141 = tpu.memref_squeeze %dma_start3A_140 : memref<1x128xi32, #tpu.memory_space<vmem>> -> memref<128xi32, #tpu.memory_space<vmem>>
      %dma_start3A_142 = arith.constant 0 : i32
      %dma_start3A_143 = arith.constant 0 : i32
      %dma_start3A_144 = tpu.memref_slice %arg3[%dma_start3A_142, %dma_start3A_143] : memref<512x128xf32, #tpu.memory_space<hbm>> -> memref<512x128xf32, #tpu.memory_space<hbm>>
      tpu.enqueue_indirect_dma source(%dma_start3A_144 : memref<512x128xf32, #tpu.memory_space<hbm>>) target(%dma_start3A_138 : memref<128x128xf32, #tpu.memory_space<vmem>>) offsets(%dma_start3A_141 : memref<128xi32, #tpu.memory_space<vmem>>) semaphore(%arg7 : memref<!tpu.dma_semaphore, #tpu.memory_space<semaphore_mem>>)
      %dma_start3A_145 = arith.constant 6 : i32
      %dma_start3A_146 = arith.constant 768 : i32
      %dma_start3A_147 = arith.constant 0 : i32
      %dma_start3A_148 = tpu.memref_slice %arg6[%dma_start3A_146, %dma_start3A_147] : memref<896x128xf32, #tpu.memory_space<vmem>> -> memref<128x128xf32, #tpu.memory_space<vmem>>
      %dma_start3A_149 = arith.constant 0 : i32
      %dma_start3A_150 = tpu.memref_slice %arg5[%dma_start3A_145, %dma_start3A_149] : memref<7x128xi32, #tpu.memory_space<vmem>> -> memref<1x128xi32, #tpu.memory_space<vmem>>
      %dma_start3A_151 = tpu.memref_squeeze %dma_start3A_150 : memref<1x128xi32, #tpu.memory_space<vmem>> -> memref<128xi32, #tpu.memory_space<vmem>>
      %dma_start3A_152 = arith.constant 0 : i32
      %dma_start3A_153 = arith.constant 0 : i32
      %dma_start3A_154 = tpu.memref_slice %arg3[%dma_start3A_152, %dma_start3A_153] : memref<512x128xf32, #tpu.memory_space<hbm>> -> memref<512x128xf32, #tpu.memory_space<hbm>>
      tpu.enqueue_indirect_dma source(%dma_start3A_154 : memref<512x128xf32, #tpu.memory_space<hbm>>) target(%dma_start3A_148 : memref<128x128xf32, #tpu.memory_space<vmem>>) offsets(%dma_start3A_151 : memref<128xi32, #tpu.memory_space<vmem>>) semaphore(%arg7 : memref<!tpu.dma_semaphore, #tpu.memory_space<semaphore_mem>>)
      %dma_wait3A_155 = arith.constant 4 : i32
      %dma_wait3A_156 = arith.constant 512 : i32
      %dma_wait3A_157 = arith.constant 0 : i32
      %dma_wait3A_158 = tpu.memref_slice %arg6[%dma_wait3A_156, %dma_wait3A_157] : memref<896x128xf32, #tpu.memory_space<vmem>> -> memref<128x128xf32, #tpu.memory_space<vmem>>
      %dma_wait3A_159 = arith.constant 0 : i32
      %dma_wait3A_160 = tpu.memref_slice %arg5[%dma_wait3A_155, %dma_wait3A_159] : memref<7x128xi32, #tpu.memory_space<vmem>> -> memref<1x128xi32, #tpu.memory_space<vmem>>
      %dma_wait3A_161 = tpu.memref_squeeze %dma_wait3A_160 : memref<1x128xi32, #tpu.memory_space<vmem>> -> memref<128xi32, #tpu.memory_space<vmem>>
      %dma_wait3A_162 = arith.constant 0 : i32
      %dma_wait3A_163 = arith.constant 0 : i32
      %dma_wait3A_164 = tpu.memref_slice %arg3[%dma_wait3A_162, %dma_wait3A_163] : memref<512x128xf32, #tpu.memory_space<hbm>> -> memref<512x128xf32, #tpu.memory_space<hbm>>
      tpu.wait_indirect_dma semaphore(%arg7 : memref<!tpu.dma_semaphore, #tpu.memory_space<semaphore_mem>>) src(%dma_wait3A_164 : memref<512x128xf32, #tpu.memory_space<hbm>>) dst(%dma_wait3A_158 : memref<128x128xf32, #tpu.memory_space<vmem>>)
      %dma_wait3A_165 = arith.constant 5 : i32
      %dma_wait3A_166 = arith.constant 640 : i32
      %dma_wait3A_167 = arith.constant 0 : i32
      %dma_wait3A_168 = tpu.memref_slice %arg6[%dma_wait3A_166, %dma_wait3A_167] : memref<896x128xf32, #tpu.memory_space<vmem>> -> memref<128x128xf32, #tpu.memory_space<vmem>>
      %dma_wait3A_169 = arith.constant 0 : i32
      %dma_wait3A_170 = tpu.memref_slice %arg5[%dma_wait3A_165, %dma_wait3A_169] : memref<7x128xi32, #tpu.memory_space<vmem>> -> memref<1x128xi32, #tpu.memory_space<vmem>>
      %dma_wait3A_171 = tpu.memref_squeeze %dma_wait3A_170 : memref<1x128xi32, #tpu.memory_space<vmem>> -> memref<128xi32, #tpu.memory_space<vmem>>
      %dma_wait3A_172 = arith.constant 0 : i32
      %dma_wait3A_173 = arith.constant 0 : i32
      %dma_wait3A_174 = tpu.memref_slice %arg3[%dma_wait3A_172, %dma_wait3A_173] : memref<512x128xf32, #tpu.memory_space<hbm>> -> memref<512x128xf32, #tpu.memory_space<hbm>>
      tpu.wait_indirect_dma semaphore(%arg7 : memref<!tpu.dma_semaphore, #tpu.memory_space<semaphore_mem>>) src(%dma_wait3A_174 : memref<512x128xf32, #tpu.memory_space<hbm>>) dst(%dma_wait3A_168 : memref<128x128xf32, #tpu.memory_space<vmem>>)
      %dma_wait3A_175 = arith.constant 6 : i32
      %dma_wait3A_176 = arith.constant 768 : i32
      %dma_wait3A_177 = arith.constant 0 : i32
      %dma_wait3A_178 = tpu.memref_slice %arg6[%dma_wait3A_176, %dma_wait3A_177] : memref<896x128xf32, #tpu.memory_space<vmem>> -> memref<128x128xf32, #tpu.memory_space<vmem>>
      %dma_wait3A_179 = arith.constant 0 : i32
      %dma_wait3A_180 = tpu.memref_slice %arg5[%dma_wait3A_175, %dma_wait3A_179] : memref<7x128xi32, #tpu.memory_space<vmem>> -> memref<1x128xi32, #tpu.memory_space<vmem>>
      %dma_wait3A_181 = tpu.memref_squeeze %dma_wait3A_180 : memref<1x128xi32, #tpu.memory_space<vmem>> -> memref<128xi32, #tpu.memory_space<vmem>>
      %dma_wait3A_182 = arith.constant 0 : i32
      %dma_wait3A_183 = arith.constant 0 : i32
      %dma_wait3A_184 = tpu.memref_slice %arg3[%dma_wait3A_182, %dma_wait3A_183] : memref<512x128xf32, #tpu.memory_space<hbm>> -> memref<512x128xf32, #tpu.memory_space<hbm>>
      tpu.wait_indirect_dma semaphore(%arg7 : memref<!tpu.dma_semaphore, #tpu.memory_space<semaphore_mem>>) src(%dma_wait3A_184 : memref<512x128xf32, #tpu.memory_space<hbm>>) dst(%dma_wait3A_178 : memref<128x128xf32, #tpu.memory_space<vmem>>)
      %mul3A_185 = arith.constant 896 : i32
      %mul3A_186 = arith.muli %add3A_22, %mul3A_185 : i32
      "tpu.region"() ({
        %run_scoped3A = tpu.sem_alloc : memref<!tpu.dma_semaphore, #tpu.memory_space<semaphore_mem>>
        %dma_start3A_187 = arith.constant 0 : i32
        %dma_start3A_188 = tpu.memref_slice %arg4[%mul3A_186, %dma_start3A_187] : memref<100000x128xf32, #tpu.memory_space<hbm>> -> memref<896x128xf32, #tpu.memory_space<hbm>>
        %dma_start3A_189 = arith.constant 0 : i32
        %dma_start3A_190 = tpu.memref_slice %arg4[%mul3A_186, %dma_start3A_189] : memref<100000x128xf32, #tpu.memory_space<hbm>> -> memref<896x128xf32, #tpu.memory_space<hbm>>
        tpu.enqueue_dma source(%arg6 : memref<896x128xf32, #tpu.memory_space<vmem>>) target(%dma_start3A_190 : memref<896x128xf32, #tpu.memory_space<hbm>>) target_semaphore(%run_scoped3A : memref<!tpu.dma_semaphore, #tpu.memory_space<semaphore_mem>>)
        %dma_wait3A_191 = arith.constant 0 : i32
        %dma_wait3A_192 = tpu.memref_slice %arg4[%mul3A_186, %dma_wait3A_191] : memref<100000x128xf32, #tpu.memory_space<hbm>> -> memref<896x128xf32, #tpu.memory_space<hbm>>
        %dma_wait3A_193 = arith.constant 0 : i32
        %dma_wait3A_194 = tpu.memref_slice %arg4[%mul3A_186, %dma_wait3A_193] : memref<100000x128xf32, #tpu.memory_space<hbm>> -> memref<896x128xf32, #tpu.memory_space<hbm>>
        tpu.wait_dma2 semaphore(%run_scoped3A : memref<!tpu.dma_semaphore, #tpu.memory_space<semaphore_mem>>) src(%arg6 : memref<896x128xf32, #tpu.memory_space<vmem>>) dst(%dma_wait3A_194 : memref<896x128xf32, #tpu.memory_space<hbm>>)
        tpu.yield
      }) : () -> ()
    } else {
    }
    %eq3A_28 = arith.constant 111 : i32
    %eq3A_29 = arith.cmpi eq, %add3A_22, %eq3A_28 : i32
    %convert_element_type3A_30 = arith.extui %eq3A_29 : i1 to i32
    %cond3A_31 = arith.constant 0 : i32
    %cond3A_32 = arith.cmpi ne, %convert_element_type3A_30, %cond3A_31 : i32
    scf.if %cond3A_32 {
      "tpu.region"() ({
        %run_scoped3A = tpu.sem_alloc : memref<!tpu.dma_semaphore, #tpu.memory_space<semaphore_mem>>
        %dma_start3A_183 = arith.constant 775 : i32
        %dma_start3A_184 = arith.constant 0 : i32
        %dma_start3A_185 = tpu.memref_slice %arg2[%dma_start3A_183, %dma_start3A_184] : memref<782x128xi32, #tpu.memory_space<hbm>> -> memref<7x128xi32, #tpu.memory_space<hbm>>
        %dma_start3A_186 = arith.constant 775 : i32
        %dma_start3A_187 = arith.constant 0 : i32
        %dma_start3A_188 = tpu.memref_slice %arg2[%dma_start3A_186, %dma_start3A_187] : memref<782x128xi32, #tpu.memory_space<hbm>> -> memref<7x128xi32, #tpu.memory_space<hbm>>
        tpu.enqueue_dma source(%dma_start3A_188 : memref<7x128xi32, #tpu.memory_space<hbm>>) target(%arg5 : memref<7x128xi32, #tpu.memory_space<vmem>>) target_semaphore(%run_scoped3A : memref<!tpu.dma_semaphore, #tpu.memory_space<semaphore_mem>>)
        %dma_wait3A_189 = arith.constant 775 : i32
        %dma_wait3A_190 = arith.constant 0 : i32
        %dma_wait3A_191 = tpu.memref_slice %arg2[%dma_wait3A_189, %dma_wait3A_190] : memref<782x128xi32, #tpu.memory_space<hbm>> -> memref<7x128xi32, #tpu.memory_space<hbm>>
        %dma_wait3A_192 = arith.constant 775 : i32
        %dma_wait3A_193 = arith.constant 0 : i32
        %dma_wait3A_194 = tpu.memref_slice %arg2[%dma_wait3A_192, %dma_wait3A_193] : memref<782x128xi32, #tpu.memory_space<hbm>> -> memref<7x128xi32, #tpu.memory_space<hbm>>
        tpu.wait_dma2 semaphore(%run_scoped3A : memref<!tpu.dma_semaphore, #tpu.memory_space<semaphore_mem>>) src(%dma_wait3A_194 : memref<7x128xi32, #tpu.memory_space<hbm>>) dst(%arg5 : memref<7x128xi32, #tpu.memory_space<vmem>>)
        tpu.yield
      }) : () -> ()
      %dma_start3A = arith.constant 0 : i32
      %dma_start3A_45 = arith.constant 0 : i32
      %dma_start3A_46 = arith.constant 0 : i32
      %dma_start3A_47 = tpu.memref_slice %arg6[%dma_start3A_45, %dma_start3A_46] : memref<896x128xf32, #tpu.memory_space<vmem>> -> memref<128x128xf32, #tpu.memory_space<vmem>>
      %dma_start3A_48 = arith.constant 0 : i32
      %dma_start3A_49 = tpu.memref_slice %arg5[%dma_start3A, %dma_start3A_48] : memref<7x128xi32, #tpu.memory_space<vmem>> -> memref<1x128xi32, #tpu.memory_space<vmem>>
      %dma_start3A_50 = tpu.memref_squeeze %dma_start3A_49 : memref<1x128xi32, #tpu.memory_space<vmem>> -> memref<128xi32, #tpu.memory_space<vmem>>
      %dma_start3A_51 = arith.constant 0 : i32
      %dma_start3A_52 = arith.constant 0 : i32
      %dma_start3A_53 = tpu.memref_slice %arg3[%dma_start3A_51, %dma_start3A_52] : memref<512x128xf32, #tpu.memory_space<hbm>> -> memref<512x128xf32, #tpu.memory_space<hbm>>
      tpu.enqueue_indirect_dma source(%dma_start3A_53 : memref<512x128xf32, #tpu.memory_space<hbm>>) target(%dma_start3A_47 : memref<128x128xf32, #tpu.memory_space<vmem>>) offsets(%dma_start3A_50 : memref<128xi32, #tpu.memory_space<vmem>>) semaphore(%arg7 : memref<!tpu.dma_semaphore, #tpu.memory_space<semaphore_mem>>)
      %dma_start3A_54 = arith.constant 1 : i32
      %dma_start3A_55 = arith.constant 128 : i32
      %dma_start3A_56 = arith.constant 0 : i32
      %dma_start3A_57 = tpu.memref_slice %arg6[%dma_start3A_55, %dma_start3A_56] : memref<896x128xf32, #tpu.memory_space<vmem>> -> memref<128x128xf32, #tpu.memory_space<vmem>>
      %dma_start3A_58 = arith.constant 0 : i32
      %dma_start3A_59 = tpu.memref_slice %arg5[%dma_start3A_54, %dma_start3A_58] : memref<7x128xi32, #tpu.memory_space<vmem>> -> memref<1x128xi32, #tpu.memory_space<vmem>>
      %dma_start3A_60 = tpu.memref_squeeze %dma_start3A_59 : memref<1x128xi32, #tpu.memory_space<vmem>> -> memref<128xi32, #tpu.memory_space<vmem>>
      %dma_start3A_61 = arith.constant 0 : i32
      %dma_start3A_62 = arith.constant 0 : i32
      %dma_start3A_63 = tpu.memref_slice %arg3[%dma_start3A_61, %dma_start3A_62] : memref<512x128xf32, #tpu.memory_space<hbm>> -> memref<512x128xf32, #tpu.memory_space<hbm>>
      tpu.enqueue_indirect_dma source(%dma_start3A_63 : memref<512x128xf32, #tpu.memory_space<hbm>>) target(%dma_start3A_57 : memref<128x128xf32, #tpu.memory_space<vmem>>) offsets(%dma_start3A_60 : memref<128xi32, #tpu.memory_space<vmem>>) semaphore(%arg7 : memref<!tpu.dma_semaphore, #tpu.memory_space<semaphore_mem>>)
      %dma_start3A_64 = arith.constant 2 : i32
      %dma_start3A_65 = arith.constant 256 : i32
      %dma_start3A_66 = arith.constant 0 : i32
      %dma_start3A_67 = tpu.memref_slice %arg6[%dma_start3A_65, %dma_start3A_66] : memref<896x128xf32, #tpu.memory_space<vmem>> -> memref<128x128xf32, #tpu.memory_space<vmem>>
      %dma_start3A_68 = arith.constant 0 : i32
      %dma_start3A_69 = tpu.memref_slice %arg5[%dma_start3A_64, %dma_start3A_68] : memref<7x128xi32, #tpu.memory_space<vmem>> -> memref<1x128xi32, #tpu.memory_space<vmem>>
      %dma_start3A_70 = tpu.memref_squeeze %dma_start3A_69 : memref<1x128xi32, #tpu.memory_space<vmem>> -> memref<128xi32, #tpu.memory_space<vmem>>
      %dma_start3A_71 = arith.constant 0 : i32
      %dma_start3A_72 = arith.constant 0 : i32
      %dma_start3A_73 = tpu.memref_slice %arg3[%dma_start3A_71, %dma_start3A_72] : memref<512x128xf32, #tpu.memory_space<hbm>> -> memref<512x128xf32, #tpu.memory_space<hbm>>
      tpu.enqueue_indirect_dma source(%dma_start3A_73 : memref<512x128xf32, #tpu.memory_space<hbm>>) target(%dma_start3A_67 : memref<128x128xf32, #tpu.memory_space<vmem>>) offsets(%dma_start3A_70 : memref<128xi32, #tpu.memory_space<vmem>>) semaphore(%arg7 : memref<!tpu.dma_semaphore, #tpu.memory_space<semaphore_mem>>)
      %dma_start3A_74 = arith.constant 3 : i32
      %dma_start3A_75 = arith.constant 384 : i32
      %dma_start3A_76 = arith.constant 0 : i32
      %dma_start3A_77 = tpu.memref_slice %arg6[%dma_start3A_75, %dma_start3A_76] : memref<896x128xf32, #tpu.memory_space<vmem>> -> memref<128x128xf32, #tpu.memory_space<vmem>>
      %dma_start3A_78 = arith.constant 0 : i32
      %dma_start3A_79 = tpu.memref_slice %arg5[%dma_start3A_74, %dma_start3A_78] : memref<7x128xi32, #tpu.memory_space<vmem>> -> memref<1x128xi32, #tpu.memory_space<vmem>>
      %dma_start3A_80 = tpu.memref_squeeze %dma_start3A_79 : memref<1x128xi32, #tpu.memory_space<vmem>> -> memref<128xi32, #tpu.memory_space<vmem>>
      %dma_start3A_81 = arith.constant 0 : i32
      %dma_start3A_82 = arith.constant 0 : i32
      %dma_start3A_83 = tpu.memref_slice %arg3[%dma_start3A_81, %dma_start3A_82] : memref<512x128xf32, #tpu.memory_space<hbm>> -> memref<512x128xf32, #tpu.memory_space<hbm>>
      tpu.enqueue_indirect_dma source(%dma_start3A_83 : memref<512x128xf32, #tpu.memory_space<hbm>>) target(%dma_start3A_77 : memref<128x128xf32, #tpu.memory_space<vmem>>) offsets(%dma_start3A_80 : memref<128xi32, #tpu.memory_space<vmem>>) semaphore(%arg7 : memref<!tpu.dma_semaphore, #tpu.memory_space<semaphore_mem>>)
      %dma_wait3A = arith.constant 0 : i32
      %dma_wait3A_84 = arith.constant 0 : i32
      %dma_wait3A_85 = arith.constant 0 : i32
      %dma_wait3A_86 = tpu.memref_slice %arg6[%dma_wait3A_84, %dma_wait3A_85] : memref<896x128xf32, #tpu.memory_space<vmem>> -> memref<128x128xf32, #tpu.memory_space<vmem>>
      %dma_wait3A_87 = arith.constant 0 : i32
      %dma_wait3A_88 = tpu.memref_slice %arg5[%dma_wait3A, %dma_wait3A_87] : memref<7x128xi32, #tpu.memory_space<vmem>> -> memref<1x128xi32, #tpu.memory_space<vmem>>
      %dma_wait3A_89 = tpu.memref_squeeze %dma_wait3A_88 : memref<1x128xi32, #tpu.memory_space<vmem>> -> memref<128xi32, #tpu.memory_space<vmem>>
      %dma_wait3A_90 = arith.constant 0 : i32
      %dma_wait3A_91 = arith.constant 0 : i32
      %dma_wait3A_92 = tpu.memref_slice %arg3[%dma_wait3A_90, %dma_wait3A_91] : memref<512x128xf32, #tpu.memory_space<hbm>> -> memref<512x128xf32, #tpu.memory_space<hbm>>
      tpu.wait_indirect_dma semaphore(%arg7 : memref<!tpu.dma_semaphore, #tpu.memory_space<semaphore_mem>>) src(%dma_wait3A_92 : memref<512x128xf32, #tpu.memory_space<hbm>>) dst(%dma_wait3A_86 : memref<128x128xf32, #tpu.memory_space<vmem>>)
      %dma_wait3A_93 = arith.constant 1 : i32
      %dma_wait3A_94 = arith.constant 128 : i32
      %dma_wait3A_95 = arith.constant 0 : i32
      %dma_wait3A_96 = tpu.memref_slice %arg6[%dma_wait3A_94, %dma_wait3A_95] : memref<896x128xf32, #tpu.memory_space<vmem>> -> memref<128x128xf32, #tpu.memory_space<vmem>>
      %dma_wait3A_97 = arith.constant 0 : i32
      %dma_wait3A_98 = tpu.memref_slice %arg5[%dma_wait3A_93, %dma_wait3A_97] : memref<7x128xi32, #tpu.memory_space<vmem>> -> memref<1x128xi32, #tpu.memory_space<vmem>>
      %dma_wait3A_99 = tpu.memref_squeeze %dma_wait3A_98 : memref<1x128xi32, #tpu.memory_space<vmem>> -> memref<128xi32, #tpu.memory_space<vmem>>
      %dma_wait3A_100 = arith.constant 0 : i32
      %dma_wait3A_101 = arith.constant 0 : i32
      %dma_wait3A_102 = tpu.memref_slice %arg3[%dma_wait3A_100, %dma_wait3A_101] : memref<512x128xf32, #tpu.memory_space<hbm>> -> memref<512x128xf32, #tpu.memory_space<hbm>>
      tpu.wait_indirect_dma semaphore(%arg7 : memref<!tpu.dma_semaphore, #tpu.memory_space<semaphore_mem>>) src(%dma_wait3A_102 : memref<512x128xf32, #tpu.memory_space<hbm>>) dst(%dma_wait3A_96 : memref<128x128xf32, #tpu.memory_space<vmem>>)
      %dma_wait3A_103 = arith.constant 2 : i32
      %dma_wait3A_104 = arith.constant 256 : i32
      %dma_wait3A_105 = arith.constant 0 : i32
      %dma_wait3A_106 = tpu.memref_slice %arg6[%dma_wait3A_104, %dma_wait3A_105] : memref<896x128xf32, #tpu.memory_space<vmem>> -> memref<128x128xf32, #tpu.memory_space<vmem>>
      %dma_wait3A_107 = arith.constant 0 : i32
      %dma_wait3A_108 = tpu.memref_slice %arg5[%dma_wait3A_103, %dma_wait3A_107] : memref<7x128xi32, #tpu.memory_space<vmem>> -> memref<1x128xi32, #tpu.memory_space<vmem>>
      %dma_wait3A_109 = tpu.memref_squeeze %dma_wait3A_108 : memref<1x128xi32, #tpu.memory_space<vmem>> -> memref<128xi32, #tpu.memory_space<vmem>>
      %dma_wait3A_110 = arith.constant 0 : i32
      %dma_wait3A_111 = arith.constant 0 : i32
      %dma_wait3A_112 = tpu.memref_slice %arg3[%dma_wait3A_110, %dma_wait3A_111] : memref<512x128xf32, #tpu.memory_space<hbm>> -> memref<512x128xf32, #tpu.memory_space<hbm>>
      tpu.wait_indirect_dma semaphore(%arg7 : memref<!tpu.dma_semaphore, #tpu.memory_space<semaphore_mem>>) src(%dma_wait3A_112 : memref<512x128xf32, #tpu.memory_space<hbm>>) dst(%dma_wait3A_106 : memref<128x128xf32, #tpu.memory_space<vmem>>)
      %dma_wait3A_113 = arith.constant 3 : i32
      %dma_wait3A_114 = arith.constant 384 : i32
      %dma_wait3A_115 = arith.constant 0 : i32
      %dma_wait3A_116 = tpu.memref_slice %arg6[%dma_wait3A_114, %dma_wait3A_115] : memref<896x128xf32, #tpu.memory_space<vmem>> -> memref<128x128xf32, #tpu.memory_space<vmem>>
      %dma_wait3A_117 = arith.constant 0 : i32
      %dma_wait3A_118 = tpu.memref_slice %arg5[%dma_wait3A_113, %dma_wait3A_117] : memref<7x128xi32, #tpu.memory_space<vmem>> -> memref<1x128xi32, #tpu.memory_space<vmem>>
      %dma_wait3A_119 = tpu.memref_squeeze %dma_wait3A_118 : memref<1x128xi32, #tpu.memory_space<vmem>> -> memref<128xi32, #tpu.memory_space<vmem>>
      %dma_wait3A_120 = arith.constant 0 : i32
      %dma_wait3A_121 = arith.constant 0 : i32
      %dma_wait3A_122 = tpu.memref_slice %arg3[%dma_wait3A_120, %dma_wait3A_121] : memref<512x128xf32, #tpu.memory_space<hbm>> -> memref<512x128xf32, #tpu.memory_space<hbm>>
      tpu.wait_indirect_dma semaphore(%arg7 : memref<!tpu.dma_semaphore, #tpu.memory_space<semaphore_mem>>) src(%dma_wait3A_122 : memref<512x128xf32, #tpu.memory_space<hbm>>) dst(%dma_wait3A_116 : memref<128x128xf32, #tpu.memory_space<vmem>>)
      %dma_start3A_123 = arith.constant 4 : i32
      %dma_start3A_124 = arith.constant 512 : i32
      %dma_start3A_125 = arith.constant 0 : i32
      %dma_start3A_126 = tpu.memref_slice %arg6[%dma_start3A_124, %dma_start3A_125] : memref<896x128xf32, #tpu.memory_space<vmem>> -> memref<128x128xf32, #tpu.memory_space<vmem>>
      %dma_start3A_127 = arith.constant 0 : i32
      %dma_start3A_128 = tpu.memref_slice %arg5[%dma_start3A_123, %dma_start3A_127] : memref<7x128xi32, #tpu.memory_space<vmem>> -> memref<1x128xi32, #tpu.memory_space<vmem>>
      %dma_start3A_129 = tpu.memref_squeeze %dma_start3A_128 : memref<1x128xi32, #tpu.memory_space<vmem>> -> memref<128xi32, #tpu.memory_space<vmem>>
      %dma_start3A_130 = arith.constant 0 : i32
      %dma_start3A_131 = arith.constant 0 : i32
      %dma_start3A_132 = tpu.memref_slice %arg3[%dma_start3A_130, %dma_start3A_131] : memref<512x128xf32, #tpu.memory_space<hbm>> -> memref<512x128xf32, #tpu.memory_space<hbm>>
      tpu.enqueue_indirect_dma source(%dma_start3A_132 : memref<512x128xf32, #tpu.memory_space<hbm>>) target(%dma_start3A_126 : memref<128x128xf32, #tpu.memory_space<vmem>>) offsets(%dma_start3A_129 : memref<128xi32, #tpu.memory_space<vmem>>) semaphore(%arg7 : memref<!tpu.dma_semaphore, #tpu.memory_space<semaphore_mem>>)
      %dma_start3A_133 = arith.constant 5 : i32
      %dma_start3A_134 = arith.constant 640 : i32
      %dma_start3A_135 = arith.constant 0 : i32
      %dma_start3A_136 = tpu.memref_slice %arg6[%dma_start3A_134, %dma_start3A_135] : memref<896x128xf32, #tpu.memory_space<vmem>> -> memref<128x128xf32, #tpu.memory_space<vmem>>
      %dma_start3A_137 = arith.constant 0 : i32
      %dma_start3A_138 = tpu.memref_slice %arg5[%dma_start3A_133, %dma_start3A_137] : memref<7x128xi32, #tpu.memory_space<vmem>> -> memref<1x128xi32, #tpu.memory_space<vmem>>
      %dma_start3A_139 = tpu.memref_squeeze %dma_start3A_138 : memref<1x128xi32, #tpu.memory_space<vmem>> -> memref<128xi32, #tpu.memory_space<vmem>>
      %dma_start3A_140 = arith.constant 0 : i32
      %dma_start3A_141 = arith.constant 0 : i32
      %dma_start3A_142 = tpu.memref_slice %arg3[%dma_start3A_140, %dma_start3A_141] : memref<512x128xf32, #tpu.memory_space<hbm>> -> memref<512x128xf32, #tpu.memory_space<hbm>>
      tpu.enqueue_indirect_dma source(%dma_start3A_142 : memref<512x128xf32, #tpu.memory_space<hbm>>) target(%dma_start3A_136 : memref<128x128xf32, #tpu.memory_space<vmem>>) offsets(%dma_start3A_139 : memref<128xi32, #tpu.memory_space<vmem>>) semaphore(%arg7 : memref<!tpu.dma_semaphore, #tpu.memory_space<semaphore_mem>>)
      %dma_start3A_143 = arith.constant 6 : i32
      %dma_start3A_144 = arith.constant 768 : i32
      %dma_start3A_145 = arith.constant 0 : i32
      %dma_start3A_146 = tpu.memref_slice %arg6[%dma_start3A_144, %dma_start3A_145] : memref<896x128xf32, #tpu.memory_space<vmem>> -> memref<128x128xf32, #tpu.memory_space<vmem>>
      %dma_start3A_147 = arith.constant 0 : i32
      %dma_start3A_148 = tpu.memref_slice %arg5[%dma_start3A_143, %dma_start3A_147] : memref<7x128xi32, #tpu.memory_space<vmem>> -> memref<1x128xi32, #tpu.memory_space<vmem>>
      %dma_start3A_149 = tpu.memref_squeeze %dma_start3A_148 : memref<1x128xi32, #tpu.memory_space<vmem>> -> memref<128xi32, #tpu.memory_space<vmem>>
      %dma_start3A_150 = arith.constant 0 : i32
      %dma_start3A_151 = arith.constant 0 : i32
      %dma_start3A_152 = tpu.memref_slice %arg3[%dma_start3A_150, %dma_start3A_151] : memref<512x128xf32, #tpu.memory_space<hbm>> -> memref<512x128xf32, #tpu.memory_space<hbm>>
      tpu.enqueue_indirect_dma source(%dma_start3A_152 : memref<512x128xf32, #tpu.memory_space<hbm>>) target(%dma_start3A_146 : memref<128x128xf32, #tpu.memory_space<vmem>>) offsets(%dma_start3A_149 : memref<128xi32, #tpu.memory_space<vmem>>) semaphore(%arg7 : memref<!tpu.dma_semaphore, #tpu.memory_space<semaphore_mem>>)
      %dma_wait3A_153 = arith.constant 4 : i32
      %dma_wait3A_154 = arith.constant 512 : i32
      %dma_wait3A_155 = arith.constant 0 : i32
      %dma_wait3A_156 = tpu.memref_slice %arg6[%dma_wait3A_154, %dma_wait3A_155] : memref<896x128xf32, #tpu.memory_space<vmem>> -> memref<128x128xf32, #tpu.memory_space<vmem>>
      %dma_wait3A_157 = arith.constant 0 : i32
      %dma_wait3A_158 = tpu.memref_slice %arg5[%dma_wait3A_153, %dma_wait3A_157] : memref<7x128xi32, #tpu.memory_space<vmem>> -> memref<1x128xi32, #tpu.memory_space<vmem>>
      %dma_wait3A_159 = tpu.memref_squeeze %dma_wait3A_158 : memref<1x128xi32, #tpu.memory_space<vmem>> -> memref<128xi32, #tpu.memory_space<vmem>>
      %dma_wait3A_160 = arith.constant 0 : i32
      %dma_wait3A_161 = arith.constant 0 : i32
      %dma_wait3A_162 = tpu.memref_slice %arg3[%dma_wait3A_160, %dma_wait3A_161] : memref<512x128xf32, #tpu.memory_space<hbm>> -> memref<512x128xf32, #tpu.memory_space<hbm>>
      tpu.wait_indirect_dma semaphore(%arg7 : memref<!tpu.dma_semaphore, #tpu.memory_space<semaphore_mem>>) src(%dma_wait3A_162 : memref<512x128xf32, #tpu.memory_space<hbm>>) dst(%dma_wait3A_156 : memref<128x128xf32, #tpu.memory_space<vmem>>)
      %dma_wait3A_163 = arith.constant 5 : i32
      %dma_wait3A_164 = arith.constant 640 : i32
      %dma_wait3A_165 = arith.constant 0 : i32
      %dma_wait3A_166 = tpu.memref_slice %arg6[%dma_wait3A_164, %dma_wait3A_165] : memref<896x128xf32, #tpu.memory_space<vmem>> -> memref<128x128xf32, #tpu.memory_space<vmem>>
      %dma_wait3A_167 = arith.constant 0 : i32
      %dma_wait3A_168 = tpu.memref_slice %arg5[%dma_wait3A_163, %dma_wait3A_167] : memref<7x128xi32, #tpu.memory_space<vmem>> -> memref<1x128xi32, #tpu.memory_space<vmem>>
      %dma_wait3A_169 = tpu.memref_squeeze %dma_wait3A_168 : memref<1x128xi32, #tpu.memory_space<vmem>> -> memref<128xi32, #tpu.memory_space<vmem>>
      %dma_wait3A_170 = arith.constant 0 : i32
      %dma_wait3A_171 = arith.constant 0 : i32
      %dma_wait3A_172 = tpu.memref_slice %arg3[%dma_wait3A_170, %dma_wait3A_171] : memref<512x128xf32, #tpu.memory_space<hbm>> -> memref<512x128xf32, #tpu.memory_space<hbm>>
      tpu.wait_indirect_dma semaphore(%arg7 : memref<!tpu.dma_semaphore, #tpu.memory_space<semaphore_mem>>) src(%dma_wait3A_172 : memref<512x128xf32, #tpu.memory_space<hbm>>) dst(%dma_wait3A_166 : memref<128x128xf32, #tpu.memory_space<vmem>>)
      %dma_wait3A_173 = arith.constant 6 : i32
      %dma_wait3A_174 = arith.constant 768 : i32
      %dma_wait3A_175 = arith.constant 0 : i32
      %dma_wait3A_176 = tpu.memref_slice %arg6[%dma_wait3A_174, %dma_wait3A_175] : memref<896x128xf32, #tpu.memory_space<vmem>> -> memref<128x128xf32, #tpu.memory_space<vmem>>
      %dma_wait3A_177 = arith.constant 0 : i32
      %dma_wait3A_178 = tpu.memref_slice %arg5[%dma_wait3A_173, %dma_wait3A_177] : memref<7x128xi32, #tpu.memory_space<vmem>> -> memref<1x128xi32, #tpu.memory_space<vmem>>
      %dma_wait3A_179 = tpu.memref_squeeze %dma_wait3A_178 : memref<1x128xi32, #tpu.memory_space<vmem>> -> memref<128xi32, #tpu.memory_space<vmem>>
      %dma_wait3A_180 = arith.constant 0 : i32
      %dma_wait3A_181 = arith.constant 0 : i32
      %dma_wait3A_182 = tpu.memref_slice %arg3[%dma_wait3A_180, %dma_wait3A_181] : memref<512x128xf32, #tpu.memory_space<hbm>> -> memref<512x128xf32, #tpu.memory_space<hbm>>
      tpu.wait_indirect_dma semaphore(%arg7 : memref<!tpu.dma_semaphore, #tpu.memory_space<semaphore_mem>>) src(%dma_wait3A_182 : memref<512x128xf32, #tpu.memory_space<hbm>>) dst(%dma_wait3A_176 : memref<128x128xf32, #tpu.memory_space<vmem>>)
      "tpu.region"() ({
        %run_scoped3A = tpu.sem_alloc : memref<!tpu.dma_semaphore, #tpu.memory_space<semaphore_mem>>
        %dma_start3A_183 = arith.constant 256 : i32
        %dma_start3A_184 = arith.constant 0 : i32
        %dma_start3A_185 = tpu.memref_slice %arg6[%dma_start3A_183, %dma_start3A_184] : memref<896x128xf32, #tpu.memory_space<vmem>> -> memref<544x128xf32, #tpu.memory_space<vmem>>
        %dma_start3A_186 = arith.constant 99456 : i32
        %dma_start3A_187 = arith.constant 0 : i32
        %dma_start3A_188 = tpu.memref_slice %arg4[%dma_start3A_186, %dma_start3A_187] : memref<100000x128xf32, #tpu.memory_space<hbm>> -> memref<544x128xf32, #tpu.memory_space<hbm>>
        %dma_start3A_189 = arith.constant 99456 : i32
        %dma_start3A_190 = arith.constant 0 : i32
        %dma_start3A_191 = tpu.memref_slice %arg4[%dma_start3A_189, %dma_start3A_190] : memref<100000x128xf32, #tpu.memory_space<hbm>> -> memref<544x128xf32, #tpu.memory_space<hbm>>
        %dma_start3A_192 = arith.constant 256 : i32
        %dma_start3A_193 = arith.constant 0 : i32
        %dma_start3A_194 = tpu.memref_slice %arg6[%dma_start3A_192, %dma_start3A_193] : memref<896x128xf32, #tpu.memory_space<vmem>> -> memref<544x128xf32, #tpu.memory_space<vmem>>
        tpu.enqueue_dma source(%dma_start3A_194 : memref<544x128xf32, #tpu.memory_space<vmem>>) target(%dma_start3A_191 : memref<544x128xf32, #tpu.memory_space<hbm>>) target_semaphore(%run_scoped3A : memref<!tpu.dma_semaphore, #tpu.memory_space<semaphore_mem>>)
        %dma_wait3A_195 = arith.constant 256 : i32
        %dma_wait3A_196 = arith.constant 0 : i32
        %dma_wait3A_197 = tpu.memref_slice %arg6[%dma_wait3A_195, %dma_wait3A_196] : memref<896x128xf32, #tpu.memory_space<vmem>> -> memref<544x128xf32, #tpu.memory_space<vmem>>
        %dma_wait3A_198 = arith.constant 99456 : i32
        %dma_wait3A_199 = arith.constant 0 : i32
        %dma_wait3A_200 = tpu.memref_slice %arg4[%dma_wait3A_198, %dma_wait3A_199] : memref<100000x128xf32, #tpu.memory_space<hbm>> -> memref<544x128xf32, #tpu.memory_space<hbm>>
        %dma_wait3A_201 = arith.constant 99456 : i32
        %dma_wait3A_202 = arith.constant 0 : i32
        %dma_wait3A_203 = tpu.memref_slice %arg4[%dma_wait3A_201, %dma_wait3A_202] : memref<100000x128xf32, #tpu.memory_space<hbm>> -> memref<544x128xf32, #tpu.memory_space<hbm>>
        %dma_wait3A_204 = arith.constant 256 : i32
        %dma_wait3A_205 = arith.constant 0 : i32
        %dma_wait3A_206 = tpu.memref_slice %arg6[%dma_wait3A_204, %dma_wait3A_205] : memref<896x128xf32, #tpu.memory_space<vmem>> -> memref<544x128xf32, #tpu.memory_space<vmem>>
        tpu.wait_dma2 semaphore(%run_scoped3A : memref<!tpu.dma_semaphore, #tpu.memory_space<semaphore_mem>>) src(%dma_wait3A_206 : memref<544x128xf32, #tpu.memory_space<vmem>>) dst(%dma_wait3A_203 : memref<544x128xf32, #tpu.memory_space<hbm>>)
        tpu.yield
      }) : () -> ()
    } else {
    }
    %add3A_33 = arith.constant 96 : i32
    %add3A_34 = arith.addi %add3A, %add3A_33 : i32
    %lt3A_35 = arith.constant 111 : i32
    %lt3A_36 = arith.cmpi slt, %add3A_34, %lt3A_35 : i32
    %convert_element_type3A_37 = arith.extui %lt3A_36 : i1 to i32
    %cond3A_38 = arith.constant 0 : i32
    %cond3A_39 = arith.cmpi ne, %convert_element_type3A_37, %cond3A_38 : i32
    scf.if %cond3A_39 {
      %mul3A_45 = arith.constant 7 : i32
      %mul3A_46 = arith.muli %add3A_34, %mul3A_45 : i32
      "tpu.region"() ({
        %run_scoped3A = tpu.sem_alloc : memref<!tpu.dma_semaphore, #tpu.memory_space<semaphore_mem>>
        %dma_start3A_187 = arith.constant 0 : i32
        %dma_start3A_188 = tpu.memref_slice %arg2[%mul3A_46, %dma_start3A_187] : memref<782x128xi32, #tpu.memory_space<hbm>> -> memref<7x128xi32, #tpu.memory_space<hbm>>
        %dma_start3A_189 = arith.constant 0 : i32
        %dma_start3A_190 = tpu.memref_slice %arg2[%mul3A_46, %dma_start3A_189] : memref<782x128xi32, #tpu.memory_space<hbm>> -> memref<7x128xi32, #tpu.memory_space<hbm>>
        tpu.enqueue_dma source(%dma_start3A_190 : memref<7x128xi32, #tpu.memory_space<hbm>>) target(%arg5 : memref<7x128xi32, #tpu.memory_space<vmem>>) target_semaphore(%run_scoped3A : memref<!tpu.dma_semaphore, #tpu.memory_space<semaphore_mem>>)
        %dma_wait3A_191 = arith.constant 0 : i32
        %dma_wait3A_192 = tpu.memref_slice %arg2[%mul3A_46, %dma_wait3A_191] : memref<782x128xi32, #tpu.memory_space<hbm>> -> memref<7x128xi32, #tpu.memory_space<hbm>>
        %dma_wait3A_193 = arith.constant 0 : i32
        %dma_wait3A_194 = tpu.memref_slice %arg2[%mul3A_46, %dma_wait3A_193] : memref<782x128xi32, #tpu.memory_space<hbm>> -> memref<7x128xi32, #tpu.memory_space<hbm>>
        tpu.wait_dma2 semaphore(%run_scoped3A : memref<!tpu.dma_semaphore, #tpu.memory_space<semaphore_mem>>) src(%dma_wait3A_194 : memref<7x128xi32, #tpu.memory_space<hbm>>) dst(%arg5 : memref<7x128xi32, #tpu.memory_space<vmem>>)
        tpu.yield
      }) : () -> ()
      %dma_start3A = arith.constant 0 : i32
      %dma_start3A_47 = arith.constant 0 : i32
      %dma_start3A_48 = arith.constant 0 : i32
      %dma_start3A_49 = tpu.memref_slice %arg6[%dma_start3A_47, %dma_start3A_48] : memref<896x128xf32, #tpu.memory_space<vmem>> -> memref<128x128xf32, #tpu.memory_space<vmem>>
      %dma_start3A_50 = arith.constant 0 : i32
      %dma_start3A_51 = tpu.memref_slice %arg5[%dma_start3A, %dma_start3A_50] : memref<7x128xi32, #tpu.memory_space<vmem>> -> memref<1x128xi32, #tpu.memory_space<vmem>>
      %dma_start3A_52 = tpu.memref_squeeze %dma_start3A_51 : memref<1x128xi32, #tpu.memory_space<vmem>> -> memref<128xi32, #tpu.memory_space<vmem>>
      %dma_start3A_53 = arith.constant 0 : i32
      %dma_start3A_54 = arith.constant 0 : i32
      %dma_start3A_55 = tpu.memref_slice %arg3[%dma_start3A_53, %dma_start3A_54] : memref<512x128xf32, #tpu.memory_space<hbm>> -> memref<512x128xf32, #tpu.memory_space<hbm>>
      tpu.enqueue_indirect_dma source(%dma_start3A_55 : memref<512x128xf32, #tpu.memory_space<hbm>>) target(%dma_start3A_49 : memref<128x128xf32, #tpu.memory_space<vmem>>) offsets(%dma_start3A_52 : memref<128xi32, #tpu.memory_space<vmem>>) semaphore(%arg7 : memref<!tpu.dma_semaphore, #tpu.memory_space<semaphore_mem>>)
      %dma_start3A_56 = arith.constant 1 : i32
      %dma_start3A_57 = arith.constant 128 : i32
      %dma_start3A_58 = arith.constant 0 : i32
      %dma_start3A_59 = tpu.memref_slice %arg6[%dma_start3A_57, %dma_start3A_58] : memref<896x128xf32, #tpu.memory_space<vmem>> -> memref<128x128xf32, #tpu.memory_space<vmem>>
      %dma_start3A_60 = arith.constant 0 : i32
      %dma_start3A_61 = tpu.memref_slice %arg5[%dma_start3A_56, %dma_start3A_60] : memref<7x128xi32, #tpu.memory_space<vmem>> -> memref<1x128xi32, #tpu.memory_space<vmem>>
      %dma_start3A_62 = tpu.memref_squeeze %dma_start3A_61 : memref<1x128xi32, #tpu.memory_space<vmem>> -> memref<128xi32, #tpu.memory_space<vmem>>
      %dma_start3A_63 = arith.constant 0 : i32
      %dma_start3A_64 = arith.constant 0 : i32
      %dma_start3A_65 = tpu.memref_slice %arg3[%dma_start3A_63, %dma_start3A_64] : memref<512x128xf32, #tpu.memory_space<hbm>> -> memref<512x128xf32, #tpu.memory_space<hbm>>
      tpu.enqueue_indirect_dma source(%dma_start3A_65 : memref<512x128xf32, #tpu.memory_space<hbm>>) target(%dma_start3A_59 : memref<128x128xf32, #tpu.memory_space<vmem>>) offsets(%dma_start3A_62 : memref<128xi32, #tpu.memory_space<vmem>>) semaphore(%arg7 : memref<!tpu.dma_semaphore, #tpu.memory_space<semaphore_mem>>)
      %dma_start3A_66 = arith.constant 2 : i32
      %dma_start3A_67 = arith.constant 256 : i32
      %dma_start3A_68 = arith.constant 0 : i32
      %dma_start3A_69 = tpu.memref_slice %arg6[%dma_start3A_67, %dma_start3A_68] : memref<896x128xf32, #tpu.memory_space<vmem>> -> memref<128x128xf32, #tpu.memory_space<vmem>>
      %dma_start3A_70 = arith.constant 0 : i32
      %dma_start3A_71 = tpu.memref_slice %arg5[%dma_start3A_66, %dma_start3A_70] : memref<7x128xi32, #tpu.memory_space<vmem>> -> memref<1x128xi32, #tpu.memory_space<vmem>>
      %dma_start3A_72 = tpu.memref_squeeze %dma_start3A_71 : memref<1x128xi32, #tpu.memory_space<vmem>> -> memref<128xi32, #tpu.memory_space<vmem>>
      %dma_start3A_73 = arith.constant 0 : i32
      %dma_start3A_74 = arith.constant 0 : i32
      %dma_start3A_75 = tpu.memref_slice %arg3[%dma_start3A_73, %dma_start3A_74] : memref<512x128xf32, #tpu.memory_space<hbm>> -> memref<512x128xf32, #tpu.memory_space<hbm>>
      tpu.enqueue_indirect_dma source(%dma_start3A_75 : memref<512x128xf32, #tpu.memory_space<hbm>>) target(%dma_start3A_69 : memref<128x128xf32, #tpu.memory_space<vmem>>) offsets(%dma_start3A_72 : memref<128xi32, #tpu.memory_space<vmem>>) semaphore(%arg7 : memref<!tpu.dma_semaphore, #tpu.memory_space<semaphore_mem>>)
      %dma_start3A_76 = arith.constant 3 : i32
      %dma_start3A_77 = arith.constant 384 : i32
      %dma_start3A_78 = arith.constant 0 : i32
      %dma_start3A_79 = tpu.memref_slice %arg6[%dma_start3A_77, %dma_start3A_78] : memref<896x128xf32, #tpu.memory_space<vmem>> -> memref<128x128xf32, #tpu.memory_space<vmem>>
      %dma_start3A_80 = arith.constant 0 : i32
      %dma_start3A_81 = tpu.memref_slice %arg5[%dma_start3A_76, %dma_start3A_80] : memref<7x128xi32, #tpu.memory_space<vmem>> -> memref<1x128xi32, #tpu.memory_space<vmem>>
      %dma_start3A_82 = tpu.memref_squeeze %dma_start3A_81 : memref<1x128xi32, #tpu.memory_space<vmem>> -> memref<128xi32, #tpu.memory_space<vmem>>
      %dma_start3A_83 = arith.constant 0 : i32
      %dma_start3A_84 = arith.constant 0 : i32
      %dma_start3A_85 = tpu.memref_slice %arg3[%dma_start3A_83, %dma_start3A_84] : memref<512x128xf32, #tpu.memory_space<hbm>> -> memref<512x128xf32, #tpu.memory_space<hbm>>
      tpu.enqueue_indirect_dma source(%dma_start3A_85 : memref<512x128xf32, #tpu.memory_space<hbm>>) target(%dma_start3A_79 : memref<128x128xf32, #tpu.memory_space<vmem>>) offsets(%dma_start3A_82 : memref<128xi32, #tpu.memory_space<vmem>>) semaphore(%arg7 : memref<!tpu.dma_semaphore, #tpu.memory_space<semaphore_mem>>)
      %dma_wait3A = arith.constant 0 : i32
      %dma_wait3A_86 = arith.constant 0 : i32
      %dma_wait3A_87 = arith.constant 0 : i32
      %dma_wait3A_88 = tpu.memref_slice %arg6[%dma_wait3A_86, %dma_wait3A_87] : memref<896x128xf32, #tpu.memory_space<vmem>> -> memref<128x128xf32, #tpu.memory_space<vmem>>
      %dma_wait3A_89 = arith.constant 0 : i32
      %dma_wait3A_90 = tpu.memref_slice %arg5[%dma_wait3A, %dma_wait3A_89] : memref<7x128xi32, #tpu.memory_space<vmem>> -> memref<1x128xi32, #tpu.memory_space<vmem>>
      %dma_wait3A_91 = tpu.memref_squeeze %dma_wait3A_90 : memref<1x128xi32, #tpu.memory_space<vmem>> -> memref<128xi32, #tpu.memory_space<vmem>>
      %dma_wait3A_92 = arith.constant 0 : i32
      %dma_wait3A_93 = arith.constant 0 : i32
      %dma_wait3A_94 = tpu.memref_slice %arg3[%dma_wait3A_92, %dma_wait3A_93] : memref<512x128xf32, #tpu.memory_space<hbm>> -> memref<512x128xf32, #tpu.memory_space<hbm>>
      tpu.wait_indirect_dma semaphore(%arg7 : memref<!tpu.dma_semaphore, #tpu.memory_space<semaphore_mem>>) src(%dma_wait3A_94 : memref<512x128xf32, #tpu.memory_space<hbm>>) dst(%dma_wait3A_88 : memref<128x128xf32, #tpu.memory_space<vmem>>)
      %dma_wait3A_95 = arith.constant 1 : i32
      %dma_wait3A_96 = arith.constant 128 : i32
      %dma_wait3A_97 = arith.constant 0 : i32
      %dma_wait3A_98 = tpu.memref_slice %arg6[%dma_wait3A_96, %dma_wait3A_97] : memref<896x128xf32, #tpu.memory_space<vmem>> -> memref<128x128xf32, #tpu.memory_space<vmem>>
      %dma_wait3A_99 = arith.constant 0 : i32
      %dma_wait3A_100 = tpu.memref_slice %arg5[%dma_wait3A_95, %dma_wait3A_99] : memref<7x128xi32, #tpu.memory_space<vmem>> -> memref<1x128xi32, #tpu.memory_space<vmem>>
      %dma_wait3A_101 = tpu.memref_squeeze %dma_wait3A_100 : memref<1x128xi32, #tpu.memory_space<vmem>> -> memref<128xi32, #tpu.memory_space<vmem>>
      %dma_wait3A_102 = arith.constant 0 : i32
      %dma_wait3A_103 = arith.constant 0 : i32
      %dma_wait3A_104 = tpu.memref_slice %arg3[%dma_wait3A_102, %dma_wait3A_103] : memref<512x128xf32, #tpu.memory_space<hbm>> -> memref<512x128xf32, #tpu.memory_space<hbm>>
      tpu.wait_indirect_dma semaphore(%arg7 : memref<!tpu.dma_semaphore, #tpu.memory_space<semaphore_mem>>) src(%dma_wait3A_104 : memref<512x128xf32, #tpu.memory_space<hbm>>) dst(%dma_wait3A_98 : memref<128x128xf32, #tpu.memory_space<vmem>>)
      %dma_wait3A_105 = arith.constant 2 : i32
      %dma_wait3A_106 = arith.constant 256 : i32
      %dma_wait3A_107 = arith.constant 0 : i32
      %dma_wait3A_108 = tpu.memref_slice %arg6[%dma_wait3A_106, %dma_wait3A_107] : memref<896x128xf32, #tpu.memory_space<vmem>> -> memref<128x128xf32, #tpu.memory_space<vmem>>
      %dma_wait3A_109 = arith.constant 0 : i32
      %dma_wait3A_110 = tpu.memref_slice %arg5[%dma_wait3A_105, %dma_wait3A_109] : memref<7x128xi32, #tpu.memory_space<vmem>> -> memref<1x128xi32, #tpu.memory_space<vmem>>
      %dma_wait3A_111 = tpu.memref_squeeze %dma_wait3A_110 : memref<1x128xi32, #tpu.memory_space<vmem>> -> memref<128xi32, #tpu.memory_space<vmem>>
      %dma_wait3A_112 = arith.constant 0 : i32
      %dma_wait3A_113 = arith.constant 0 : i32
      %dma_wait3A_114 = tpu.memref_slice %arg3[%dma_wait3A_112, %dma_wait3A_113] : memref<512x128xf32, #tpu.memory_space<hbm>> -> memref<512x128xf32, #tpu.memory_space<hbm>>
      tpu.wait_indirect_dma semaphore(%arg7 : memref<!tpu.dma_semaphore, #tpu.memory_space<semaphore_mem>>) src(%dma_wait3A_114 : memref<512x128xf32, #tpu.memory_space<hbm>>) dst(%dma_wait3A_108 : memref<128x128xf32, #tpu.memory_space<vmem>>)
      %dma_wait3A_115 = arith.constant 3 : i32
      %dma_wait3A_116 = arith.constant 384 : i32
      %dma_wait3A_117 = arith.constant 0 : i32
      %dma_wait3A_118 = tpu.memref_slice %arg6[%dma_wait3A_116, %dma_wait3A_117] : memref<896x128xf32, #tpu.memory_space<vmem>> -> memref<128x128xf32, #tpu.memory_space<vmem>>
      %dma_wait3A_119 = arith.constant 0 : i32
      %dma_wait3A_120 = tpu.memref_slice %arg5[%dma_wait3A_115, %dma_wait3A_119] : memref<7x128xi32, #tpu.memory_space<vmem>> -> memref<1x128xi32, #tpu.memory_space<vmem>>
      %dma_wait3A_121 = tpu.memref_squeeze %dma_wait3A_120 : memref<1x128xi32, #tpu.memory_space<vmem>> -> memref<128xi32, #tpu.memory_space<vmem>>
      %dma_wait3A_122 = arith.constant 0 : i32
      %dma_wait3A_123 = arith.constant 0 : i32
      %dma_wait3A_124 = tpu.memref_slice %arg3[%dma_wait3A_122, %dma_wait3A_123] : memref<512x128xf32, #tpu.memory_space<hbm>> -> memref<512x128xf32, #tpu.memory_space<hbm>>
      tpu.wait_indirect_dma semaphore(%arg7 : memref<!tpu.dma_semaphore, #tpu.memory_space<semaphore_mem>>) src(%dma_wait3A_124 : memref<512x128xf32, #tpu.memory_space<hbm>>) dst(%dma_wait3A_118 : memref<128x128xf32, #tpu.memory_space<vmem>>)
      %dma_start3A_125 = arith.constant 4 : i32
      %dma_start3A_126 = arith.constant 512 : i32
      %dma_start3A_127 = arith.constant 0 : i32
      %dma_start3A_128 = tpu.memref_slice %arg6[%dma_start3A_126, %dma_start3A_127] : memref<896x128xf32, #tpu.memory_space<vmem>> -> memref<128x128xf32, #tpu.memory_space<vmem>>
      %dma_start3A_129 = arith.constant 0 : i32
      %dma_start3A_130 = tpu.memref_slice %arg5[%dma_start3A_125, %dma_start3A_129] : memref<7x128xi32, #tpu.memory_space<vmem>> -> memref<1x128xi32, #tpu.memory_space<vmem>>
      %dma_start3A_131 = tpu.memref_squeeze %dma_start3A_130 : memref<1x128xi32, #tpu.memory_space<vmem>> -> memref<128xi32, #tpu.memory_space<vmem>>
      %dma_start3A_132 = arith.constant 0 : i32
      %dma_start3A_133 = arith.constant 0 : i32
      %dma_start3A_134 = tpu.memref_slice %arg3[%dma_start3A_132, %dma_start3A_133] : memref<512x128xf32, #tpu.memory_space<hbm>> -> memref<512x128xf32, #tpu.memory_space<hbm>>
      tpu.enqueue_indirect_dma source(%dma_start3A_134 : memref<512x128xf32, #tpu.memory_space<hbm>>) target(%dma_start3A_128 : memref<128x128xf32, #tpu.memory_space<vmem>>) offsets(%dma_start3A_131 : memref<128xi32, #tpu.memory_space<vmem>>) semaphore(%arg7 : memref<!tpu.dma_semaphore, #tpu.memory_space<semaphore_mem>>)
      %dma_start3A_135 = arith.constant 5 : i32
      %dma_start3A_136 = arith.constant 640 : i32
      %dma_start3A_137 = arith.constant 0 : i32
      %dma_start3A_138 = tpu.memref_slice %arg6[%dma_start3A_136, %dma_start3A_137] : memref<896x128xf32, #tpu.memory_space<vmem>> -> memref<128x128xf32, #tpu.memory_space<vmem>>
      %dma_start3A_139 = arith.constant 0 : i32
      %dma_start3A_140 = tpu.memref_slice %arg5[%dma_start3A_135, %dma_start3A_139] : memref<7x128xi32, #tpu.memory_space<vmem>> -> memref<1x128xi32, #tpu.memory_space<vmem>>
      %dma_start3A_141 = tpu.memref_squeeze %dma_start3A_140 : memref<1x128xi32, #tpu.memory_space<vmem>> -> memref<128xi32, #tpu.memory_space<vmem>>
      %dma_start3A_142 = arith.constant 0 : i32
      %dma_start3A_143 = arith.constant 0 : i32
      %dma_start3A_144 = tpu.memref_slice %arg3[%dma_start3A_142, %dma_start3A_143] : memref<512x128xf32, #tpu.memory_space<hbm>> -> memref<512x128xf32, #tpu.memory_space<hbm>>
      tpu.enqueue_indirect_dma source(%dma_start3A_144 : memref<512x128xf32, #tpu.memory_space<hbm>>) target(%dma_start3A_138 : memref<128x128xf32, #tpu.memory_space<vmem>>) offsets(%dma_start3A_141 : memref<128xi32, #tpu.memory_space<vmem>>) semaphore(%arg7 : memref<!tpu.dma_semaphore, #tpu.memory_space<semaphore_mem>>)
      %dma_start3A_145 = arith.constant 6 : i32
      %dma_start3A_146 = arith.constant 768 : i32
      %dma_start3A_147 = arith.constant 0 : i32
      %dma_start3A_148 = tpu.memref_slice %arg6[%dma_start3A_146, %dma_start3A_147] : memref<896x128xf32, #tpu.memory_space<vmem>> -> memref<128x128xf32, #tpu.memory_space<vmem>>
      %dma_start3A_149 = arith.constant 0 : i32
      %dma_start3A_150 = tpu.memref_slice %arg5[%dma_start3A_145, %dma_start3A_149] : memref<7x128xi32, #tpu.memory_space<vmem>> -> memref<1x128xi32, #tpu.memory_space<vmem>>
      %dma_start3A_151 = tpu.memref_squeeze %dma_start3A_150 : memref<1x128xi32, #tpu.memory_space<vmem>> -> memref<128xi32, #tpu.memory_space<vmem>>
      %dma_start3A_152 = arith.constant 0 : i32
      %dma_start3A_153 = arith.constant 0 : i32
      %dma_start3A_154 = tpu.memref_slice %arg3[%dma_start3A_152, %dma_start3A_153] : memref<512x128xf32, #tpu.memory_space<hbm>> -> memref<512x128xf32, #tpu.memory_space<hbm>>
      tpu.enqueue_indirect_dma source(%dma_start3A_154 : memref<512x128xf32, #tpu.memory_space<hbm>>) target(%dma_start3A_148 : memref<128x128xf32, #tpu.memory_space<vmem>>) offsets(%dma_start3A_151 : memref<128xi32, #tpu.memory_space<vmem>>) semaphore(%arg7 : memref<!tpu.dma_semaphore, #tpu.memory_space<semaphore_mem>>)
      %dma_wait3A_155 = arith.constant 4 : i32
      %dma_wait3A_156 = arith.constant 512 : i32
      %dma_wait3A_157 = arith.constant 0 : i32
      %dma_wait3A_158 = tpu.memref_slice %arg6[%dma_wait3A_156, %dma_wait3A_157] : memref<896x128xf32, #tpu.memory_space<vmem>> -> memref<128x128xf32, #tpu.memory_space<vmem>>
      %dma_wait3A_159 = arith.constant 0 : i32
      %dma_wait3A_160 = tpu.memref_slice %arg5[%dma_wait3A_155, %dma_wait3A_159] : memref<7x128xi32, #tpu.memory_space<vmem>> -> memref<1x128xi32, #tpu.memory_space<vmem>>
      %dma_wait3A_161 = tpu.memref_squeeze %dma_wait3A_160 : memref<1x128xi32, #tpu.memory_space<vmem>> -> memref<128xi32, #tpu.memory_space<vmem>>
      %dma_wait3A_162 = arith.constant 0 : i32
      %dma_wait3A_163 = arith.constant 0 : i32
      %dma_wait3A_164 = tpu.memref_slice %arg3[%dma_wait3A_162, %dma_wait3A_163] : memref<512x128xf32, #tpu.memory_space<hbm>> -> memref<512x128xf32, #tpu.memory_space<hbm>>
      tpu.wait_indirect_dma semaphore(%arg7 : memref<!tpu.dma_semaphore, #tpu.memory_space<semaphore_mem>>) src(%dma_wait3A_164 : memref<512x128xf32, #tpu.memory_space<hbm>>) dst(%dma_wait3A_158 : memref<128x128xf32, #tpu.memory_space<vmem>>)
      %dma_wait3A_165 = arith.constant 5 : i32
      %dma_wait3A_166 = arith.constant 640 : i32
      %dma_wait3A_167 = arith.constant 0 : i32
      %dma_wait3A_168 = tpu.memref_slice %arg6[%dma_wait3A_166, %dma_wait3A_167] : memref<896x128xf32, #tpu.memory_space<vmem>> -> memref<128x128xf32, #tpu.memory_space<vmem>>
      %dma_wait3A_169 = arith.constant 0 : i32
      %dma_wait3A_170 = tpu.memref_slice %arg5[%dma_wait3A_165, %dma_wait3A_169] : memref<7x128xi32, #tpu.memory_space<vmem>> -> memref<1x128xi32, #tpu.memory_space<vmem>>
      %dma_wait3A_171 = tpu.memref_squeeze %dma_wait3A_170 : memref<1x128xi32, #tpu.memory_space<vmem>> -> memref<128xi32, #tpu.memory_space<vmem>>
      %dma_wait3A_172 = arith.constant 0 : i32
      %dma_wait3A_173 = arith.constant 0 : i32
      %dma_wait3A_174 = tpu.memref_slice %arg3[%dma_wait3A_172, %dma_wait3A_173] : memref<512x128xf32, #tpu.memory_space<hbm>> -> memref<512x128xf32, #tpu.memory_space<hbm>>
      tpu.wait_indirect_dma semaphore(%arg7 : memref<!tpu.dma_semaphore, #tpu.memory_space<semaphore_mem>>) src(%dma_wait3A_174 : memref<512x128xf32, #tpu.memory_space<hbm>>) dst(%dma_wait3A_168 : memref<128x128xf32, #tpu.memory_space<vmem>>)
      %dma_wait3A_175 = arith.constant 6 : i32
      %dma_wait3A_176 = arith.constant 768 : i32
      %dma_wait3A_177 = arith.constant 0 : i32
      %dma_wait3A_178 = tpu.memref_slice %arg6[%dma_wait3A_176, %dma_wait3A_177] : memref<896x128xf32, #tpu.memory_space<vmem>> -> memref<128x128xf32, #tpu.memory_space<vmem>>
      %dma_wait3A_179 = arith.constant 0 : i32
      %dma_wait3A_180 = tpu.memref_slice %arg5[%dma_wait3A_175, %dma_wait3A_179] : memref<7x128xi32, #tpu.memory_space<vmem>> -> memref<1x128xi32, #tpu.memory_space<vmem>>
      %dma_wait3A_181 = tpu.memref_squeeze %dma_wait3A_180 : memref<1x128xi32, #tpu.memory_space<vmem>> -> memref<128xi32, #tpu.memory_space<vmem>>
      %dma_wait3A_182 = arith.constant 0 : i32
      %dma_wait3A_183 = arith.constant 0 : i32
      %dma_wait3A_184 = tpu.memref_slice %arg3[%dma_wait3A_182, %dma_wait3A_183] : memref<512x128xf32, #tpu.memory_space<hbm>> -> memref<512x128xf32, #tpu.memory_space<hbm>>
      tpu.wait_indirect_dma semaphore(%arg7 : memref<!tpu.dma_semaphore, #tpu.memory_space<semaphore_mem>>) src(%dma_wait3A_184 : memref<512x128xf32, #tpu.memory_space<hbm>>) dst(%dma_wait3A_178 : memref<128x128xf32, #tpu.memory_space<vmem>>)
      %mul3A_185 = arith.constant 896 : i32
      %mul3A_186 = arith.muli %add3A_34, %mul3A_185 : i32
      "tpu.region"() ({
        %run_scoped3A = tpu.sem_alloc : memref<!tpu.dma_semaphore, #tpu.memory_space<semaphore_mem>>
        %dma_start3A_187 = arith.constant 0 : i32
        %dma_start3A_188 = tpu.memref_slice %arg4[%mul3A_186, %dma_start3A_187] : memref<100000x128xf32, #tpu.memory_space<hbm>> -> memref<896x128xf32, #tpu.memory_space<hbm>>
        %dma_start3A_189 = arith.constant 0 : i32
        %dma_start3A_190 = tpu.memref_slice %arg4[%mul3A_186, %dma_start3A_189] : memref<100000x128xf32, #tpu.memory_space<hbm>> -> memref<896x128xf32, #tpu.memory_space<hbm>>
        tpu.enqueue_dma source(%arg6 : memref<896x128xf32, #tpu.memory_space<vmem>>) target(%dma_start3A_190 : memref<896x128xf32, #tpu.memory_space<hbm>>) target_semaphore(%run_scoped3A : memref<!tpu.dma_semaphore, #tpu.memory_space<semaphore_mem>>)
        %dma_wait3A_191 = arith.constant 0 : i32
        %dma_wait3A_192 = tpu.memref_slice %arg4[%mul3A_186, %dma_wait3A_191] : memref<100000x128xf32, #tpu.memory_space<hbm>> -> memref<896x128xf32, #tpu.memory_space<hbm>>
        %dma_wait3A_193 = arith.constant 0 : i32
        %dma_wait3A_194 = tpu.memref_slice %arg4[%mul3A_186, %dma_wait3A_193] : memref<100000x128xf32, #tpu.memory_space<hbm>> -> memref<896x128xf32, #tpu.memory_space<hbm>>
        tpu.wait_dma2 semaphore(%run_scoped3A : memref<!tpu.dma_semaphore, #tpu.memory_space<semaphore_mem>>) src(%arg6 : memref<896x128xf32, #tpu.memory_space<vmem>>) dst(%dma_wait3A_194 : memref<896x128xf32, #tpu.memory_space<hbm>>)
        tpu.yield
      }) : () -> ()
    } else {
    }
    %eq3A_40 = arith.constant 111 : i32
    %eq3A_41 = arith.cmpi eq, %add3A_34, %eq3A_40 : i32
    %convert_element_type3A_42 = arith.extui %eq3A_41 : i1 to i32
    %cond3A_43 = arith.constant 0 : i32
    %cond3A_44 = arith.cmpi ne, %convert_element_type3A_42, %cond3A_43 : i32
    scf.if %cond3A_44 {
      "tpu.region"() ({
        %run_scoped3A = tpu.sem_alloc : memref<!tpu.dma_semaphore, #tpu.memory_space<semaphore_mem>>
        %dma_start3A_183 = arith.constant 775 : i32
        %dma_start3A_184 = arith.constant 0 : i32
        %dma_start3A_185 = tpu.memref_slice %arg2[%dma_start3A_183, %dma_start3A_184] : memref<782x128xi32, #tpu.memory_space<hbm>> -> memref<7x128xi32, #tpu.memory_space<hbm>>
        %dma_start3A_186 = arith.constant 775 : i32
        %dma_start3A_187 = arith.constant 0 : i32
        %dma_start3A_188 = tpu.memref_slice %arg2[%dma_start3A_186, %dma_start3A_187] : memref<782x128xi32, #tpu.memory_space<hbm>> -> memref<7x128xi32, #tpu.memory_space<hbm>>
        tpu.enqueue_dma source(%dma_start3A_188 : memref<7x128xi32, #tpu.memory_space<hbm>>) target(%arg5 : memref<7x128xi32, #tpu.memory_space<vmem>>) target_semaphore(%run_scoped3A : memref<!tpu.dma_semaphore, #tpu.memory_space<semaphore_mem>>)
        %dma_wait3A_189 = arith.constant 775 : i32
        %dma_wait3A_190 = arith.constant 0 : i32
        %dma_wait3A_191 = tpu.memref_slice %arg2[%dma_wait3A_189, %dma_wait3A_190] : memref<782x128xi32, #tpu.memory_space<hbm>> -> memref<7x128xi32, #tpu.memory_space<hbm>>
        %dma_wait3A_192 = arith.constant 775 : i32
        %dma_wait3A_193 = arith.constant 0 : i32
        %dma_wait3A_194 = tpu.memref_slice %arg2[%dma_wait3A_192, %dma_wait3A_193] : memref<782x128xi32, #tpu.memory_space<hbm>> -> memref<7x128xi32, #tpu.memory_space<hbm>>
        tpu.wait_dma2 semaphore(%run_scoped3A : memref<!tpu.dma_semaphore, #tpu.memory_space<semaphore_mem>>) src(%dma_wait3A_194 : memref<7x128xi32, #tpu.memory_space<hbm>>) dst(%arg5 : memref<7x128xi32, #tpu.memory_space<vmem>>)
        tpu.yield
      }) : () -> ()
      %dma_start3A = arith.constant 0 : i32
      %dma_start3A_45 = arith.constant 0 : i32
      %dma_start3A_46 = arith.constant 0 : i32
      %dma_start3A_47 = tpu.memref_slice %arg6[%dma_start3A_45, %dma_start3A_46] : memref<896x128xf32, #tpu.memory_space<vmem>> -> memref<128x128xf32, #tpu.memory_space<vmem>>
      %dma_start3A_48 = arith.constant 0 : i32
      %dma_start3A_49 = tpu.memref_slice %arg5[%dma_start3A, %dma_start3A_48] : memref<7x128xi32, #tpu.memory_space<vmem>> -> memref<1x128xi32, #tpu.memory_space<vmem>>
      %dma_start3A_50 = tpu.memref_squeeze %dma_start3A_49 : memref<1x128xi32, #tpu.memory_space<vmem>> -> memref<128xi32, #tpu.memory_space<vmem>>
      %dma_start3A_51 = arith.constant 0 : i32
      %dma_start3A_52 = arith.constant 0 : i32
      %dma_start3A_53 = tpu.memref_slice %arg3[%dma_start3A_51, %dma_start3A_52] : memref<512x128xf32, #tpu.memory_space<hbm>> -> memref<512x128xf32, #tpu.memory_space<hbm>>
      tpu.enqueue_indirect_dma source(%dma_start3A_53 : memref<512x128xf32, #tpu.memory_space<hbm>>) target(%dma_start3A_47 : memref<128x128xf32, #tpu.memory_space<vmem>>) offsets(%dma_start3A_50 : memref<128xi32, #tpu.memory_space<vmem>>) semaphore(%arg7 : memref<!tpu.dma_semaphore, #tpu.memory_space<semaphore_mem>>)
      %dma_start3A_54 = arith.constant 1 : i32
      %dma_start3A_55 = arith.constant 128 : i32
      %dma_start3A_56 = arith.constant 0 : i32
      %dma_start3A_57 = tpu.memref_slice %arg6[%dma_start3A_55, %dma_start3A_56] : memref<896x128xf32, #tpu.memory_space<vmem>> -> memref<128x128xf32, #tpu.memory_space<vmem>>
      %dma_start3A_58 = arith.constant 0 : i32
      %dma_start3A_59 = tpu.memref_slice %arg5[%dma_start3A_54, %dma_start3A_58] : memref<7x128xi32, #tpu.memory_space<vmem>> -> memref<1x128xi32, #tpu.memory_space<vmem>>
      %dma_start3A_60 = tpu.memref_squeeze %dma_start3A_59 : memref<1x128xi32, #tpu.memory_space<vmem>> -> memref<128xi32, #tpu.memory_space<vmem>>
      %dma_start3A_61 = arith.constant 0 : i32
      %dma_start3A_62 = arith.constant 0 : i32
      %dma_start3A_63 = tpu.memref_slice %arg3[%dma_start3A_61, %dma_start3A_62] : memref<512x128xf32, #tpu.memory_space<hbm>> -> memref<512x128xf32, #tpu.memory_space<hbm>>
      tpu.enqueue_indirect_dma source(%dma_start3A_63 : memref<512x128xf32, #tpu.memory_space<hbm>>) target(%dma_start3A_57 : memref<128x128xf32, #tpu.memory_space<vmem>>) offsets(%dma_start3A_60 : memref<128xi32, #tpu.memory_space<vmem>>) semaphore(%arg7 : memref<!tpu.dma_semaphore, #tpu.memory_space<semaphore_mem>>)
      %dma_start3A_64 = arith.constant 2 : i32
      %dma_start3A_65 = arith.constant 256 : i32
      %dma_start3A_66 = arith.constant 0 : i32
      %dma_start3A_67 = tpu.memref_slice %arg6[%dma_start3A_65, %dma_start3A_66] : memref<896x128xf32, #tpu.memory_space<vmem>> -> memref<128x128xf32, #tpu.memory_space<vmem>>
      %dma_start3A_68 = arith.constant 0 : i32
      %dma_start3A_69 = tpu.memref_slice %arg5[%dma_start3A_64, %dma_start3A_68] : memref<7x128xi32, #tpu.memory_space<vmem>> -> memref<1x128xi32, #tpu.memory_space<vmem>>
      %dma_start3A_70 = tpu.memref_squeeze %dma_start3A_69 : memref<1x128xi32, #tpu.memory_space<vmem>> -> memref<128xi32, #tpu.memory_space<vmem>>
      %dma_start3A_71 = arith.constant 0 : i32
      %dma_start3A_72 = arith.constant 0 : i32
      %dma_start3A_73 = tpu.memref_slice %arg3[%dma_start3A_71, %dma_start3A_72] : memref<512x128xf32, #tpu.memory_space<hbm>> -> memref<512x128xf32, #tpu.memory_space<hbm>>
      tpu.enqueue_indirect_dma source(%dma_start3A_73 : memref<512x128xf32, #tpu.memory_space<hbm>>) target(%dma_start3A_67 : memref<128x128xf32, #tpu.memory_space<vmem>>) offsets(%dma_start3A_70 : memref<128xi32, #tpu.memory_space<vmem>>) semaphore(%arg7 : memref<!tpu.dma_semaphore, #tpu.memory_space<semaphore_mem>>)
      %dma_start3A_74 = arith.constant 3 : i32
      %dma_start3A_75 = arith.constant 384 : i32
      %dma_start3A_76 = arith.constant 0 : i32
      %dma_start3A_77 = tpu.memref_slice %arg6[%dma_start3A_75, %dma_start3A_76] : memref<896x128xf32, #tpu.memory_space<vmem>> -> memref<128x128xf32, #tpu.memory_space<vmem>>
      %dma_start3A_78 = arith.constant 0 : i32
      %dma_start3A_79 = tpu.memref_slice %arg5[%dma_start3A_74, %dma_start3A_78] : memref<7x128xi32, #tpu.memory_space<vmem>> -> memref<1x128xi32, #tpu.memory_space<vmem>>
      %dma_start3A_80 = tpu.memref_squeeze %dma_start3A_79 : memref<1x128xi32, #tpu.memory_space<vmem>> -> memref<128xi32, #tpu.memory_space<vmem>>
      %dma_start3A_81 = arith.constant 0 : i32
      %dma_start3A_82 = arith.constant 0 : i32
      %dma_start3A_83 = tpu.memref_slice %arg3[%dma_start3A_81, %dma_start3A_82] : memref<512x128xf32, #tpu.memory_space<hbm>> -> memref<512x128xf32, #tpu.memory_space<hbm>>
      tpu.enqueue_indirect_dma source(%dma_start3A_83 : memref<512x128xf32, #tpu.memory_space<hbm>>) target(%dma_start3A_77 : memref<128x128xf32, #tpu.memory_space<vmem>>) offsets(%dma_start3A_80 : memref<128xi32, #tpu.memory_space<vmem>>) semaphore(%arg7 : memref<!tpu.dma_semaphore, #tpu.memory_space<semaphore_mem>>)
      %dma_wait3A = arith.constant 0 : i32
      %dma_wait3A_84 = arith.constant 0 : i32
      %dma_wait3A_85 = arith.constant 0 : i32
      %dma_wait3A_86 = tpu.memref_slice %arg6[%dma_wait3A_84, %dma_wait3A_85] : memref<896x128xf32, #tpu.memory_space<vmem>> -> memref<128x128xf32, #tpu.memory_space<vmem>>
      %dma_wait3A_87 = arith.constant 0 : i32
      %dma_wait3A_88 = tpu.memref_slice %arg5[%dma_wait3A, %dma_wait3A_87] : memref<7x128xi32, #tpu.memory_space<vmem>> -> memref<1x128xi32, #tpu.memory_space<vmem>>
      %dma_wait3A_89 = tpu.memref_squeeze %dma_wait3A_88 : memref<1x128xi32, #tpu.memory_space<vmem>> -> memref<128xi32, #tpu.memory_space<vmem>>
      %dma_wait3A_90 = arith.constant 0 : i32
      %dma_wait3A_91 = arith.constant 0 : i32
      %dma_wait3A_92 = tpu.memref_slice %arg3[%dma_wait3A_90, %dma_wait3A_91] : memref<512x128xf32, #tpu.memory_space<hbm>> -> memref<512x128xf32, #tpu.memory_space<hbm>>
      tpu.wait_indirect_dma semaphore(%arg7 : memref<!tpu.dma_semaphore, #tpu.memory_space<semaphore_mem>>) src(%dma_wait3A_92 : memref<512x128xf32, #tpu.memory_space<hbm>>) dst(%dma_wait3A_86 : memref<128x128xf32, #tpu.memory_space<vmem>>)
      %dma_wait3A_93 = arith.constant 1 : i32
      %dma_wait3A_94 = arith.constant 128 : i32
      %dma_wait3A_95 = arith.constant 0 : i32
      %dma_wait3A_96 = tpu.memref_slice %arg6[%dma_wait3A_94, %dma_wait3A_95] : memref<896x128xf32, #tpu.memory_space<vmem>> -> memref<128x128xf32, #tpu.memory_space<vmem>>
      %dma_wait3A_97 = arith.constant 0 : i32
      %dma_wait3A_98 = tpu.memref_slice %arg5[%dma_wait3A_93, %dma_wait3A_97] : memref<7x128xi32, #tpu.memory_space<vmem>> -> memref<1x128xi32, #tpu.memory_space<vmem>>
      %dma_wait3A_99 = tpu.memref_squeeze %dma_wait3A_98 : memref<1x128xi32, #tpu.memory_space<vmem>> -> memref<128xi32, #tpu.memory_space<vmem>>
      %dma_wait3A_100 = arith.constant 0 : i32
      %dma_wait3A_101 = arith.constant 0 : i32
      %dma_wait3A_102 = tpu.memref_slice %arg3[%dma_wait3A_100, %dma_wait3A_101] : memref<512x128xf32, #tpu.memory_space<hbm>> -> memref<512x128xf32, #tpu.memory_space<hbm>>
      tpu.wait_indirect_dma semaphore(%arg7 : memref<!tpu.dma_semaphore, #tpu.memory_space<semaphore_mem>>) src(%dma_wait3A_102 : memref<512x128xf32, #tpu.memory_space<hbm>>) dst(%dma_wait3A_96 : memref<128x128xf32, #tpu.memory_space<vmem>>)
      %dma_wait3A_103 = arith.constant 2 : i32
      %dma_wait3A_104 = arith.constant 256 : i32
      %dma_wait3A_105 = arith.constant 0 : i32
      %dma_wait3A_106 = tpu.memref_slice %arg6[%dma_wait3A_104, %dma_wait3A_105] : memref<896x128xf32, #tpu.memory_space<vmem>> -> memref<128x128xf32, #tpu.memory_space<vmem>>
      %dma_wait3A_107 = arith.constant 0 : i32
      %dma_wait3A_108 = tpu.memref_slice %arg5[%dma_wait3A_103, %dma_wait3A_107] : memref<7x128xi32, #tpu.memory_space<vmem>> -> memref<1x128xi32, #tpu.memory_space<vmem>>
      %dma_wait3A_109 = tpu.memref_squeeze %dma_wait3A_108 : memref<1x128xi32, #tpu.memory_space<vmem>> -> memref<128xi32, #tpu.memory_space<vmem>>
      %dma_wait3A_110 = arith.constant 0 : i32
      %dma_wait3A_111 = arith.constant 0 : i32
      %dma_wait3A_112 = tpu.memref_slice %arg3[%dma_wait3A_110, %dma_wait3A_111] : memref<512x128xf32, #tpu.memory_space<hbm>> -> memref<512x128xf32, #tpu.memory_space<hbm>>
      tpu.wait_indirect_dma semaphore(%arg7 : memref<!tpu.dma_semaphore, #tpu.memory_space<semaphore_mem>>) src(%dma_wait3A_112 : memref<512x128xf32, #tpu.memory_space<hbm>>) dst(%dma_wait3A_106 : memref<128x128xf32, #tpu.memory_space<vmem>>)
      %dma_wait3A_113 = arith.constant 3 : i32
      %dma_wait3A_114 = arith.constant 384 : i32
      %dma_wait3A_115 = arith.constant 0 : i32
      %dma_wait3A_116 = tpu.memref_slice %arg6[%dma_wait3A_114, %dma_wait3A_115] : memref<896x128xf32, #tpu.memory_space<vmem>> -> memref<128x128xf32, #tpu.memory_space<vmem>>
      %dma_wait3A_117 = arith.constant 0 : i32
      %dma_wait3A_118 = tpu.memref_slice %arg5[%dma_wait3A_113, %dma_wait3A_117] : memref<7x128xi32, #tpu.memory_space<vmem>> -> memref<1x128xi32, #tpu.memory_space<vmem>>
      %dma_wait3A_119 = tpu.memref_squeeze %dma_wait3A_118 : memref<1x128xi32, #tpu.memory_space<vmem>> -> memref<128xi32, #tpu.memory_space<vmem>>
      %dma_wait3A_120 = arith.constant 0 : i32
      %dma_wait3A_121 = arith.constant 0 : i32
      %dma_wait3A_122 = tpu.memref_slice %arg3[%dma_wait3A_120, %dma_wait3A_121] : memref<512x128xf32, #tpu.memory_space<hbm>> -> memref<512x128xf32, #tpu.memory_space<hbm>>
      tpu.wait_indirect_dma semaphore(%arg7 : memref<!tpu.dma_semaphore, #tpu.memory_space<semaphore_mem>>) src(%dma_wait3A_122 : memref<512x128xf32, #tpu.memory_space<hbm>>) dst(%dma_wait3A_116 : memref<128x128xf32, #tpu.memory_space<vmem>>)
      %dma_start3A_123 = arith.constant 4 : i32
      %dma_start3A_124 = arith.constant 512 : i32
      %dma_start3A_125 = arith.constant 0 : i32
      %dma_start3A_126 = tpu.memref_slice %arg6[%dma_start3A_124, %dma_start3A_125] : memref<896x128xf32, #tpu.memory_space<vmem>> -> memref<128x128xf32, #tpu.memory_space<vmem>>
      %dma_start3A_127 = arith.constant 0 : i32
      %dma_start3A_128 = tpu.memref_slice %arg5[%dma_start3A_123, %dma_start3A_127] : memref<7x128xi32, #tpu.memory_space<vmem>> -> memref<1x128xi32, #tpu.memory_space<vmem>>
      %dma_start3A_129 = tpu.memref_squeeze %dma_start3A_128 : memref<1x128xi32, #tpu.memory_space<vmem>> -> memref<128xi32, #tpu.memory_space<vmem>>
      %dma_start3A_130 = arith.constant 0 : i32
      %dma_start3A_131 = arith.constant 0 : i32
      %dma_start3A_132 = tpu.memref_slice %arg3[%dma_start3A_130, %dma_start3A_131] : memref<512x128xf32, #tpu.memory_space<hbm>> -> memref<512x128xf32, #tpu.memory_space<hbm>>
      tpu.enqueue_indirect_dma source(%dma_start3A_132 : memref<512x128xf32, #tpu.memory_space<hbm>>) target(%dma_start3A_126 : memref<128x128xf32, #tpu.memory_space<vmem>>) offsets(%dma_start3A_129 : memref<128xi32, #tpu.memory_space<vmem>>) semaphore(%arg7 : memref<!tpu.dma_semaphore, #tpu.memory_space<semaphore_mem>>)
      %dma_start3A_133 = arith.constant 5 : i32
      %dma_start3A_134 = arith.constant 640 : i32
      %dma_start3A_135 = arith.constant 0 : i32
      %dma_start3A_136 = tpu.memref_slice %arg6[%dma_start3A_134, %dma_start3A_135] : memref<896x128xf32, #tpu.memory_space<vmem>> -> memref<128x128xf32, #tpu.memory_space<vmem>>
      %dma_start3A_137 = arith.constant 0 : i32
      %dma_start3A_138 = tpu.memref_slice %arg5[%dma_start3A_133, %dma_start3A_137] : memref<7x128xi32, #tpu.memory_space<vmem>> -> memref<1x128xi32, #tpu.memory_space<vmem>>
      %dma_start3A_139 = tpu.memref_squeeze %dma_start3A_138 : memref<1x128xi32, #tpu.memory_space<vmem>> -> memref<128xi32, #tpu.memory_space<vmem>>
      %dma_start3A_140 = arith.constant 0 : i32
      %dma_start3A_141 = arith.constant 0 : i32
      %dma_start3A_142 = tpu.memref_slice %arg3[%dma_start3A_140, %dma_start3A_141] : memref<512x128xf32, #tpu.memory_space<hbm>> -> memref<512x128xf32, #tpu.memory_space<hbm>>
      tpu.enqueue_indirect_dma source(%dma_start3A_142 : memref<512x128xf32, #tpu.memory_space<hbm>>) target(%dma_start3A_136 : memref<128x128xf32, #tpu.memory_space<vmem>>) offsets(%dma_start3A_139 : memref<128xi32, #tpu.memory_space<vmem>>) semaphore(%arg7 : memref<!tpu.dma_semaphore, #tpu.memory_space<semaphore_mem>>)
      %dma_start3A_143 = arith.constant 6 : i32
      %dma_start3A_144 = arith.constant 768 : i32
      %dma_start3A_145 = arith.constant 0 : i32
      %dma_start3A_146 = tpu.memref_slice %arg6[%dma_start3A_144, %dma_start3A_145] : memref<896x128xf32, #tpu.memory_space<vmem>> -> memref<128x128xf32, #tpu.memory_space<vmem>>
      %dma_start3A_147 = arith.constant 0 : i32
      %dma_start3A_148 = tpu.memref_slice %arg5[%dma_start3A_143, %dma_start3A_147] : memref<7x128xi32, #tpu.memory_space<vmem>> -> memref<1x128xi32, #tpu.memory_space<vmem>>
      %dma_start3A_149 = tpu.memref_squeeze %dma_start3A_148 : memref<1x128xi32, #tpu.memory_space<vmem>> -> memref<128xi32, #tpu.memory_space<vmem>>
      %dma_start3A_150 = arith.constant 0 : i32
      %dma_start3A_151 = arith.constant 0 : i32
      %dma_start3A_152 = tpu.memref_slice %arg3[%dma_start3A_150, %dma_start3A_151] : memref<512x128xf32, #tpu.memory_space<hbm>> -> memref<512x128xf32, #tpu.memory_space<hbm>>
      tpu.enqueue_indirect_dma source(%dma_start3A_152 : memref<512x128xf32, #tpu.memory_space<hbm>>) target(%dma_start3A_146 : memref<128x128xf32, #tpu.memory_space<vmem>>) offsets(%dma_start3A_149 : memref<128xi32, #tpu.memory_space<vmem>>) semaphore(%arg7 : memref<!tpu.dma_semaphore, #tpu.memory_space<semaphore_mem>>)
      %dma_wait3A_153 = arith.constant 4 : i32
      %dma_wait3A_154 = arith.constant 512 : i32
      %dma_wait3A_155 = arith.constant 0 : i32
      %dma_wait3A_156 = tpu.memref_slice %arg6[%dma_wait3A_154, %dma_wait3A_155] : memref<896x128xf32, #tpu.memory_space<vmem>> -> memref<128x128xf32, #tpu.memory_space<vmem>>
      %dma_wait3A_157 = arith.constant 0 : i32
      %dma_wait3A_158 = tpu.memref_slice %arg5[%dma_wait3A_153, %dma_wait3A_157] : memref<7x128xi32, #tpu.memory_space<vmem>> -> memref<1x128xi32, #tpu.memory_space<vmem>>
      %dma_wait3A_159 = tpu.memref_squeeze %dma_wait3A_158 : memref<1x128xi32, #tpu.memory_space<vmem>> -> memref<128xi32, #tpu.memory_space<vmem>>
      %dma_wait3A_160 = arith.constant 0 : i32
      %dma_wait3A_161 = arith.constant 0 : i32
      %dma_wait3A_162 = tpu.memref_slice %arg3[%dma_wait3A_160, %dma_wait3A_161] : memref<512x128xf32, #tpu.memory_space<hbm>> -> memref<512x128xf32, #tpu.memory_space<hbm>>
      tpu.wait_indirect_dma semaphore(%arg7 : memref<!tpu.dma_semaphore, #tpu.memory_space<semaphore_mem>>) src(%dma_wait3A_162 : memref<512x128xf32, #tpu.memory_space<hbm>>) dst(%dma_wait3A_156 : memref<128x128xf32, #tpu.memory_space<vmem>>)
      %dma_wait3A_163 = arith.constant 5 : i32
      %dma_wait3A_164 = arith.constant 640 : i32
      %dma_wait3A_165 = arith.constant 0 : i32
      %dma_wait3A_166 = tpu.memref_slice %arg6[%dma_wait3A_164, %dma_wait3A_165] : memref<896x128xf32, #tpu.memory_space<vmem>> -> memref<128x128xf32, #tpu.memory_space<vmem>>
      %dma_wait3A_167 = arith.constant 0 : i32
      %dma_wait3A_168 = tpu.memref_slice %arg5[%dma_wait3A_163, %dma_wait3A_167] : memref<7x128xi32, #tpu.memory_space<vmem>> -> memref<1x128xi32, #tpu.memory_space<vmem>>
      %dma_wait3A_169 = tpu.memref_squeeze %dma_wait3A_168 : memref<1x128xi32, #tpu.memory_space<vmem>> -> memref<128xi32, #tpu.memory_space<vmem>>
      %dma_wait3A_170 = arith.constant 0 : i32
      %dma_wait3A_171 = arith.constant 0 : i32
      %dma_wait3A_172 = tpu.memref_slice %arg3[%dma_wait3A_170, %dma_wait3A_171] : memref<512x128xf32, #tpu.memory_space<hbm>> -> memref<512x128xf32, #tpu.memory_space<hbm>>
      tpu.wait_indirect_dma semaphore(%arg7 : memref<!tpu.dma_semaphore, #tpu.memory_space<semaphore_mem>>) src(%dma_wait3A_172 : memref<512x128xf32, #tpu.memory_space<hbm>>) dst(%dma_wait3A_166 : memref<128x128xf32, #tpu.memory_space<vmem>>)
      %dma_wait3A_173 = arith.constant 6 : i32
      %dma_wait3A_174 = arith.constant 768 : i32
      %dma_wait3A_175 = arith.constant 0 : i32
      %dma_wait3A_176 = tpu.memref_slice %arg6[%dma_wait3A_174, %dma_wait3A_175] : memref<896x128xf32, #tpu.memory_space<vmem>> -> memref<128x128xf32, #tpu.memory_space<vmem>>
      %dma_wait3A_177 = arith.constant 0 : i32
      %dma_wait3A_178 = tpu.memref_slice %arg5[%dma_wait3A_173, %dma_wait3A_177] : memref<7x128xi32, #tpu.memory_space<vmem>> -> memref<1x128xi32, #tpu.memory_space<vmem>>
      %dma_wait3A_179 = tpu.memref_squeeze %dma_wait3A_178 : memref<1x128xi32, #tpu.memory_space<vmem>> -> memref<128xi32, #tpu.memory_space<vmem>>
      %dma_wait3A_180 = arith.constant 0 : i32
      %dma_wait3A_181 = arith.constant 0 : i32
      %dma_wait3A_182 = tpu.memref_slice %arg3[%dma_wait3A_180, %dma_wait3A_181] : memref<512x128xf32, #tpu.memory_space<hbm>> -> memref<512x128xf32, #tpu.memory_space<hbm>>
      tpu.wait_indirect_dma semaphore(%arg7 : memref<!tpu.dma_semaphore, #tpu.memory_space<semaphore_mem>>) src(%dma_wait3A_182 : memref<512x128xf32, #tpu.memory_space<hbm>>) dst(%dma_wait3A_176 : memref<128x128xf32, #tpu.memory_space<vmem>>)
      "tpu.region"() ({
        %run_scoped3A = tpu.sem_alloc : memref<!tpu.dma_semaphore, #tpu.memory_space<semaphore_mem>>
        %dma_start3A_183 = arith.constant 256 : i32
        %dma_start3A_184 = arith.constant 0 : i32
        %dma_start3A_185 = tpu.memref_slice %arg6[%dma_start3A_183, %dma_start3A_184] : memref<896x128xf32, #tpu.memory_space<vmem>> -> memref<544x128xf32, #tpu.memory_space<vmem>>
        %dma_start3A_186 = arith.constant 99456 : i32
        %dma_start3A_187 = arith.constant 0 : i32
        %dma_start3A_188 = tpu.memref_slice %arg4[%dma_start3A_186, %dma_start3A_187] : memref<100000x128xf32, #tpu.memory_space<hbm>> -> memref<544x128xf32, #tpu.memory_space<hbm>>
        %dma_start3A_189 = arith.constant 99456 : i32
        %dma_start3A_190 = arith.constant 0 : i32
        %dma_start3A_191 = tpu.memref_slice %arg4[%dma_start3A_189, %dma_start3A_190] : memref<100000x128xf32, #tpu.memory_space<hbm>> -> memref<544x128xf32, #tpu.memory_space<hbm>>
        %dma_start3A_192 = arith.constant 256 : i32
        %dma_start3A_193 = arith.constant 0 : i32
        %dma_start3A_194 = tpu.memref_slice %arg6[%dma_start3A_192, %dma_start3A_193] : memref<896x128xf32, #tpu.memory_space<vmem>> -> memref<544x128xf32, #tpu.memory_space<vmem>>
        tpu.enqueue_dma source(%dma_start3A_194 : memref<544x128xf32, #tpu.memory_space<vmem>>) target(%dma_start3A_191 : memref<544x128xf32, #tpu.memory_space<hbm>>) target_semaphore(%run_scoped3A : memref<!tpu.dma_semaphore, #tpu.memory_space<semaphore_mem>>)
        %dma_wait3A_195 = arith.constant 256 : i32
        %dma_wait3A_196 = arith.constant 0 : i32
        %dma_wait3A_197 = tpu.memref_slice %arg6[%dma_wait3A_195, %dma_wait3A_196] : memref<896x128xf32, #tpu.memory_space<vmem>> -> memref<544x128xf32, #tpu.memory_space<vmem>>
        %dma_wait3A_198 = arith.constant 99456 : i32
        %dma_wait3A_199 = arith.constant 0 : i32
        %dma_wait3A_200 = tpu.memref_slice %arg4[%dma_wait3A_198, %dma_wait3A_199] : memref<100000x128xf32, #tpu.memory_space<hbm>> -> memref<544x128xf32, #tpu.memory_space<hbm>>
        %dma_wait3A_201 = arith.constant 99456 : i32
        %dma_wait3A_202 = arith.constant 0 : i32
        %dma_wait3A_203 = tpu.memref_slice %arg4[%dma_wait3A_201, %dma_wait3A_202] : memref<100000x128xf32, #tpu.memory_space<hbm>> -> memref<544x128xf32, #tpu.memory_space<hbm>>
        %dma_wait3A_204 = arith.constant 256 : i32
        %dma_wait3A_205 = arith.constant 0 : i32
        %dma_wait3A_206 = tpu.memref_slice %arg6[%dma_wait3A_204, %dma_wait3A_205] : memref<896x128xf32, #tpu.memory_space<vmem>> -> memref<544x128xf32, #tpu.memory_space<vmem>>
        tpu.wait_dma2 semaphore(%run_scoped3A : memref<!tpu.dma_semaphore, #tpu.memory_space<semaphore_mem>>) src(%dma_wait3A_206 : memref<544x128xf32, #tpu.memory_space<vmem>>) dst(%dma_wait3A_203 : memref<544x128xf32, #tpu.memory_space<hbm>>)
        tpu.yield
      }) : () -> ()
    } else {
    }
    return
  }
}

</mosaic_0001>

<sc_bundles>
// kernel: _gather.3.cloned.1.call-start
scs
__scs_entry_jumppad:
0x0: {  	(pc) =	sbr.rel $0x88, $3  }
0x1: {  	(tag) =	ssettag $0x0;
	lr =	simm.s32 $0x1  }
0x2: {  	[smem:$0x3F9F] =	sst lr;
	_ =	strace $0xD0000000  }
0x3: {  	_ = 	snop  }
0x4: {  	_ = 	snop  }
0x5: {  	_ = 	snop  }
0x6: {  	_ = 	snop  }
0x7: {  	_ = 	snop  }
__scs_overlays_trampoline_lowered:
0x8: {  	[smem:$0x3FAE] =	sst s0  }
0x9: {  	[smem:$0x3FAF] =	sst s1  }
0xa: {  	[smem:$0x3FB0] =	sst s2  }
0xb: {  	[smem:$0x3FB1] =	sst s3  }
0xc: {  	[smem:$0x3FB2] =	sst s4  }
0xd: {  	[smem:$0x3FB3] =	sst s5  }
0xe: {  	[smem:$0x3FB4] =	sst s6  }
0xf: {  	[smem:$0x3FB5] =	sst s7  }
0x10: {  	[smem:$0x3FB6] =	sst s8  }
0x11: {  	[smem:$0x3FB7] =	sst s9;
	s0 =	simm.s32 @!p0 $0x0  }
0x12: {  	s1 =	sld [smem:$0x3F9D];
	s0 =	simm.s32 @p0 $0x1  }
0x13: {  	[smem:$0x3FB8] =	sst s0;
	s0 =	simm.s32 @!p1 $0x0  }
0x14: {  	s2 =	sld [smem:$0x3F9C];
	s0 =	simm.s32 @p1 $0x1  }
0x15: {  	[smem:$0x3FB9] =	sst s0;
	s0 =	simm.s32 @!p2 $0x0  }
0x16: {  	s3 =	sld [smem:$0x3FDB];
	s0 =	simm.s32 @p2 $0x1  }
0x17: {  	s4 =	simm.s32 $0x1BF5;
	[smem:$0x3FBB] =	sst s0  }
0x18: {  	s0 =	sld [smem:$0x3F9E];
	_ =	swait.ge [sflag:s4], $0x0  }
0x19: {  	s7 =	sld [smem:$0x3F9F]  }
0x1a: {  	s8 =	sadd.s32 $0xFFFFE003, lr  }
0x1b: {  	s9 =	sadd.s32 $0xFFFFFEF7, lr;
	s5 =	simm.s32 $0xFFFFFFFF;
	p2 =	slt.u32 s8, $0xFFFFF086  }
0x1c: {  	p1 =	slt.u32 s9, $0xF7A;
	s5 =	simm.s32 @!p2 $0x0  }
0x1d: {  	s5 =	simm.s32 @p1 $0x1;
	p0 =	seq.s32 s7, s2  }
0x1e: {  	s7 =	smul.u32 @!p0 $0xF7A, s2;
	p2 =	seq.s32 @!p0 s5, $0x0  }
0x1f: {  	s9 =	smul.u32 $0xF7A, s1;
	s8 =	simm.s32 @!p0 $0x1BF5;
	p2 =	por !p2, p0  }
0x20: {  	[sflag:s8] =	ssyncset.s32 @!p0 $0xFFFFF086;
	s6 =	sadd.s32 @!p0 s3, s7;
	s7 =	simm.s32 @!p0 $0x108  }
0x21: {  	s3 =	sadd.s32 s3, s9;
	s6 =	sadd.s32 @!p0 $0x88, s6;
	s7 =	simm.s32 @p2 $0x1082  }
0x22: {  	[simem:s7], [sflag:s8] =	dma.local @!p0 [hbm:s6], $0xF7A  }
0x23: {  	s9 =	sor.u32 $0xD0000000, s2;
	s6 =	simm.s32 $0x108;
	_ =	swait.ge @!p0 [sflag:s8], $0x0  }
0x24: {  	s3 =	sadd.s32 $0x88, s3;
	s6 =	simm.s32 @!p1 $0x1082;
	[sflag:s4] =	ssyncset.s32 $0xFFFFF086  }
0x25: {  	[simem:s6], [sflag:s4] =	dma.local [hbm:s3], $0xF7A  }
0x26: {  	[smem:$0x3F9F] =	sst s1;
	(tag) =	ssettag s2;
	_ =	strace s9  }
0x27: {  	s1 =	sld [smem:$0x3FAF]  }
0x28: {  	s2 =	sld [smem:$0x3FB0]  }
0x29: {  	s4 =	sld [smem:$0x3FB2]  }
0x2a: {  	p0 =	seq.s32 s5, $0x0;
	s5 =	sld [smem:$0x3FB3]  }
0x2b: {  	s6 =	sld [smem:$0x3FB4]  }
0x2c: {  	s7 =	sld [smem:$0x3FB5]  }
0x2d: {  	s3 =	simm.s32 $0x108;
	s8 =	sld [smem:$0x3FB6]  }
0x2e: {  	s3 =	simm.s32 @!p0 $0x1082;
	s9 =	sld [smem:$0x3FB7]  }
0x2f: {  	lr =	sadd.s32 s0, s3;
	s0 =	sld [smem:$0x3FAE]  }
0x30: {  	s3 =	sld [smem:$0x3FB1]  }
0x31: {  	[smem:$0x3FBA] =	sst s10  }
0x32: {  	s10 =	sld [smem:$0x3FB8];
	_ =	sdelay $0x3  }
0x33: {  	p0 =	seq.s32 s10, $0x1;
	s10 =	sld [smem:$0x3FBA];
	_ =	sdelay $0x3  }
0x34: {  	[smem:$0x3FBA] =	sst s10  }
0x35: {  	s10 =	sld [smem:$0x3FB9];
	_ =	sdelay $0x3  }
0x36: {  	p1 =	seq.s32 s10, $0x1;
	s10 =	sld [smem:$0x3FBA];
	_ =	sdelay $0x3  }
0x37: {  	[smem:$0x3FBA] =	sst s10  }
0x38: {  	s10 =	sld [smem:$0x3FBB]  }
0x39: {  	_ = 	snop;
	(pc) =	sbr.ind lr, $3  }
0x3a: {  	_ = 	snop  }
0x3b: {  	_ = 	snop  }
0x3c: {  	p2 =	seq.s32 s10, $0x1;
	s10 =	sld [smem:$0x3FBA]  }
0x3d: {  	_ =	shalt  }
0x3e: {  	_ =	shalt  }
0x3f: {  	_ =	shalt  }
0x40: {  	_ =	shalt  }
0x41: {  	_ =	shalt  }
0x42: {  	_ =	shalt  }
0x43: {  	_ =	shalt  }
0x44: {  	_ =	shalt  }
0x45: {  	_ =	shalt  }
0x46: {  	_ =	shalt  }
0x47: {  	_ =	shalt  }
0x48: {  	_ =	shalt  }
0x49: {  	_ =	shalt  }
0x4a: {  	_ =	shalt  }
0x4b: {  	_ =	shalt  }
0x4c: {  	_ =	shalt  }
0x4d: {  	_ =	shalt  }
0x4e: {  	_ =	shalt  }
0x4f: {  	_ =	shalt  }
0x50: {  	_ =	shalt  }
0x51: {  	_ =	shalt  }
0x52: {  	_ =	shalt  }
0x53: {  	_ =	shalt  }
0x54: {  	_ =	shalt  }
0x55: {  	_ =	shalt  }
0x56: {  	_ =	shalt  }
0x57: {  	_ =	shalt  }
0x58: {  	_ =	shalt  }
0x59: {  	_ =	shalt  }
0x5a: {  	_ =	shalt  }
0x5b: {  	_ =	shalt  }
0x5c: {  	_ =	shalt  }
0x5d: {  	_ =	shalt  }
0x5e: {  	_ =	shalt  }
0x5f: {  	_ =	shalt  }
0x60: {  	_ =	shalt  }
0x61: {  	_ =	shalt  }
0x62: {  	_ =	shalt  }
0x63: {  	_ =	shalt  }
0x64: {  	_ =	shalt  }
0x65: {  	_ =	shalt  }
0x66: {  	_ =	shalt  }
0x67: {  	_ =	shalt  }
0x68: {  	_ =	shalt  }
0x69: {  	_ =	shalt  }
0x6a: {  	_ =	shalt  }
0x6b: {  	_ =	shalt  }
0x6c: {  	_ =	shalt  }
0x6d: {  	_ =	shalt  }
0x6e: {  	_ =	shalt  }
0x6f: {  	_ =	shalt  }
0x70: {  	_ =	shalt  }
0x71: {  	_ =	shalt  }
0x72: {  	_ =	shalt  }
0x73: {  	_ =	shalt  }
0x74: {  	_ =	shalt  }
0x75: {  	_ =	shalt  }
0x76: {  	_ =	shalt  }
0x77: {  	_ =	shalt  }
0x78: {  	_ =	shalt  }
0x79: {  	_ =	shalt  }
0x7a: {  	_ =	shalt  }
0x7b: {  	_ =	shalt  }
0x7c: {  	_ =	shalt  }
0x7d: {  	_ =	shalt  }
0x7e: {  	_ =	shalt  }
0x7f: {  	_ =	shalt  }
0x80: {  	_ =	shalt  }
0x81: {  	_ =	shalt  }
0x82: {  	_ =	shalt  }
0x83: {  	_ =	shalt  }
0x84: {  	_ =	shalt  }
0x85: {  	_ =	shalt  }
0x86: {  	_ =	shalt  }
0x87: {  	_ =	shalt  }
.Lfunc_end0:
.L_simem_size_0:
called_computation_lowered:
.L_overlay_start_0:
0x88: {  	s2 =	sld [smem:$0x3FD9]  }
0x89: {  	s3 =	sld [smem:$0x3FFE];
	_ =	sdelay $0x1  }
0x8a: {  	s1 =	srdreg.scid  }
0x8b: {  	s0 =	sand.u32 $0x1, s1  }
0x8c: {  	s18 =	sshll.u32 s0, $0xA;
	s2 =	sadd.s32 s3, s2  }
0x8d: {  	s2 =	sadd.s32 s2, s18  }
0x8e: {  	[smem:$0x3FC6] =	sst s2  }
0x8f: {  	_ = 	snop  }
0x90: {  	s2 =	sld [smem:$0x3FC9]  }
0x91: {  	s19 =	sld [smem:$0x3FC8]  }
0x92: {  	s4 =	sld [smem:$0x3FD0];
	(tm) =	ssettm $0x1  }
0x93: {  	s5 =	sld [smem:$0x3FFB];
	_ =	sdelay $0x3  }
0x94: {  	_ =	strace s5  }
0x95: {  	s5 =	sld [smem:$0x3FFC];
	_ =	sdelay $0x3  }
0x96: {  	_ =	strace s5  }
0x97: {  	s5 =	sld [smem:$0x3FFD];
	_ =	sdelay $0x3  }
0x98: {  	_ =	strace s5  }
0x99: {  	_ =	strace $0x8FFFFFFF  }
0x9a: {  	s20 =	sld [smem:$0x3FDB];
	_ =	sdelay $0x1  }
0x9b: {  	s6 =	simm.s32 $_scs_section_size  }
0x9c: {  	s7 =	simm.s32 $_size__tile_overlayer_lowered;
	s8 =	simm.s32 $_tile_overlayer_lowered  }
0x9d: {  	s23 =	simm.s32 $0x1BFF;
	s22 =	sshll.u32 s8, $0x1;
	s5 =	sadd.s32 s6, s20  }
0x9e: {  	s9 =	simm.s32 $0x0;
	s21 =	sshll.u32 s7, $0x1;
	s7 =	sadd.s32 s22, s5  }
0x9f: {  	[timem:s9], [sflag:s23] =	dma.local [hbm:s7], s21  }
0xa0: {  	_ =	swait.ge [sflag:s23], s21  }
0xa1: {  	s6 =	ssub.s32 $0x0, s21;
	[sflag:s23] =	ssyncset.done $0x0  }
0xa2: {  	[sflag:s23] =	ssyncadd.s32 s6;
	_ =	sdelay $0x1  }
0xa3: {  	s24 =	simm.s32 $0x1B8B  }
0xa4: {  	_ =	swait.ge [sflag:s24], $0x1  }
0xa5: {  	[sflag:s24] =	ssyncset.done $0x0  }
0xa6: {  	s25 =	simm.s32 $0x1B8E;
	[sflag:s24] =	ssyncadd.s32 $0xFFFFFFFF  }
0xa7: {  	s26 =	simm.s32 $execute0_lowered;
	[smem:$0x3FD2] =	sst s25  }
0xa8: {  	s6 =	sshll.u32 s26, $0x1;
	_ =	strace $0x80000046;
	[dreg:$0x1] =	wrdreg $0xFFFFFFFF  }
0xa9: {  	s28 =	simm.s32 $_size_execute0_lowered;
	s5 =	sadd.s32 s5, s6;
	[dreg:$0x0] =	wrdreg $0x0  }
0xaa: {  	s6 =	sshll.u32 s28, $0x1;
	[dreg:$0x2] =	wrdreg s5  }
0xab: {  	[dreg:$0x3] =	wrdreg s6  }
0xac: {  	[dreg:$0x4] =	wrdreg $0xC0  }
0xad: {  	_ =	task [dreg:s9], $0x5FFFF  }
0xae: {  	[dreg:$0x1] =	wrdreg $0xFFFFFFFF  }
0xaf: {  	[dreg:$0x0] =	wrdreg $0x60  }
0xb0: {  	[dreg:$0x2] =	wrdreg s2  }
0xb1: {  	[dreg:$0x3] =	wrdreg s19  }
0xb2: {  	[dreg:$0x4] =	wrdreg s4  }
0xb3: {  	[dreg:$0x5] =	wrdreg $0x9  }
0xb4: {  	_ =	task.clear_ibuf [dreg:s9], $0x6FFFF;
	_ =	strace $0x90000046  }
0xb5: {  	s29 =	simm.s32 $0x9;
	_ =	strace $0x80000048  }
0xb6: {  	_ =	swait.ge [sflag:s29], $0x1  }
0xb7: {  	[sflag:s29] =	ssyncadd.s32 $0xFFFFFFFF  }
0xb8: {  	_ =	strace $0x90000048  }
0xb9: {  	_ =	sfence  }
0xba: {  	s30 =	sld [smem:$0x0];
	_ =	sdelay $0x2  }
0xbb: {  	s31 =	sshll.u32 s1, $0xD;
	s1 =	sshrl.u32 s1, $0x2  }
0xbc: {  	s3 =	sand.u32 $0x4000, s31;
	s1 =	sadd.s32 s1, s30  }
0xbd: {  	s0 =	sor.u32 s3, s0;
	s1 =	sshll.u32 s1, $0x11  }
0xbe: {  	s0 =	sor.u32 s1, s0  }
0xbf: {  	s0 =	sadd.s32 $0x8F2B, s0  }
0xc0: {  	[sflag:s0] =	ssyncadd.remote.s32 $0x1  }
0xc1: {  	_ =	sfence.sel $0xFFFF  }
0xc2: {  	[dreg:$0x0] =	wrdreg $0xFFFFFFFF;
	(pc) =	sbr.abs _section_cstart, $3  }
0xc3: {  	[dreg:$0x1] =	wrdreg $0xFFFFFFFF  }
0xc4: {  	_ =	task.clear_ibuf [dreg:s9], $0x2FFFF;
	_ =	strace $0x9FFFFFFF  }
0xc5: {  	(tm) =	ssettm $0x7FFFFFFF  }
tec
execute0_lowered:
.L_overlay_start_1:
0x0: {  	(tag) =	ssettag $0x1  }
0x1: {  	s0 =	rddreg [dreg:$0x0]  }
0x2: {  	s2 =	rddreg [dreg:$0x1]  }
0x3: {  	s1 =	srdreg.scid;
	s4 =	rddreg [dreg:$0x2]  }
0x4: {  	s20 =	stileid.u32;
	s21 =	rddreg [dreg:$0x3];
	s3 =	simm.s32 $0x0  }
0x5: {  	s14 =	simm.s32 $0x4380;
	s9 =	simm.s32 $0x10380;
	s10 =	simm.s32 $0x280  }
0x6: {  	s11 =	simm.s32 $0x14380;
	s1 =	sand.u32 $0x1, s1;
	s5 =	sshll.u32 s20, $0x1  }
0x7: {  	s12 =	simm.s32 $0x300;
	s13 =	simm.s32 $0x18380;
	s19 =	sor.u32 s1, s5  }
0x8: {  	p2 =	por $0x0, $0x0;
	[smem:$0x7FF] =	sst s3;
	s5 =	smul.u32 $0x70, s19  }
0x9: {  	s28 =	sadd.s32 $0x184800, s4;
	s6 =	smul.u32 $0x3800, s19;
	s7 =	sor.u32 $0x20, s19  }
0xa: {  	s25 =	sadd.s32 $0x3070, s0;
	_ =	strace $0x80000047;
	s15 =	smul.u32 $0x70, s7  }
0xb: {  	[dreg:$0xa] =	wrdreg s25;
	s8 =	sor.u32 $0x40, s19;
	s7 =	smul.u32 $0x3800, s7  }
0xc: {  	s1 =	ssub.s32 $0x2, s1;
	[dreg:$0xb] =	wrdreg s28;
	s16 =	smul.u32 $0x70, s8  }
0xd: {  	s24 =	sor.u32 $0x60, s19;
	s29 =	sshrl.u32 s1, $0x1;
	s18 =	smul.u32 $0x3800, s8  }
0xe: {  	p0 =	sgt.u32 s19, $0xE;
	s26 =	smul.u32 $0x70, s24;
	s1 =	ssub.s32 s1, s29  }
0xf: {  	s8 =	simm.s32 $0x200;
	p1 =	sne.s32 @p0 s19, $0xF;
	s5 =	sadd.s32 s0, s5  }
0x10: {  	s6 =	sadd.s32 s4, s6;
	s31 =	smax.u32 s1, $0x1;
	[dreg:$0x4] =	wrdreg s5  }
0x11: {  	p1 =	por p1, !p0;
	[dreg:$0x5] =	wrdreg s6;
	s5 =	sadd.s32 s0, s15  }
0x12: {  	s17 =	sadd.s32 s4, s7;
	s22 =	sadd.s32 s0, s16;
	s23 =	sadd.s32 s4, s18  }
0x13: {  	s6 =	smul.u32 $0x3800, s24;
	[dreg:$0x8] =	wrdreg s22;
	s22 =	sadd.s32 $0xFFFFFFFF, s31  }
0x14: {  	s0 =	sadd.s32 s0, s26;
	[dreg:$0x6] =	wrdreg s5;
	p3 =	sne.s32 s22, $0x0  }
.Ltmp0:
0x15: {  	s7 =	simm.s32 $0x80;
	[dreg:$0x7] =	wrdreg s17;
	(pc) =	sbr.rel @!p3 .LBB2_1-.Ltmp0, $4  }
0x16: {  	s15 =	simm.s32 $0x100;
	s16 =	simm.s32 $0x8380;
	[dreg:$0x9] =	wrdreg s23  }
0x17: {  	s18 =	simm.s32 $0xC380;
	[dreg:$0xc] =	wrdreg s0;
	s5 =	simm.s32 $0x380  }
0x18: {  	s17 =	simm.s32 $0x180;
	s23 =	rddreg [dreg:$0x4];
	s30 =	sadd.s32 s4, s6  }
0x19: {  	s4 =	simm.s32 $0x2;
	s6 =	simm.s32 $0x1;
	[dreg:$0xd] =	wrdreg s30  }
0x1a: {  	[tilespmem:s3], [sflag:$0x2] =	stream.linear.gather [hbm4b:s23+s3], $0x380, $0x38;
	[tilespmem:$0x1C380] =	vst v63  }
0x1b: {  	_ =	swait.ge [sflag:s4], $0x380  }
0x1c: {  	[sflag:s4] =	ssyncset.done $0x0  }
0x1d: {  	[sflag:s4] =	ssyncadd.s32 $0xFFFFFC80  }
0x1e: {  	[tilespmem:s5], [sflag:$0x1] =	stream.indirect.gather [hbm4b:s2+s7], $0x80, s3, s7, $0xb8;
	[tilespmem:$0x1C380] =	vst v63  }
0x1f: {  	_ = 	snop  }
0x20: {  	[tilespmem:s14], [sflag:$0x1] =	stream.indirect.gather [hbm4b:s2+s7], $0x80, s7, s7, $0xb8;
	[tilespmem:$0x1C380] =	vst v63  }
0x21: {  	_ = 	snop  }
0x22: {  	[tilespmem:s16], [sflag:$0x1] =	stream.indirect.gather [hbm4b:s2+s7], $0x80, s15, s7, $0xb8;
	[tilespmem:$0x1C380] =	vst v63  }
0x23: {  	_ = 	snop  }
0x24: {  	[tilespmem:s18], [sflag:$0x1] =	stream.indirect.gather [hbm4b:s2+s7], $0x80, s17, s7, $0xb8;
	[tilespmem:$0x1C380] =	vst v63  }
0x25: {  	_ =	swait.ge [sflag:s6], $0x4000  }
0x26: {  	[sflag:s6] =	ssyncset.done $0x0  }
0x27: {  	[sflag:s6] =	ssyncadd.s32 $0xFFFFC000  }
0x28: {  	_ =	swait.ge [sflag:s6], $0x4000  }
0x29: {  	[sflag:s6] =	ssyncset.done $0x0  }
0x2a: {  	[sflag:s6] =	ssyncadd.s32 $0xFFFFC000  }
0x2b: {  	_ =	swait.ge [sflag:s6], $0x4000  }
0x2c: {  	[sflag:s6] =	ssyncset.done $0x0  }
0x2d: {  	[sflag:s6] =	ssyncadd.s32 $0xFFFFC000  }
0x2e: {  	_ =	swait.ge [sflag:s6], $0x4000  }
0x2f: {  	[sflag:s6] =	ssyncset.done $0x0  }
0x30: {  	[sflag:s6] =	ssyncadd.s32 $0xFFFFC000  }
0x31: {  	[tilespmem:s9], [sflag:$0x1] =	stream.indirect.gather [hbm4b:s2+s7], $0x80, s8, s7, $0xb8;
	[tilespmem:$0x1C380] =	vst v63  }
0x32: {  	_ = 	snop  }
0x33: {  	[tilespmem:s11], [sflag:$0x1] =	stream.indirect.gather [hbm4b:s2+s7], $0x80, s10, s7, $0xb8;
	[tilespmem:$0x1C380] =	vst v63  }
0x34: {  	_ = 	snop  }
0x35: {  	[tilespmem:s13], [sflag:$0x1] =	stream.indirect.gather [hbm4b:s2+s7], $0x80, s12, s7, $0xb8;
	[tilespmem:$0x1C380] =	vst v63  }
0x36: {  	_ =	swait.ge [sflag:s6], $0x4000  }
0x37: {  	[sflag:s6] =	ssyncset.done $0x0  }
0x38: {  	[sflag:s6] =	ssyncadd.s32 $0xFFFFC000  }
0x39: {  	_ =	swait.ge [sflag:s6], $0x4000  }
0x3a: {  	[sflag:s6] =	ssyncset.done $0x0  }
0x3b: {  	[sflag:s6] =	ssyncadd.s32 $0xFFFFC000  }
0x3c: {  	_ =	swait.ge [sflag:s6], $0x4000  }
0x3d: {  	[sflag:s6] =	ssyncset.done $0x0  }
0x3e: {  	s0 =	rddreg [dreg:$0x5];
	[sflag:s6] =	ssyncadd.s32 $0xFFFFC000  }
0x3f: {  	[hbm4b:s0+s3] =	stream.linear.scatter [tilespmem:s5], [sflag:$0x2], $0x1C000, $0x38;
	[tilespmem:$0x1C380] =	vst v63  }
0x40: {  	_ =	swait.ge [sflag:s4], $0x1C000  }
0x41: {  	[sflag:s4] =	ssyncset.done $0x0  }
0x42: {  	s23 =	rddreg [dreg:$0x6];
	[sflag:s4] =	ssyncadd.s32 $0xFFFE4000  }
0x43: {  	[tilespmem:s3], [sflag:$0x2] =	stream.linear.gather [hbm4b:s23+s3], $0x380, $0x38;
	[tilespmem:$0x1C380] =	vst v63  }
0x44: {  	_ =	swait.ge [sflag:s4], $0x380  }
0x45: {  	[sflag:s4] =	ssyncset.done $0x0  }
0x46: {  	[sflag:s4] =	ssyncadd.s32 $0xFFFFFC80  }
0x47: {  	[tilespmem:s5], [sflag:$0x1] =	stream.indirect.gather [hbm4b:s2+s7], $0x80, s3, s7, $0xb8;
	[tilespmem:$0x1C380] =	vst v63  }
0x48: {  	_ = 	snop  }
0x49: {  	[tilespmem:s14], [sflag:$0x1] =	stream.indirect.gather [hbm4b:s2+s7], $0x80, s7, s7, $0xb8;
	[tilespmem:$0x1C380] =	vst v63  }
0x4a: {  	_ = 	snop  }
0x4b: {  	[tilespmem:s16], [sflag:$0x1] =	stream.indirect.gather [hbm4b:s2+s7], $0x80, s15, s7, $0xb8;
	[tilespmem:$0x1C380] =	vst v63  }
0x4c: {  	_ = 	snop  }
0x4d: {  	[tilespmem:s18], [sflag:$0x1] =	stream.indirect.gather [hbm4b:s2+s7], $0x80, s17, s7, $0xb8;
	[tilespmem:$0x1C380] =	vst v63  }
0x4e: {  	_ =	swait.ge [sflag:s6], $0x4000  }
0x4f: {  	[sflag:s6] =	ssyncset.done $0x0  }
0x50: {  	[sflag:s6] =	ssyncadd.s32 $0xFFFFC000  }
0x51: {  	_ =	swait.ge [sflag:s6], $0x4000  }
0x52: {  	[sflag:s6] =	ssyncset.done $0x0  }
0x53: {  	[sflag:s6] =	ssyncadd.s32 $0xFFFFC000  }
0x54: {  	_ =	swait.ge [sflag:s6], $0x4000  }
0x55: {  	[sflag:s6] =	ssyncset.done $0x0  }
0x56: {  	[sflag:s6] =	ssyncadd.s32 $0xFFFFC000  }
0x57: {  	_ =	swait.ge [sflag:s6], $0x4000  }
0x58: {  	[sflag:s6] =	ssyncset.done $0x0  }
0x59: {  	[sflag:s6] =	ssyncadd.s32 $0xFFFFC000  }
0x5a: {  	[tilespmem:s9], [sflag:$0x1] =	stream.indirect.gather [hbm4b:s2+s7], $0x80, s8, s7, $0xb8;
	[tilespmem:$0x1C380] =	vst v63  }
0x5b: {  	_ = 	snop  }
0x5c: {  	[tilespmem:s11], [sflag:$0x1] =	stream.indirect.gather [hbm4b:s2+s7], $0x80, s10, s7, $0xb8;
	[tilespmem:$0x1C380] =	vst v63  }
0x5d: {  	_ = 	snop  }
0x5e: {  	[tilespmem:s13], [sflag:$0x1] =	stream.indirect.gather [hbm4b:s2+s7], $0x80, s12, s7, $0xb8;
	[tilespmem:$0x1C380] =	vst v63  }
0x5f: {  	_ =	swait.ge [sflag:s6], $0x4000  }
0x60: {  	[sflag:s6] =	ssyncset.done $0x0  }
0x61: {  	[sflag:s6] =	ssyncadd.s32 $0xFFFFC000  }
0x62: {  	_ =	swait.ge [sflag:s6], $0x4000  }
0x63: {  	[sflag:s6] =	ssyncset.done $0x0  }
0x64: {  	[sflag:s6] =	ssyncadd.s32 $0xFFFFC000  }
0x65: {  	_ =	swait.ge [sflag:s6], $0x4000  }
0x66: {  	[sflag:s6] =	ssyncset.done $0x0  }
0x67: {  	s24 =	rddreg [dreg:$0x7];
	[sflag:s6] =	ssyncadd.s32 $0xFFFFC000  }
0x68: {  	[hbm4b:s24+s3] =	stream.linear.scatter [tilespmem:s5], [sflag:$0x2], $0x1C000, $0x38;
	[tilespmem:$0x1C380] =	vst v63  }
0x69: {  	_ =	swait.ge [sflag:s4], $0x1C000  }
0x6a: {  	[sflag:s4] =	ssyncset.done $0x0  }
0x6b: {  	s25 =	rddreg [dreg:$0x8];
	[sflag:s4] =	ssyncadd.s32 $0xFFFE4000  }
0x6c: {  	[tilespmem:s3], [sflag:$0x2] =	stream.linear.gather [hbm4b:s25+s3], $0x380, $0x38;
	[tilespmem:$0x1C380] =	vst v63  }
0x6d: {  	_ =	swait.ge [sflag:s4], $0x380  }
0x6e: {  	[sflag:s4] =	ssyncset.done $0x0  }
0x6f: {  	[sflag:s4] =	ssyncadd.s32 $0xFFFFFC80  }
0x70: {  	[tilespmem:s5], [sflag:$0x1] =	stream.indirect.gather [hbm4b:s2+s7], $0x80, s3, s7, $0xb8;
	[tilespmem:$0x1C380] =	vst v63  }
0x71: {  	_ = 	snop  }
0x72: {  	[tilespmem:s14], [sflag:$0x1] =	stream.indirect.gather [hbm4b:s2+s7], $0x80, s7, s7, $0xb8;
	[tilespmem:$0x1C380] =	vst v63  }
0x73: {  	_ = 	snop  }
0x74: {  	[tilespmem:s16], [sflag:$0x1] =	stream.indirect.gather [hbm4b:s2+s7], $0x80, s15, s7, $0xb8;
	[tilespmem:$0x1C380] =	vst v63  }
0x75: {  	_ = 	snop  }
0x76: {  	[tilespmem:s18], [sflag:$0x1] =	stream.indirect.gather [hbm4b:s2+s7], $0x80, s17, s7, $0xb8;
	[tilespmem:$0x1C380] =	vst v63  }
0x77: {  	_ =	swait.ge [sflag:s6], $0x4000  }
0x78: {  	[sflag:s6] =	ssyncset.done $0x0  }
0x79: {  	[sflag:s6] =	ssyncadd.s32 $0xFFFFC000  }
0x7a: {  	_ =	swait.ge [sflag:s6], $0x4000  }
0x7b: {  	[sflag:s6] =	ssyncset.done $0x0  }
0x7c: {  	[sflag:s6] =	ssyncadd.s32 $0xFFFFC000  }
0x7d: {  	_ =	swait.ge [sflag:s6], $0x4000  }
0x7e: {  	[sflag:s6] =	ssyncset.done $0x0  }
0x7f: {  	[sflag:s6] =	ssyncadd.s32 $0xFFFFC000  }
0x80: {  	_ =	swait.ge [sflag:s6], $0x4000  }
0x81: {  	[sflag:s6] =	ssyncset.done $0x0  }
0x82: {  	[sflag:s6] =	ssyncadd.s32 $0xFFFFC000  }
0x83: {  	[tilespmem:s9], [sflag:$0x1] =	stream.indirect.gather [hbm4b:s2+s7], $0x80, s8, s7, $0xb8;
	[tilespmem:$0x1C380] =	vst v63  }
0x84: {  	_ = 	snop  }
0x85: {  	[tilespmem:s11], [sflag:$0x1] =	stream.indirect.gather [hbm4b:s2+s7], $0x80, s10, s7, $0xb8;
	[tilespmem:$0x1C380] =	vst v63  }
0x86: {  	_ = 	snop  }
0x87: {  	[tilespmem:s13], [sflag:$0x1] =	stream.indirect.gather [hbm4b:s2+s7], $0x80, s12, s7, $0xb8;
	[tilespmem:$0x1C380] =	vst v63  }
0x88: {  	_ =	swait.ge [sflag:s6], $0x4000  }
0x89: {  	[sflag:s6] =	ssyncset.done $0x0  }
0x8a: {  	[sflag:s6] =	ssyncadd.s32 $0xFFFFC000  }
0x8b: {  	_ =	swait.ge [sflag:s6], $0x4000  }
0x8c: {  	[sflag:s6] =	ssyncset.done $0x0  }
0x8d: {  	[sflag:s6] =	ssyncadd.s32 $0xFFFFC000  }
0x8e: {  	_ =	swait.ge [sflag:s6], $0x4000  }
0x8f: {  	[sflag:s6] =	ssyncset.done $0x0  }
0x90: {  	s26 =	rddreg [dreg:$0x9];
	[sflag:s6] =	ssyncadd.s32 $0xFFFFC000  }
0x91: {  	[hbm4b:s26+s3] =	stream.linear.scatter [tilespmem:s5], [sflag:$0x2], $0x1C000, $0x38;
	[tilespmem:$0x1C380] =	vst v63  }
0x92: {  	_ =	swait.ge [sflag:s4], $0x1C000  }
0x93: {  	s19 =	simm.s32 @!p1 $0x0;
	[sflag:s4] =	ssyncset.done $0x0  }
0x94: {  	s20 =	simm.s32 @!p1 $0x2;
	s0 =	rddreg [dreg:$0xa];
	[sflag:s4] =	ssyncadd.s32 $0xFFFE4000  }
0x95: {  	[tilespmem:s19], [sflag:$0x2] =	stream.linear.gather @!p1 [hbm4b:s0+s19], $0x380, $0x38;
	[tilespmem:$0x1C380] =	vst v63  }
0x96: {  	_ =	swait.ge @!p1 [sflag:s20], $0x380  }
0x97: {  	[sflag:s20] =	ssyncset.done @!p1 $0x0  }
0x98: {  	s21 =	simm.s32 @!p1 $0x80;
	s0 =	simm.s32 @!p1 $0x380;
	[sflag:s20] =	ssyncadd.s32 @!p1 $0xFFFFFC80  }
0x99: {  	[tilespmem:s0], [sflag:$0x1] =	stream.indirect.gather @!p1 [hbm4b:s2+s21], $0x80, s19, s21, $0xb8;
	[tilespmem:$0x1C380] =	vst v63  }
0x9a: {  	s0 =	simm.s32 @!p1 $0x4380  }
0x9b: {  	[tilespmem:s0], [sflag:$0x1] =	stream.indirect.gather @!p1 [hbm4b:s2+s21], $0x80, s21, s21, $0xb8;
	[tilespmem:$0x1C380] =	vst v63  }
0x9c: {  	s25 =	simm.s32 @!p1 $0x8380;
	s0 =	simm.s32 @!p1 $0x100  }
0x9d: {  	[tilespmem:s25], [sflag:$0x1] =	stream.indirect.gather @!p1 [hbm4b:s2+s21], $0x80, s0, s21, $0xb8;
	[tilespmem:$0x1C380] =	vst v63  }
0x9e: {  	s1 =	simm.s32 @!p1 $0xC380;
	s29 =	simm.s32 @!p1 $0x1;
	s0 =	simm.s32 @!p1 $0x180  }
0x9f: {  	[tilespmem:s1], [sflag:$0x1] =	stream.indirect.gather @!p1 [hbm4b:s2+s21], $0x80, s0, s21, $0xb8;
	[tilespmem:$0x1C380] =	vst v63  }
0xa0: {  	_ =	swait.ge @!p1 [sflag:s29], $0x4000  }
0xa1: {  	[sflag:s29] =	ssyncset.done @!p1 $0x0  }
0xa2: {  	[sflag:s29] =	ssyncadd.s32 @!p1 $0xFFFFC000  }
0xa3: {  	_ =	swait.ge @!p1 [sflag:s29], $0x4000  }
0xa4: {  	[sflag:s29] =	ssyncset.done @!p1 $0x0  }
0xa5: {  	[sflag:s29] =	ssyncadd.s32 @!p1 $0xFFFFC000  }
0xa6: {  	_ =	swait.ge @!p1 [sflag:s29], $0x4000  }
0xa7: {  	[sflag:s29] =	ssyncset.done @!p1 $0x0  }
0xa8: {  	[sflag:s29] =	ssyncadd.s32 @!p1 $0xFFFFC000  }
0xa9: {  	_ =	swait.ge @!p1 [sflag:s29], $0x4000  }
0xaa: {  	[sflag:s29] =	ssyncset.done @!p1 $0x0  }
0xab: {  	s0 =	simm.s32 @!p1 $0x200;
	s1 =	simm.s32 @!p1 $0x10380;
	[sflag:s29] =	ssyncadd.s32 @!p1 $0xFFFFC000  }
0xac: {  	[tilespmem:s1], [sflag:$0x1] =	stream.indirect.gather @!p1 [hbm4b:s2+s21], $0x80, s0, s21, $0xb8;
	[tilespmem:$0x1C380] =	vst v63  }
0xad: {  	s0 =	simm.s32 @!p1 $0x280;
	s1 =	simm.s32 @!p1 $0x14380  }
0xae: {  	[tilespmem:s1], [sflag:$0x1] =	stream.indirect.gather @!p1 [hbm4b:s2+s21], $0x80, s0, s21, $0xb8;
	[tilespmem:$0x1C380] =	vst v63  }
0xaf: {  	s0 =	simm.s32 @!p1 $0x300;
	s1 =	simm.s32 @!p1 $0x18380  }
0xb0: {  	[tilespmem:s1], [sflag:$0x1] =	stream.indirect.gather @!p1 [hbm4b:s2+s21], $0x80, s0, s21, $0xb8;
	[tilespmem:$0x1C380] =	vst v63  }
0xb1: {  	_ =	swait.ge @!p1 [sflag:s29], $0x4000  }
0xb2: {  	[sflag:s29] =	ssyncset.done @!p1 $0x0  }
0xb3: {  	[sflag:s29] =	ssyncadd.s32 @!p1 $0xFFFFC000  }
0xb4: {  	_ =	swait.ge @!p1 [sflag:s29], $0x4000  }
0xb5: {  	[sflag:s29] =	ssyncset.done @!p1 $0x0  }
0xb6: {  	[sflag:s29] =	ssyncadd.s32 @!p1 $0xFFFFC000  }
0xb7: {  	_ =	swait.ge @!p1 [sflag:s29], $0x4000  }
0xb8: {  	[sflag:s29] =	ssyncset.done @!p1 $0x0  }
0xb9: {  	s0 =	rddreg [dreg:$0xb];
	[sflag:s29] =	ssyncadd.s32 @!p1 $0xFFFFC000  }
0xba: {  	[hbm4b:s0+s19] =	stream.linear.scatter @!p1 [tilespmem:s25], [sflag:$0x2], $0x11000, $0x38;
	[tilespmem:$0x1C380] =	vst v63  }
0xbb: {  	_ =	swait.ge @!p1 [sflag:s20], $0x11000  }
0xbc: {  	s24 =	simm.s32 @!p0 $0x2;
	[sflag:s20] =	ssyncset.done @!p1 $0x0  }
0xbd: {  	s26 =	simm.s32 @!p0 $0x0;
	s0 =	rddreg [dreg:$0xc];
	[sflag:s20] =	ssyncadd.s32 @!p1 $0xFFFEF000  }
0xbe: {  	[tilespmem:s26], [sflag:$0x2] =	stream.linear.gather @!p0 [hbm4b:s0+s26], $0x380, $0x38;
	[tilespmem:$0x1C380] =	vst v63  }
0xbf: {  	_ =	swait.ge @!p0 [sflag:s24], $0x380  }
0xc0: {  	[sflag:s24] =	ssyncset.done @!p0 $0x0  }
0xc1: {  	s28 =	simm.s32 @!p0 $0x80;
	s30 =	simm.s32 @!p0 $0x380;
	[sflag:s24] =	ssyncadd.s32 @!p0 $0xFFFFFC80  }
0xc2: {  	[tilespmem:s30], [sflag:$0x1] =	stream.indirect.gather @!p0 [hbm4b:s2+s28], $0x80, s26, s28, $0xb8;
	[tilespmem:$0x1C380] =	vst v63  }
0xc3: {  	s0 =	simm.s32 @!p0 $0x4380  }
0xc4: {  	[tilespmem:s0], [sflag:$0x1] =	stream.indirect.gather @!p0 [hbm4b:s2+s28], $0x80, s28, s28, $0xb8;
	[tilespmem:$0x1C380] =	vst v63  }
0xc5: {  	s1 =	simm.s32 @!p0 $0x8380;
	s0 =	simm.s32 @!p0 $0x100  }
0xc6: {  	[tilespmem:s1], [sflag:$0x1] =	stream.indirect.gather @!p0 [hbm4b:s2+s28], $0x80, s0, s28, $0xb8;
	[tilespmem:$0x1C380] =	vst v63  }
0xc7: {  	s31 =	simm.s32 @!p0 $0x1;
	s0 =	simm.s32 @!p0 $0x180;
	s1 =	simm.s32 @!p0 $0xC380  }
0xc8: {  	[tilespmem:s1], [sflag:$0x1] =	stream.indirect.gather @!p0 [hbm4b:s2+s28], $0x80, s0, s28, $0xb8;
	[tilespmem:$0x1C380] =	vst v63  }
0xc9: {  	_ =	swait.ge @!p0 [sflag:s31], $0x4000  }
0xca: {  	[sflag:s31] =	ssyncset.done @!p0 $0x0  }
0xcb: {  	[sflag:s31] =	ssyncadd.s32 @!p0 $0xFFFFC000  }
0xcc: {  	_ =	swait.ge @!p0 [sflag:s31], $0x4000  }
0xcd: {  	[sflag:s31] =	ssyncset.done @!p0 $0x0  }
0xce: {  	[sflag:s31] =	ssyncadd.s32 @!p0 $0xFFFFC000  }
0xcf: {  	_ =	swait.ge @!p0 [sflag:s31], $0x4000  }
0xd0: {  	[sflag:s31] =	ssyncset.done @!p0 $0x0  }
0xd1: {  	[sflag:s31] =	ssyncadd.s32 @!p0 $0xFFFFC000  }
0xd2: {  	_ =	swait.ge @!p0 [sflag:s31], $0x4000  }
0xd3: {  	[sflag:s31] =	ssyncset.done @!p0 $0x0  }
0xd4: {  	s0 =	simm.s32 @!p0 $0x200;
	s1 =	simm.s32 @!p0 $0x10380;
	[sflag:s31] =	ssyncadd.s32 @!p0 $0xFFFFC000  }
0xd5: {  	[tilespmem:s1], [sflag:$0x1] =	stream.indirect.gather @!p0 [hbm4b:s2+s28], $0x80, s0, s28, $0xb8;
	[tilespmem:$0x1C380] =	vst v63  }
0xd6: {  	s0 =	simm.s32 @!p0 $0x280;
	s1 =	simm.s32 @!p0 $0x14380  }
0xd7: {  	[tilespmem:s1], [sflag:$0x1] =	stream.indirect.gather @!p0 [hbm4b:s2+s28], $0x80, s0, s28, $0xb8;
	[tilespmem:$0x1C380] =	vst v63  }
0xd8: {  	s23 =	simm.s32 @!p0 $0x18380;
	s1 =	simm.s32 @!p0 $0x300  }
0xd9: {  	[tilespmem:s23], [sflag:$0x1] =	stream.indirect.gather @!p0 [hbm4b:s2+s28], $0x80, s1, s28, $0xb8;
	[tilespmem:$0x1C380] =	vst v63  }
0xda: {  	_ =	swait.ge @!p0 [sflag:s31], $0x4000  }
0xdb: {  	[sflag:s31] =	ssyncset.done @!p0 $0x0  }
0xdc: {  	[sflag:s31] =	ssyncadd.s32 @!p0 $0xFFFFC000  }
0xdd: {  	_ =	swait.ge @!p0 [sflag:s31], $0x4000  }
0xde: {  	[sflag:s31] =	ssyncset.done @!p0 $0x0  }
0xdf: {  	s22 =	sadd.s32 $0xFFFFFFFF, s22;
	[sflag:s31] =	ssyncadd.s32 @!p0 $0xFFFFC000  }
0xe0: {  	p3 =	sne.s32 s22, $0x0;
	_ =	swait.ge @!p0 [sflag:s31], $0x4000  }
.Ltmp1:
0xe1: {  	[sflag:s31] =	ssyncset.done @!p0 $0x0;
	(pc) =	sbr.rel @!p3 .LBB2_3-.Ltmp1, $4  }
0xe2: {  	s23 =	rddreg [dreg:$0xd];
	[sflag:s31] =	ssyncadd.s32 @!p0 $0xFFFFC000  }
0xe3: {  	[hbm4b:s23+s26] =	stream.linear.scatter @!p0 [tilespmem:s30], [sflag:$0x2], $0x1C000, $0x38;
	[tilespmem:$0x1C380] =	vst v63  }
0xe4: {  	p2 =	por $0x1, $0x1;
	_ =	swait.ge @!p0 [sflag:s24], $0x1C000  }
0xe5: {  	s0 =	simm.s32 @!p0 $0x18380;
	[sflag:s24] =	ssyncset.done @!p0 $0x0;
	s23 =	rddreg [dreg:$0x4]  }
.LBB2_4:
0xe6: {  	[sflag:s24] =	ssyncadd.s32 @!p0 $0xFFFE4000  }
0xe7: {  	[tilespmem:s3], [sflag:$0x2] =	stream.linear.gather [hbm4b:s23+s3], $0x380, $0x38;
	[tilespmem:$0x1C380] =	vst v63  }
0xe8: {  	_ =	swait.ge [sflag:s4], $0x380  }
0xe9: {  	[sflag:s4] =	ssyncset.done $0x0  }
0xea: {  	[sflag:s4] =	ssyncadd.s32 $0xFFFFFC80  }
0xeb: {  	[tilespmem:s5], [sflag:$0x1] =	stream.indirect.gather [hbm4b:s2+s7], $0x80, s3, s7, $0xb8;
	[tilespmem:$0x1C380] =	vst v63  }
0xec: {  	_ = 	snop  }
0xed: {  	[tilespmem:s14], [sflag:$0x1] =	stream.indirect.gather [hbm4b:s2+s7], $0x80, s7, s7, $0xb8;
	[tilespmem:$0x1C380] =	vst v63  }
0xee: {  	_ = 	snop  }
0xef: {  	[tilespmem:s16], [sflag:$0x1] =	stream.indirect.gather [hbm4b:s2+s7], $0x80, s15, s7, $0xb8;
	[tilespmem:$0x1C380] =	vst v63  }
0xf0: {  	_ = 	snop  }
0xf1: {  	[tilespmem:s18], [sflag:$0x1] =	stream.indirect.gather [hbm4b:s2+s7], $0x80, s17, s7, $0xb8;
	[tilespmem:$0x1C380] =	vst v63  }
0xf2: {  	_ =	swait.ge [sflag:s6], $0x4000  }
0xf3: {  	[sflag:s6] =	ssyncset.done $0x0  }
0xf4: {  	[sflag:s6] =	ssyncadd.s32 $0xFFFFC000  }
0xf5: {  	_ =	swait.ge [sflag:s6], $0x4000  }
0xf6: {  	[sflag:s6] =	ssyncset.done $0x0  }
0xf7: {  	[sflag:s6] =	ssyncadd.s32 $0xFFFFC000  }
0xf8: {  	_ =	swait.ge [sflag:s6], $0x4000  }
0xf9: {  	[sflag:s6] =	ssyncset.done $0x0  }
0xfa: {  	[sflag:s6] =	ssyncadd.s32 $0xFFFFC000  }
0xfb: {  	_ =	swait.ge [sflag:s6], $0x4000  }
0xfc: {  	[sflag:s6] =	ssyncset.done $0x0  }
0xfd: {  	[sflag:s6] =	ssyncadd.s32 $0xFFFFC000  }
0xfe: {  	[tilespmem:s9], [sflag:$0x1] =	stream.indirect.gather [hbm4b:s2+s7], $0x80, s8, s7, $0xb8;
	[tilespmem:$0x1C380] =	vst v63  }
0xff: {  	_ = 	snop  }
0x100: {  	[tilespmem:s11], [sflag:$0x1] =	stream.indirect.gather [hbm4b:s2+s7], $0x80, s10, s7, $0xb8;
	[tilespmem:$0x1C380] =	vst v63  }
0x101: {  	_ = 	snop  }
0x102: {  	[tilespmem:s13], [sflag:$0x1] =	stream.indirect.gather [hbm4b:s2+s7], $0x80, s12, s7, $0xb8;
	[tilespmem:$0x1C380] =	vst v63  }
0x103: {  	_ =	swait.ge [sflag:s6], $0x4000  }
0x104: {  	[sflag:s6] =	ssyncset.done $0x0  }
0x105: {  	[sflag:s6] =	ssyncadd.s32 $0xFFFFC000  }
0x106: {  	_ =	swait.ge [sflag:s6], $0x4000  }
0x107: {  	[sflag:s6] =	ssyncset.done $0x0  }
0x108: {  	[sflag:s6] =	ssyncadd.s32 $0xFFFFC000  }
0x109: {  	_ =	swait.ge [sflag:s6], $0x4000  }
0x10a: {  	[sflag:s6] =	ssyncset.done $0x0  }
0x10b: {  	s1 =	rddreg [dreg:$0x5];
	[sflag:s6] =	ssyncadd.s32 $0xFFFFC000  }
0x10c: {  	[hbm4b:s1+s3] =	stream.linear.scatter [tilespmem:s5], [sflag:$0x2], $0x1C000, $0x38;
	[tilespmem:$0x1C380] =	vst v63  }
0x10d: {  	_ =	swait.ge [sflag:s4], $0x1C000  }
0x10e: {  	[sflag:s4] =	ssyncset.done $0x0  }
0x10f: {  	s1 =	rddreg [dreg:$0x6];
	[sflag:s4] =	ssyncadd.s32 $0xFFFE4000  }
0x110: {  	[tilespmem:s3], [sflag:$0x2] =	stream.linear.gather [hbm4b:s1+s3], $0x380, $0x38;
	[tilespmem:$0x1C380] =	vst v63  }
0x111: {  	_ =	swait.ge [sflag:s4], $0x380  }
0x112: {  	[sflag:s4] =	ssyncset.done $0x0  }
0x113: {  	[sflag:s4] =	ssyncadd.s32 $0xFFFFFC80  }
0x114: {  	[tilespmem:s5], [sflag:$0x1] =	stream.indirect.gather [hbm4b:s2+s7], $0x80, s3, s7, $0xb8;
	[tilespmem:$0x1C380] =	vst v63  }
0x115: {  	_ = 	snop  }
0x116: {  	[tilespmem:s14], [sflag:$0x1] =	stream.indirect.gather [hbm4b:s2+s7], $0x80, s7, s7, $0xb8;
	[tilespmem:$0x1C380] =	vst v63  }
0x117: {  	_ = 	snop  }
0x118: {  	[tilespmem:s16], [sflag:$0x1] =	stream.indirect.gather [hbm4b:s2+s7], $0x80, s15, s7, $0xb8;
	[tilespmem:$0x1C380] =	vst v63  }
0x119: {  	_ = 	snop  }
0x11a: {  	[tilespmem:s18], [sflag:$0x1] =	stream.indirect.gather [hbm4b:s2+s7], $0x80, s17, s7, $0xb8;
	[tilespmem:$0x1C380] =	vst v63  }
0x11b: {  	_ =	swait.ge [sflag:s6], $0x4000  }
0x11c: {  	[sflag:s6] =	ssyncset.done $0x0  }
0x11d: {  	[sflag:s6] =	ssyncadd.s32 $0xFFFFC000  }
0x11e: {  	_ =	swait.ge [sflag:s6], $0x4000  }
0x11f: {  	[sflag:s6] =	ssyncset.done $0x0  }
0x120: {  	[sflag:s6] =	ssyncadd.s32 $0xFFFFC000  }
0x121: {  	_ =	swait.ge [sflag:s6], $0x4000  }
0x122: {  	[sflag:s6] =	ssyncset.done $0x0  }
0x123: {  	[sflag:s6] =	ssyncadd.s32 $0xFFFFC000  }
0x124: {  	_ =	swait.ge [sflag:s6], $0x4000  }
0x125: {  	[sflag:s6] =	ssyncset.done $0x0  }
0x126: {  	[sflag:s6] =	ssyncadd.s32 $0xFFFFC000  }
0x127: {  	[tilespmem:s9], [sflag:$0x1] =	stream.indirect.gather [hbm4b:s2+s7], $0x80, s8, s7, $0xb8;
	[tilespmem:$0x1C380] =	vst v63  }
0x128: {  	_ = 	snop  }
0x129: {  	[tilespmem:s11], [sflag:$0x1] =	stream.indirect.gather [hbm4b:s2+s7], $0x80, s10, s7, $0xb8;
	[tilespmem:$0x1C380] =	vst v63  }
0x12a: {  	_ = 	snop  }
0x12b: {  	[tilespmem:s13], [sflag:$0x1] =	stream.indirect.gather [hbm4b:s2+s7], $0x80, s12, s7, $0xb8;
	[tilespmem:$0x1C380] =	vst v63  }
0x12c: {  	_ =	swait.ge [sflag:s6], $0x4000  }
0x12d: {  	[sflag:s6] =	ssyncset.done $0x0  }
0x12e: {  	[sflag:s6] =	ssyncadd.s32 $0xFFFFC000  }
0x12f: {  	_ =	swait.ge [sflag:s6], $0x4000  }
0x130: {  	[sflag:s6] =	ssyncset.done $0x0  }
0x131: {  	[sflag:s6] =	ssyncadd.s32 $0xFFFFC000  }
0x132: {  	_ =	swait.ge [sflag:s6], $0x4000  }
0x133: {  	[sflag:s6] =	ssyncset.done $0x0  }
0x134: {  	s1 =	rddreg [dreg:$0x7];
	[sflag:s6] =	ssyncadd.s32 $0xFFFFC000  }
0x135: {  	[hbm4b:s1+s3] =	stream.linear.scatter [tilespmem:s5], [sflag:$0x2], $0x1C000, $0x38;
	[tilespmem:$0x1C380] =	vst v63  }
0x136: {  	_ =	swait.ge [sflag:s4], $0x1C000  }
0x137: {  	[sflag:s4] =	ssyncset.done $0x0  }
0x138: {  	s1 =	rddreg [dreg:$0x8];
	[sflag:s4] =	ssyncadd.s32 $0xFFFE4000  }
0x139: {  	[tilespmem:s3], [sflag:$0x2] =	stream.linear.gather [hbm4b:s1+s3], $0x380, $0x38;
	[tilespmem:$0x1C380] =	vst v63  }
0x13a: {  	_ =	swait.ge [sflag:s4], $0x380  }
0x13b: {  	[sflag:s4] =	ssyncset.done $0x0  }
0x13c: {  	[sflag:s4] =	ssyncadd.s32 $0xFFFFFC80  }
0x13d: {  	[tilespmem:s5], [sflag:$0x1] =	stream.indirect.gather [hbm4b:s2+s7], $0x80, s3, s7, $0xb8;
	[tilespmem:$0x1C380] =	vst v63  }
0x13e: {  	_ = 	snop  }
0x13f: {  	[tilespmem:s14], [sflag:$0x1] =	stream.indirect.gather [hbm4b:s2+s7], $0x80, s7, s7, $0xb8;
	[tilespmem:$0x1C380] =	vst v63  }
0x140: {  	_ = 	snop  }
0x141: {  	[tilespmem:s16], [sflag:$0x1] =	stream.indirect.gather [hbm4b:s2+s7], $0x80, s15, s7, $0xb8;
	[tilespmem:$0x1C380] =	vst v63  }
0x142: {  	_ = 	snop  }
0x143: {  	[tilespmem:s18], [sflag:$0x1] =	stream.indirect.gather [hbm4b:s2+s7], $0x80, s17, s7, $0xb8;
	[tilespmem:$0x1C380] =	vst v63  }
0x144: {  	_ =	swait.ge [sflag:s6], $0x4000  }
0x145: {  	[sflag:s6] =	ssyncset.done $0x0  }
0x146: {  	[sflag:s6] =	ssyncadd.s32 $0xFFFFC000  }
0x147: {  	_ =	swait.ge [sflag:s6], $0x4000  }
0x148: {  	[sflag:s6] =	ssyncset.done $0x0  }
0x149: {  	[sflag:s6] =	ssyncadd.s32 $0xFFFFC000  }
0x14a: {  	_ =	swait.ge [sflag:s6], $0x4000  }
0x14b: {  	[sflag:s6] =	ssyncset.done $0x0  }
0x14c: {  	[sflag:s6] =	ssyncadd.s32 $0xFFFFC000  }
0x14d: {  	_ =	swait.ge [sflag:s6], $0x4000  }
0x14e: {  	[sflag:s6] =	ssyncset.done $0x0  }
0x14f: {  	[sflag:s6] =	ssyncadd.s32 $0xFFFFC000  }
0x150: {  	[tilespmem:s9], [sflag:$0x1] =	stream.indirect.gather [hbm4b:s2+s7], $0x80, s8, s7, $0xb8;
	[tilespmem:$0x1C380] =	vst v63  }
0x151: {  	_ = 	snop  }
0x152: {  	[tilespmem:s11], [sflag:$0x1] =	stream.indirect.gather [hbm4b:s2+s7], $0x80, s10, s7, $0xb8;
	[tilespmem:$0x1C380] =	vst v63  }
0x153: {  	_ = 	snop  }
0x154: {  	[tilespmem:s13], [sflag:$0x1] =	stream.indirect.gather [hbm4b:s2+s7], $0x80, s12, s7, $0xb8;
	[tilespmem:$0x1C380] =	vst v63  }
0x155: {  	_ =	swait.ge [sflag:s6], $0x4000  }
0x156: {  	[sflag:s6] =	ssyncset.done $0x0  }
0x157: {  	[sflag:s6] =	ssyncadd.s32 $0xFFFFC000  }
0x158: {  	_ =	swait.ge [sflag:s6], $0x4000  }
0x159: {  	[sflag:s6] =	ssyncset.done $0x0  }
0x15a: {  	[sflag:s6] =	ssyncadd.s32 $0xFFFFC000  }
0x15b: {  	_ =	swait.ge [sflag:s6], $0x4000  }
0x15c: {  	[sflag:s6] =	ssyncset.done $0x0  }
0x15d: {  	s1 =	rddreg [dreg:$0x9];
	[sflag:s6] =	ssyncadd.s32 $0xFFFFC000  }
0x15e: {  	[hbm4b:s1+s3] =	stream.linear.scatter [tilespmem:s5], [sflag:$0x2], $0x1C000, $0x38;
	[tilespmem:$0x1C380] =	vst v63  }
0x15f: {  	_ =	swait.ge [sflag:s4], $0x1C000  }
0x160: {  	[sflag:s4] =	ssyncset.done $0x0  }
0x161: {  	s23 =	rddreg [dreg:$0xa];
	[sflag:s4] =	ssyncadd.s32 $0xFFFE4000  }
0x162: {  	[tilespmem:s19], [sflag:$0x2] =	stream.linear.gather @!p1 [hbm4b:s23+s19], $0x380, $0x38;
	[tilespmem:$0x1C380] =	vst v63  }
0x163: {  	_ =	swait.ge @!p1 [sflag:s20], $0x380  }
0x164: {  	[sflag:s20] =	ssyncset.done @!p1 $0x0  }
0x165: {  	s23 =	simm.s32 @!p1 $0x380;
	[sflag:s20] =	ssyncadd.s32 @!p1 $0xFFFFFC80  }
0x166: {  	[tilespmem:s23], [sflag:$0x1] =	stream.indirect.gather @!p1 [hbm4b:s2+s21], $0x80, s19, s21, $0xb8;
	[tilespmem:$0x1C380] =	vst v63  }
0x167: {  	s23 =	simm.s32 @!p1 $0x4380  }
0x168: {  	[tilespmem:s23], [sflag:$0x1] =	stream.indirect.gather @!p1 [hbm4b:s2+s21], $0x80, s21, s21, $0xb8;
	[tilespmem:$0x1C380] =	vst v63  }
0x169: {  	s23 =	simm.s32 @!p1 $0x100  }
0x16a: {  	[tilespmem:s25], [sflag:$0x1] =	stream.indirect.gather @!p1 [hbm4b:s2+s21], $0x80, s23, s21, $0xb8;
	[tilespmem:$0x1C380] =	vst v63  }
0x16b: {  	s1 =	simm.s32 @!p1 $0xC380;
	s23 =	simm.s32 @!p1 $0x180  }
0x16c: {  	[tilespmem:s1], [sflag:$0x1] =	stream.indirect.gather @!p1 [hbm4b:s2+s21], $0x80, s23, s21, $0xb8;
	[tilespmem:$0x1C380] =	vst v63  }
0x16d: {  	_ =	swait.ge @!p1 [sflag:s29], $0x4000  }
0x16e: {  	[sflag:s29] =	ssyncset.done @!p1 $0x0  }
0x16f: {  	[sflag:s29] =	ssyncadd.s32 @!p1 $0xFFFFC000  }
0x170: {  	_ =	swait.ge @!p1 [sflag:s29], $0x4000  }
0x171: {  	[sflag:s29] =	ssyncset.done @!p1 $0x0  }
0x172: {  	[sflag:s29] =	ssyncadd.s32 @!p1 $0xFFFFC000  }
0x173: {  	_ =	swait.ge @!p1 [sflag:s29], $0x4000  }
0x174: {  	[sflag:s29] =	ssyncset.done @!p1 $0x0  }
0x175: {  	[sflag:s29] =	ssyncadd.s32 @!p1 $0xFFFFC000  }
0x176: {  	_ =	swait.ge @!p1 [sflag:s29], $0x4000  }
0x177: {  	[sflag:s29] =	ssyncset.done @!p1 $0x0  }
0x178: {  	s1 =	simm.s32 @!p1 $0x200;
	s23 =	simm.s32 @!p1 $0x10380;
	[sflag:s29] =	ssyncadd.s32 @!p1 $0xFFFFC000  }
0x179: {  	[tilespmem:s23], [sflag:$0x1] =	stream.indirect.gather @!p1 [hbm4b:s2+s21], $0x80, s1, s21, $0xb8;
	[tilespmem:$0x1C380] =	vst v63  }
0x17a: {  	s1 =	simm.s32 @!p1 $0x280;
	s23 =	simm.s32 @!p1 $0x14380  }
0x17b: {  	[tilespmem:s23], [sflag:$0x1] =	stream.indirect.gather @!p1 [hbm4b:s2+s21], $0x80, s1, s21, $0xb8;
	[tilespmem:$0x1C380] =	vst v63  }
0x17c: {  	s1 =	simm.s32 @!p1 $0x300;
	s23 =	simm.s32 @!p1 $0x18380  }
0x17d: {  	[tilespmem:s23], [sflag:$0x1] =	stream.indirect.gather @!p1 [hbm4b:s2+s21], $0x80, s1, s21, $0xb8;
	[tilespmem:$0x1C380] =	vst v63  }
0x17e: {  	_ =	swait.ge @!p1 [sflag:s29], $0x4000  }
0x17f: {  	[sflag:s29] =	ssyncset.done @!p1 $0x0  }
0x180: {  	[sflag:s29] =	ssyncadd.s32 @!p1 $0xFFFFC000  }
0x181: {  	_ =	swait.ge @!p1 [sflag:s29], $0x4000  }
0x182: {  	[sflag:s29] =	ssyncset.done @!p1 $0x0  }
0x183: {  	[sflag:s29] =	ssyncadd.s32 @!p1 $0xFFFFC000  }
0x184: {  	_ =	swait.ge @!p1 [sflag:s29], $0x4000  }
0x185: {  	[sflag:s29] =	ssyncset.done @!p1 $0x0  }
0x186: {  	s23 =	rddreg [dreg:$0xb];
	[sflag:s29] =	ssyncadd.s32 @!p1 $0xFFFFC000  }
0x187: {  	[hbm4b:s23+s19] =	stream.linear.scatter @!p1 [tilespmem:s25], [sflag:$0x2], $0x11000, $0x38;
	[tilespmem:$0x1C380] =	vst v63  }
0x188: {  	_ =	swait.ge @!p1 [sflag:s20], $0x11000  }
0x189: {  	[sflag:s20] =	ssyncset.done @!p1 $0x0  }
0x18a: {  	s23 =	rddreg [dreg:$0xc];
	[sflag:s20] =	ssyncadd.s32 @!p1 $0xFFFEF000  }
0x18b: {  	[tilespmem:s26], [sflag:$0x2] =	stream.linear.gather @!p0 [hbm4b:s23+s26], $0x380, $0x38;
	[tilespmem:$0x1C380] =	vst v63  }
0x18c: {  	_ =	swait.ge @!p0 [sflag:s24], $0x380  }
0x18d: {  	[sflag:s24] =	ssyncset.done @!p0 $0x0  }
0x18e: {  	[sflag:s24] =	ssyncadd.s32 @!p0 $0xFFFFFC80  }
0x18f: {  	[tilespmem:s30], [sflag:$0x1] =	stream.indirect.gather @!p0 [hbm4b:s2+s28], $0x80, s26, s28, $0xb8;
	[tilespmem:$0x1C380] =	vst v63  }
0x190: {  	s1 =	simm.s32 @!p0 $0x4380  }
0x191: {  	[tilespmem:s1], [sflag:$0x1] =	stream.indirect.gather @!p0 [hbm4b:s2+s28], $0x80, s28, s28, $0xb8;
	[tilespmem:$0x1C380] =	vst v63  }
0x192: {  	s23 =	simm.s32 @!p0 $0x8380;
	s1 =	simm.s32 @!p0 $0x100  }
0x193: {  	[tilespmem:s23], [sflag:$0x1] =	stream.indirect.gather @!p0 [hbm4b:s2+s28], $0x80, s1, s28, $0xb8;
	[tilespmem:$0x1C380] =	vst v63  }
0x194: {  	s1 =	simm.s32 @!p0 $0x180;
	s23 =	simm.s32 @!p0 $0xC380  }
0x195: {  	[tilespmem:s23], [sflag:$0x1] =	stream.indirect.gather @!p0 [hbm4b:s2+s28], $0x80, s1, s28, $0xb8;
	[tilespmem:$0x1C380] =	vst v63  }
0x196: {  	_ =	swait.ge @!p0 [sflag:s31], $0x4000  }
0x197: {  	[sflag:s31] =	ssyncset.done @!p0 $0x0  }
0x198: {  	[sflag:s31] =	ssyncadd.s32 @!p0 $0xFFFFC000  }
0x199: {  	_ =	swait.ge @!p0 [sflag:s31], $0x4000  }
0x19a: {  	[sflag:s31] =	ssyncset.done @!p0 $0x0  }
0x19b: {  	[sflag:s31] =	ssyncadd.s32 @!p0 $0xFFFFC000  }
0x19c: {  	_ =	swait.ge @!p0 [sflag:s31], $0x4000  }
0x19d: {  	[sflag:s31] =	ssyncset.done @!p0 $0x0  }
0x19e: {  	[sflag:s31] =	ssyncadd.s32 @!p0 $0xFFFFC000  }
0x19f: {  	_ =	swait.ge @!p0 [sflag:s31], $0x4000  }
0x1a0: {  	[sflag:s31] =	ssyncset.done @!p0 $0x0  }
0x1a1: {  	s1 =	simm.s32 @!p0 $0x200;
	s23 =	simm.s32 @!p0 $0x10380;
	[sflag:s31] =	ssyncadd.s32 @!p0 $0xFFFFC000  }
0x1a2: {  	[tilespmem:s23], [sflag:$0x1] =	stream.indirect.gather @!p0 [hbm4b:s2+s28], $0x80, s1, s28, $0xb8;
	[tilespmem:$0x1C380] =	vst v63  }
0x1a3: {  	s1 =	simm.s32 @!p0 $0x280;
	s23 =	simm.s32 @!p0 $0x14380  }
0x1a4: {  	[tilespmem:s23], [sflag:$0x1] =	stream.indirect.gather @!p0 [hbm4b:s2+s28], $0x80, s1, s28, $0xb8;
	[tilespmem:$0x1C380] =	vst v63  }
0x1a5: {  	s1 =	simm.s32 @!p0 $0x300  }
0x1a6: {  	[tilespmem:s0], [sflag:$0x1] =	stream.indirect.gather @!p0 [hbm4b:s2+s28], $0x80, s1, s28, $0xb8;
	[tilespmem:$0x1C380] =	vst v63  }
0x1a7: {  	_ =	swait.ge @!p0 [sflag:s31], $0x4000  }
0x1a8: {  	[sflag:s31] =	ssyncset.done @!p0 $0x0  }
0x1a9: {  	[sflag:s31] =	ssyncadd.s32 @!p0 $0xFFFFC000  }
0x1aa: {  	_ =	swait.ge @!p0 [sflag:s31], $0x4000  }
0x1ab: {  	[sflag:s31] =	ssyncset.done @!p0 $0x0  }
0x1ac: {  	s22 =	sadd.s32 $0xFFFFFFFF, s22;
	[sflag:s31] =	ssyncadd.s32 @!p0 $0xFFFFC000  }
0x1ad: {  	p3 =	sne.s32 s22, $0x0;
	_ =	swait.ge @!p0 [sflag:s31], $0x4000  }
.Ltmp2:
0x1ae: {  	[sflag:s31] =	ssyncset.done @!p0 $0x0;
	(pc) =	sbr.rel @p3 .LBB2_4-.Ltmp2, $4  }
0x1af: {  	s23 =	rddreg [dreg:$0xd];
	[sflag:s31] =	ssyncadd.s32 @!p0 $0xFFFFC000  }
0x1b0: {  	[hbm4b:s23+s26] =	stream.linear.scatter @!p0 [tilespmem:s30], [sflag:$0x2], $0x1C000, $0x38;
	[tilespmem:$0x1C380] =	vst v63  }
0x1b1: {  	_ =	swait.ge @!p0 [sflag:s24], $0x1C000  }
0x1b2: {  	s23 =	rddreg [dreg:$0x4];
	[sflag:s24] =	ssyncset.done @!p0 $0x0  }
0x1b3: {  	s20 =	stileid.u32;
	s21 =	rddreg [dreg:$0x3]  }
.LBB2_6:
0x1b4: {  	p2 =	por p0, !p2  }
0x1b5: {  	[sflag:s24] =	ssyncadd.s32 @!p2 $0xFFFE4000  }
0x1b6: {  	[tilespmem:s3], [sflag:$0x2] =	stream.linear.gather [hbm4b:s23+s3], $0x380, $0x38;
	[tilespmem:$0x1C380] =	vst v63  }
0x1b7: {  	_ =	swait.ge [sflag:s4], $0x380  }
0x1b8: {  	[sflag:s4] =	ssyncset.done $0x0  }
0x1b9: {  	[sflag:s4] =	ssyncadd.s32 $0xFFFFFC80  }
0x1ba: {  	[tilespmem:s5], [sflag:$0x1] =	stream.indirect.gather [hbm4b:s2+s7], $0x80, s3, s7, $0xb8;
	[tilespmem:$0x1C380] =	vst v63  }
0x1bb: {  	_ = 	snop  }
0x1bc: {  	[tilespmem:s14], [sflag:$0x1] =	stream.indirect.gather [hbm4b:s2+s7], $0x80, s7, s7, $0xb8;
	[tilespmem:$0x1C380] =	vst v63  }
0x1bd: {  	_ = 	snop  }
0x1be: {  	[tilespmem:s16], [sflag:$0x1] =	stream.indirect.gather [hbm4b:s2+s7], $0x80, s15, s7, $0xb8;
	[tilespmem:$0x1C380] =	vst v63  }
0x1bf: {  	_ = 	snop  }
0x1c0: {  	[tilespmem:s18], [sflag:$0x1] =	stream.indirect.gather [hbm4b:s2+s7], $0x80, s17, s7, $0xb8;
	[tilespmem:$0x1C380] =	vst v63  }
0x1c1: {  	_ =	swait.ge [sflag:s6], $0x4000  }
0x1c2: {  	[sflag:s6] =	ssyncset.done $0x0  }
0x1c3: {  	[sflag:s6] =	ssyncadd.s32 $0xFFFFC000  }
0x1c4: {  	_ =	swait.ge [sflag:s6], $0x4000  }
0x1c5: {  	[sflag:s6] =	ssyncset.done $0x0  }
0x1c6: {  	[sflag:s6] =	ssyncadd.s32 $0xFFFFC000  }
0x1c7: {  	_ =	swait.ge [sflag:s6], $0x4000  }
0x1c8: {  	[sflag:s6] =	ssyncset.done $0x0  }
0x1c9: {  	[sflag:s6] =	ssyncadd.s32 $0xFFFFC000  }
0x1ca: {  	_ =	swait.ge [sflag:s6], $0x4000  }
0x1cb: {  	[sflag:s6] =	ssyncset.done $0x0  }
0x1cc: {  	[sflag:s6] =	ssyncadd.s32 $0xFFFFC000  }
0x1cd: {  	[tilespmem:s9], [sflag:$0x1] =	stream.indirect.gather [hbm4b:s2+s7], $0x80, s8, s7, $0xb8;
	[tilespmem:$0x1C380] =	vst v63  }
0x1ce: {  	_ = 	snop  }
0x1cf: {  	[tilespmem:s11], [sflag:$0x1] =	stream.indirect.gather [hbm4b:s2+s7], $0x80, s10, s7, $0xb8;
	[tilespmem:$0x1C380] =	vst v63  }
0x1d0: {  	_ = 	snop  }
0x1d1: {  	[tilespmem:s13], [sflag:$0x1] =	stream.indirect.gather [hbm4b:s2+s7], $0x80, s12, s7, $0xb8;
	[tilespmem:$0x1C380] =	vst v63  }
0x1d2: {  	_ =	swait.ge [sflag:s6], $0x4000  }
0x1d3: {  	[sflag:s6] =	ssyncset.done $0x0  }
0x1d4: {  	[sflag:s6] =	ssyncadd.s32 $0xFFFFC000  }
0x1d5: {  	_ =	swait.ge [sflag:s6], $0x4000  }
0x1d6: {  	[sflag:s6] =	ssyncset.done $0x0  }
0x1d7: {  	[sflag:s6] =	ssyncadd.s32 $0xFFFFC000  }
0x1d8: {  	_ =	swait.ge [sflag:s6], $0x4000  }
0x1d9: {  	[sflag:s6] =	ssyncset.done $0x0  }
0x1da: {  	s0 =	rddreg [dreg:$0x5];
	[sflag:s6] =	ssyncadd.s32 $0xFFFFC000  }
0x1db: {  	[hbm4b:s0+s3] =	stream.linear.scatter [tilespmem:s5], [sflag:$0x2], $0x1C000, $0x38;
	[tilespmem:$0x1C380] =	vst v63  }
0x1dc: {  	_ =	swait.ge [sflag:s4], $0x1C000  }
0x1dd: {  	[sflag:s4] =	ssyncset.done $0x0  }
0x1de: {  	s28 =	rddreg [dreg:$0x6];
	[sflag:s4] =	ssyncadd.s32 $0xFFFE4000  }
0x1df: {  	[tilespmem:s3], [sflag:$0x2] =	stream.linear.gather [hbm4b:s28+s3], $0x380, $0x38;
	[tilespmem:$0x1C380] =	vst v63  }
0x1e0: {  	_ =	swait.ge [sflag:s4], $0x380  }
0x1e1: {  	[sflag:s4] =	ssyncset.done $0x0  }
0x1e2: {  	[sflag:s4] =	ssyncadd.s32 $0xFFFFFC80  }
0x1e3: {  	[tilespmem:s5], [sflag:$0x1] =	stream.indirect.gather [hbm4b:s2+s7], $0x80, s3, s7, $0xb8;
	[tilespmem:$0x1C380] =	vst v63  }
0x1e4: {  	_ = 	snop  }
0x1e5: {  	[tilespmem:s14], [sflag:$0x1] =	stream.indirect.gather [hbm4b:s2+s7], $0x80, s7, s7, $0xb8;
	[tilespmem:$0x1C380] =	vst v63  }
0x1e6: {  	_ = 	snop  }
0x1e7: {  	[tilespmem:s16], [sflag:$0x1] =	stream.indirect.gather [hbm4b:s2+s7], $0x80, s15, s7, $0xb8;
	[tilespmem:$0x1C380] =	vst v63  }
0x1e8: {  	_ = 	snop  }
0x1e9: {  	[tilespmem:s18], [sflag:$0x1] =	stream.indirect.gather [hbm4b:s2+s7], $0x80, s17, s7, $0xb8;
	[tilespmem:$0x1C380] =	vst v63  }
0x1ea: {  	_ =	swait.ge [sflag:s6], $0x4000  }
0x1eb: {  	[sflag:s6] =	ssyncset.done $0x0  }
0x1ec: {  	[sflag:s6] =	ssyncadd.s32 $0xFFFFC000  }
0x1ed: {  	_ =	swait.ge [sflag:s6], $0x4000  }
0x1ee: {  	[sflag:s6] =	ssyncset.done $0x0  }
0x1ef: {  	[sflag:s6] =	ssyncadd.s32 $0xFFFFC000  }
0x1f0: {  	_ =	swait.ge [sflag:s6], $0x4000  }
0x1f1: {  	[sflag:s6] =	ssyncset.done $0x0  }
0x1f2: {  	[sflag:s6] =	ssyncadd.s32 $0xFFFFC000  }
0x1f3: {  	_ =	swait.ge [sflag:s6], $0x4000  }
0x1f4: {  	[sflag:s6] =	ssyncset.done $0x0  }
0x1f5: {  	[sflag:s6] =	ssyncadd.s32 $0xFFFFC000  }
0x1f6: {  	[tilespmem:s9], [sflag:$0x1] =	stream.indirect.gather [hbm4b:s2+s7], $0x80, s8, s7, $0xb8;
	[tilespmem:$0x1C380] =	vst v63  }
0x1f7: {  	_ = 	snop  }
0x1f8: {  	[tilespmem:s11], [sflag:$0x1] =	stream.indirect.gather [hbm4b:s2+s7], $0x80, s10, s7, $0xb8;
	[tilespmem:$0x1C380] =	vst v63  }
0x1f9: {  	_ = 	snop  }
0x1fa: {  	[tilespmem:s13], [sflag:$0x1] =	stream.indirect.gather [hbm4b:s2+s7], $0x80, s12, s7, $0xb8;
	[tilespmem:$0x1C380] =	vst v63  }
0x1fb: {  	_ =	swait.ge [sflag:s6], $0x4000  }
0x1fc: {  	[sflag:s6] =	ssyncset.done $0x0  }
0x1fd: {  	[sflag:s6] =	ssyncadd.s32 $0xFFFFC000  }
0x1fe: {  	_ =	swait.ge [sflag:s6], $0x4000  }
0x1ff: {  	[sflag:s6] =	ssyncset.done $0x0  }
0x200: {  	[sflag:s6] =	ssyncadd.s32 $0xFFFFC000  }
0x201: {  	_ =	swait.ge [sflag:s6], $0x4000  }
0x202: {  	[sflag:s6] =	ssyncset.done $0x0  }
0x203: {  	s29 =	rddreg [dreg:$0x7];
	[sflag:s6] =	ssyncadd.s32 $0xFFFFC000  }
0x204: {  	[hbm4b:s29+s3] =	stream.linear.scatter [tilespmem:s5], [sflag:$0x2], $0x1C000, $0x38;
	[tilespmem:$0x1C380] =	vst v63  }
0x205: {  	_ =	swait.ge [sflag:s4], $0x1C000  }
0x206: {  	[sflag:s4] =	ssyncset.done $0x0  }
0x207: {  	s30 =	rddreg [dreg:$0x8];
	[sflag:s4] =	ssyncadd.s32 $0xFFFE4000  }
0x208: {  	[tilespmem:s3], [sflag:$0x2] =	stream.linear.gather [hbm4b:s30+s3], $0x380, $0x38;
	[tilespmem:$0x1C380] =	vst v63  }
0x209: {  	_ =	swait.ge [sflag:s4], $0x380  }
0x20a: {  	[sflag:s4] =	ssyncset.done $0x0  }
0x20b: {  	[sflag:s4] =	ssyncadd.s32 $0xFFFFFC80  }
0x20c: {  	[tilespmem:s5], [sflag:$0x1] =	stream.indirect.gather [hbm4b:s2+s7], $0x80, s3, s7, $0xb8;
	[tilespmem:$0x1C380] =	vst v63  }
0x20d: {  	_ = 	snop  }
0x20e: {  	[tilespmem:s14], [sflag:$0x1] =	stream.indirect.gather [hbm4b:s2+s7], $0x80, s7, s7, $0xb8;
	[tilespmem:$0x1C380] =	vst v63  }
0x20f: {  	_ = 	snop  }
0x210: {  	[tilespmem:s16], [sflag:$0x1] =	stream.indirect.gather [hbm4b:s2+s7], $0x80, s15, s7, $0xb8;
	[tilespmem:$0x1C380] =	vst v63  }
0x211: {  	_ = 	snop  }
0x212: {  	[tilespmem:s18], [sflag:$0x1] =	stream.indirect.gather [hbm4b:s2+s7], $0x80, s17, s7, $0xb8;
	[tilespmem:$0x1C380] =	vst v63  }
0x213: {  	_ =	swait.ge [sflag:s6], $0x4000  }
0x214: {  	[sflag:s6] =	ssyncset.done $0x0  }
0x215: {  	[sflag:s6] =	ssyncadd.s32 $0xFFFFC000  }
0x216: {  	_ =	swait.ge [sflag:s6], $0x4000  }
0x217: {  	[sflag:s6] =	ssyncset.done $0x0  }
0x218: {  	[sflag:s6] =	ssyncadd.s32 $0xFFFFC000  }
0x219: {  	_ =	swait.ge [sflag:s6], $0x4000  }
0x21a: {  	[sflag:s6] =	ssyncset.done $0x0  }
0x21b: {  	[sflag:s6] =	ssyncadd.s32 $0xFFFFC000  }
0x21c: {  	_ =	swait.ge [sflag:s6], $0x4000  }
0x21d: {  	[sflag:s6] =	ssyncset.done $0x0  }
0x21e: {  	[sflag:s6] =	ssyncadd.s32 $0xFFFFC000  }
0x21f: {  	[tilespmem:s9], [sflag:$0x1] =	stream.indirect.gather [hbm4b:s2+s7], $0x80, s8, s7, $0xb8;
	[tilespmem:$0x1C380] =	vst v63  }
0x220: {  	_ = 	snop  }
0x221: {  	[tilespmem:s11], [sflag:$0x1] =	stream.indirect.gather [hbm4b:s2+s7], $0x80, s10, s7, $0xb8;
	[tilespmem:$0x1C380] =	vst v63  }
0x222: {  	_ = 	snop  }
0x223: {  	[tilespmem:s13], [sflag:$0x1] =	stream.indirect.gather [hbm4b:s2+s7], $0x80, s12, s7, $0xb8;
	[tilespmem:$0x1C380] =	vst v63  }
0x224: {  	_ =	swait.ge [sflag:s6], $0x4000  }
0x225: {  	[sflag:s6] =	ssyncset.done $0x0  }
0x226: {  	[sflag:s6] =	ssyncadd.s32 $0xFFFFC000  }
0x227: {  	_ =	swait.ge [sflag:s6], $0x4000  }
0x228: {  	[sflag:s6] =	ssyncset.done $0x0  }
0x229: {  	[sflag:s6] =	ssyncadd.s32 $0xFFFFC000  }
0x22a: {  	_ =	swait.ge [sflag:s6], $0x4000  }
0x22b: {  	[sflag:s6] =	ssyncset.done $0x0  }
0x22c: {  	s31 =	rddreg [dreg:$0x9];
	[sflag:s6] =	ssyncadd.s32 $0xFFFFC000  }
0x22d: {  	[hbm4b:s31+s3] =	stream.linear.scatter [tilespmem:s5], [sflag:$0x2], $0x1C000, $0x38;
	[tilespmem:$0x1C380] =	vst v63  }
0x22e: {  	_ =	swait.ge [sflag:s4], $0x1C000  }
0x22f: {  	s1 =	simm.s32 @!p1 $0x0;
	[sflag:s4] =	ssyncset.done $0x0  }
0x230: {  	s3 =	simm.s32 @!p1 $0x2;
	s0 =	rddreg [dreg:$0xa];
	[sflag:s4] =	ssyncadd.s32 $0xFFFE4000  }
0x231: {  	[tilespmem:s1], [sflag:$0x2] =	stream.linear.gather @!p1 [hbm4b:s0+s1], $0x380, $0x38;
	[tilespmem:$0x1C380] =	vst v63  }
0x232: {  	_ =	swait.ge @!p1 [sflag:s3], $0x380  }
0x233: {  	[sflag:s3] =	ssyncset.done @!p1 $0x0  }
0x234: {  	s4 =	simm.s32 @!p1 $0x380;
	s0 =	simm.s32 @!p1 $0x80;
	[sflag:s3] =	ssyncadd.s32 @!p1 $0xFFFFFC80  }
0x235: {  	[tilespmem:s4], [sflag:$0x1] =	stream.indirect.gather @!p1 [hbm4b:s2+s0], $0x80, s1, s0, $0xb8;
	[tilespmem:$0x1C380] =	vst v63  }
0x236: {  	s4 =	simm.s32 @!p1 $0x4380  }
0x237: {  	[tilespmem:s4], [sflag:$0x1] =	stream.indirect.gather @!p1 [hbm4b:s2+s0], $0x80, s0, s0, $0xb8;
	[tilespmem:$0x1C380] =	vst v63  }
0x238: {  	s5 =	simm.s32 @!p1 $0x8380;
	s4 =	simm.s32 @!p1 $0x100  }
0x239: {  	[tilespmem:s5], [sflag:$0x1] =	stream.indirect.gather @!p1 [hbm4b:s2+s0], $0x80, s4, s0, $0xb8;
	[tilespmem:$0x1C380] =	vst v63  }
0x23a: {  	s7 =	simm.s32 @!p1 $0x1;
	s6 =	simm.s32 @!p1 $0xC380;
	s4 =	simm.s32 @!p1 $0x180  }
0x23b: {  	[tilespmem:s6], [sflag:$0x1] =	stream.indirect.gather @!p1 [hbm4b:s2+s0], $0x80, s4, s0, $0xb8;
	[tilespmem:$0x1C380] =	vst v63  }
0x23c: {  	_ =	swait.ge @!p1 [sflag:s7], $0x4000  }
0x23d: {  	[sflag:s7] =	ssyncset.done @!p1 $0x0  }
0x23e: {  	[sflag:s7] =	ssyncadd.s32 @!p1 $0xFFFFC000  }
0x23f: {  	_ =	swait.ge @!p1 [sflag:s7], $0x4000  }
0x240: {  	[sflag:s7] =	ssyncset.done @!p1 $0x0  }
0x241: {  	[sflag:s7] =	ssyncadd.s32 @!p1 $0xFFFFC000  }
0x242: {  	_ =	swait.ge @!p1 [sflag:s7], $0x4000  }
0x243: {  	[sflag:s7] =	ssyncset.done @!p1 $0x0  }
0x244: {  	[sflag:s7] =	ssyncadd.s32 @!p1 $0xFFFFC000  }
0x245: {  	_ =	swait.ge @!p1 [sflag:s7], $0x4000  }
0x246: {  	[sflag:s7] =	ssyncset.done @!p1 $0x0  }
0x247: {  	s4 =	simm.s32 @!p1 $0x200;
	s6 =	simm.s32 @!p1 $0x10380;
	[sflag:s7] =	ssyncadd.s32 @!p1 $0xFFFFC000  }
0x248: {  	[tilespmem:s6], [sflag:$0x1] =	stream.indirect.gather @!p1 [hbm4b:s2+s0], $0x80, s4, s0, $0xb8;
	[tilespmem:$0x1C380] =	vst v63  }
0x249: {  	s4 =	simm.s32 @!p1 $0x280;
	s6 =	simm.s32 @!p1 $0x14380  }
0x24a: {  	[tilespmem:s6], [sflag:$0x1] =	stream.indirect.gather @!p1 [hbm4b:s2+s0], $0x80, s4, s0, $0xb8;
	[tilespmem:$0x1C380] =	vst v63  }
0x24b: {  	s4 =	simm.s32 @!p1 $0x300;
	s6 =	simm.s32 @!p1 $0x18380  }
0x24c: {  	[tilespmem:s6], [sflag:$0x1] =	stream.indirect.gather @!p1 [hbm4b:s2+s0], $0x80, s4, s0, $0xb8;
	[tilespmem:$0x1C380] =	vst v63  }
0x24d: {  	_ =	swait.ge @!p1 [sflag:s7], $0x4000  }
0x24e: {  	[sflag:s7] =	ssyncset.done @!p1 $0x0  }
0x24f: {  	[sflag:s7] =	ssyncadd.s32 @!p1 $0xFFFFC000  }
0x250: {  	_ =	swait.ge @!p1 [sflag:s7], $0x4000  }
0x251: {  	[sflag:s7] =	ssyncset.done @!p1 $0x0  }
0x252: {  	[sflag:s7] =	ssyncadd.s32 @!p1 $0xFFFFC000  }
0x253: {  	_ =	swait.ge @!p1 [sflag:s7], $0x4000  }
0x254: {  	[sflag:s7] =	ssyncset.done @!p1 $0x0  }
0x255: {  	s0 =	rddreg [dreg:$0xb];
	[sflag:s7] =	ssyncadd.s32 @!p1 $0xFFFFC000  }
0x256: {  	[hbm4b:s0+s1] =	stream.linear.scatter @!p1 [tilespmem:s5], [sflag:$0x2], $0x11000, $0x38;
	[tilespmem:$0x1C380] =	vst v63  }
0x257: {  	_ =	swait.ge @!p1 [sflag:s3], $0x11000  }
0x258: {  	s1 =	simm.s32 @!p0 $0x0;
	[sflag:s3] =	ssyncset.done @!p1 $0x0  }
0x259: {  	s0 =	rddreg [dreg:$0xc];
	[sflag:s3] =	ssyncadd.s32 @!p1 $0xFFFEF000;
	s3 =	simm.s32 @!p0 $0x2  }
0x25a: {  	[tilespmem:s1], [sflag:$0x2] =	stream.linear.gather @!p0 [hbm4b:s0+s1], $0x380, $0x38;
	[tilespmem:$0x1C380] =	vst v63  }
0x25b: {  	_ =	swait.ge @!p0 [sflag:s3], $0x380  }
0x25c: {  	[sflag:s3] =	ssyncset.done @!p0 $0x0  }
0x25d: {  	s4 =	simm.s32 @!p0 $0x380;
	s0 =	simm.s32 @!p0 $0x80;
	[sflag:s3] =	ssyncadd.s32 @!p0 $0xFFFFFC80  }
0x25e: {  	[tilespmem:s4], [sflag:$0x1] =	stream.indirect.gather @!p0 [hbm4b:s2+s0], $0x80, s1, s0, $0xb8;
	[tilespmem:$0x1C380] =	vst v63  }
0x25f: {  	s5 =	simm.s32 @!p0 $0x4380  }
0x260: {  	[tilespmem:s5], [sflag:$0x1] =	stream.indirect.gather @!p0 [hbm4b:s2+s0], $0x80, s0, s0, $0xb8;
	[tilespmem:$0x1C380] =	vst v63  }
0x261: {  	s6 =	simm.s32 @!p0 $0x8380;
	s5 =	simm.s32 @!p0 $0x100  }
0x262: {  	[tilespmem:s6], [sflag:$0x1] =	stream.indirect.gather @!p0 [hbm4b:s2+s0], $0x80, s5, s0, $0xb8;
	[tilespmem:$0x1C380] =	vst v63  }
0x263: {  	s7 =	simm.s32 @!p0 $0x1;
	s5 =	simm.s32 @!p0 $0x180;
	s6 =	simm.s32 @!p0 $0xC380  }
0x264: {  	[tilespmem:s6], [sflag:$0x1] =	stream.indirect.gather @!p0 [hbm4b:s2+s0], $0x80, s5, s0, $0xb8;
	[tilespmem:$0x1C380] =	vst v63  }
0x265: {  	_ =	swait.ge @!p0 [sflag:s7], $0x4000  }
0x266: {  	[sflag:s7] =	ssyncset.done @!p0 $0x0  }
0x267: {  	[sflag:s7] =	ssyncadd.s32 @!p0 $0xFFFFC000  }
0x268: {  	_ =	swait.ge @!p0 [sflag:s7], $0x4000  }
0x269: {  	[sflag:s7] =	ssyncset.done @!p0 $0x0  }
0x26a: {  	[sflag:s7] =	ssyncadd.s32 @!p0 $0xFFFFC000  }
0x26b: {  	_ =	swait.ge @!p0 [sflag:s7], $0x4000  }
0x26c: {  	[sflag:s7] =	ssyncset.done @!p0 $0x0  }
0x26d: {  	[sflag:s7] =	ssyncadd.s32 @!p0 $0xFFFFC000  }
0x26e: {  	_ =	swait.ge @!p0 [sflag:s7], $0x4000  }
0x26f: {  	[sflag:s7] =	ssyncset.done @!p0 $0x0  }
0x270: {  	s5 =	simm.s32 @!p0 $0x200;
	s6 =	simm.s32 @!p0 $0x10380;
	[sflag:s7] =	ssyncadd.s32 @!p0 $0xFFFFC000  }
0x271: {  	[tilespmem:s6], [sflag:$0x1] =	stream.indirect.gather @!p0 [hbm4b:s2+s0], $0x80, s5, s0, $0xb8;
	[tilespmem:$0x1C380] =	vst v63  }
0x272: {  	s5 =	simm.s32 @!p0 $0x280;
	s6 =	simm.s32 @!p0 $0x14380  }
0x273: {  	[tilespmem:s6], [sflag:$0x1] =	stream.indirect.gather @!p0 [hbm4b:s2+s0], $0x80, s5, s0, $0xb8;
	[tilespmem:$0x1C380] =	vst v63  }
0x274: {  	s5 =	simm.s32 @!p0 $0x300;
	s6 =	simm.s32 @!p0 $0x18380  }
0x275: {  	[tilespmem:s6], [sflag:$0x1] =	stream.indirect.gather @!p0 [hbm4b:s2+s0], $0x80, s5, s0, $0xb8;
	[tilespmem:$0x1C380] =	vst v63  }
0x276: {  	_ =	swait.ge @!p0 [sflag:s7], $0x4000  }
0x277: {  	[sflag:s7] =	ssyncset.done @!p0 $0x0  }
0x278: {  	[sflag:s7] =	ssyncadd.s32 @!p0 $0xFFFFC000  }
0x279: {  	_ =	swait.ge @!p0 [sflag:s7], $0x4000  }
0x27a: {  	[sflag:s7] =	ssyncset.done @!p0 $0x0  }
0x27b: {  	[sflag:s7] =	ssyncadd.s32 @!p0 $0xFFFFC000  }
0x27c: {  	_ =	swait.ge @!p0 [sflag:s7], $0x4000  }
0x27d: {  	[sflag:s7] =	ssyncset.done @!p0 $0x0  }
0x27e: {  	s0 =	rddreg [dreg:$0xd];
	[sflag:s7] =	ssyncadd.s32 @!p0 $0xFFFFC000  }
0x27f: {  	[hbm4b:s0+s1] =	stream.linear.scatter @!p0 [tilespmem:s4], [sflag:$0x2], $0x1C000, $0x38;
	[tilespmem:$0x1C380] =	vst v63  }
0x280: {  	_ =	swait.ge @!p0 [sflag:s3], $0x1C000  }
0x281: {  	[sflag:s3] =	ssyncset.done @!p0 $0x0  }
0x282: {  	[sflag:s3] =	ssyncadd.s32 @!p0 $0xFFFE4000  }
0x283: {  	_ =	sfence.sel $0x180000  }
0x284: {  	[bflag:$0x0] =	sbarrier.arrive $0xFFFF  }
0x285: {  	p0 =	sne.s32 s20, $0x0;
	_ =	strace $0x90000047  }
0x286: {  	s0 =	sadd.s32 @!p0 $0x100000, s21;
	[bflag:$0x2] =	sbarrier.arrive $0xFFFF  }
0x287: {  	[sflag:s0] =	ssyncadd.tile.s32 @!p0 $0x1;
	_ =	shalt  }
.LBB2_1:
.Ltmp3:
0x288: {  	(pc) =	sbr.rel .LBB2_6-.Ltmp3, $2  }
0x289: {  	_ =	sdelay $0x2  }
0x28a: {  	_ = 	snop  }
.LBB2_3:
.Ltmp4:
0x28b: {  	(pc) =	sbr.rel .LBB2_6-.Ltmp4, $2  }
0x28c: {  	_ =	sdelay $0x2  }
0x28d: {  	s20 =	stileid.u32;
	s21 =	rddreg [dreg:$0x3]  }
.Lfunc_end2:
_tile_overlayer_lowered:
.L_overlay_start_2:
0x28e: {  	(tag) =	ssettag $0x2  }
0x28f: {  	s0 =	rddreg [dreg:$0x0];
	s2 =	stileid.u32  }
0x290: {  	s1 =	rddreg [dreg:$0x1];
	p0 =	sne.s32 s2, $0x0  }
0x291: {  	s3 =	rddreg [dreg:$0x2];
	[bflag:$0x3] =	sbarrier.arrive $0xFFFF;
	s2 =	simm.s32 @!p0 $0x1C02  }
0x292: {  	[timem:s3], [sflag:s2] =	dma.local @!p0 [hbm:s0], s1  }
0x293: {  	s0 =	simm.s32 @!p0 $0x2  }
0x294: {  	_ =	swait.ge @!p0 [sflag:s0], s1  }
0x295: {  	s1 =	ssub.s32 @!p0 $0x0, s1;
	[sflag:s0] =	ssyncset.done @!p0 $0x0  }
0x296: {  	[sflag:s0] =	ssyncadd.s32 @!p0 s1  }
0x297: {  	[bflag:$0x3] =	sbarrier.arrive $0xFFFF  }
0x298: {  	_ =	shalt  }

</sc_bundles>
